<compile_context>
chip_gen: v7x
topology: tpu7x:2x2x1
jax: 0.10.2.dev20260603
libtpu: 0.0.44.dev20260713+nightly
codegen_flags: <defaults>
</compile_context>

<pallas_src>
import functools

import jax
import jax.numpy as jnp
from jax import lax
from jax.experimental import pallas as pl
from jax.experimental.pallas import tpu as pltpu
from jax.experimental.pallas import tpu_sc as plsc

_C_MM_PER_PS = 0.299792458
_N_SAMPLES = 64
_WIN = 12
_NW = 32
_LANES = 16
_PAD = 272
_RS_SEED = 1.0 / 792.0


@functools.lru_cache(maxsize=None)
def _make_proj(e, epad, nx, ny):
    ev_per_w = epad // _NW
    nreg = ev_per_w // _LANES
    npix = nx * ny
    mesh = plsc.VectorSubcoreMesh(core_axis_name="c", subcore_axis_name="s")

    @functools.partial(
        pl.kernel,
        out_type=jax.ShapeDtypeStruct((e,), jnp.float32),
        mesh=mesh,
        compiler_params=pltpu.CompilerParams(needs_layout_passes=False),
        scratch_types=[
            pltpu.VMEM((npix + _PAD,), jnp.float32),
        ] + [pltpu.VMEM((ev_per_w,), jnp.float32) for _ in range(9)] + [
            pltpu.VMEM((ev_per_w,), jnp.float32),
            pltpu.VMEM((3 * _LANES,), jnp.float32),
            pltpu.SemaphoreType.DMA,
        ],
    )
    def proj(img_hbm, x1l, y1l, x1r, y1r, x2l, y2l, x2r, y2r, tof, scal_hbm,
             out_hbm, img_v, e0, e1, e2, e3, e4, e5, e6, e7, e8,
             out_v, scal_v, sem):
        ev_refs = (e0, e1, e2, e3, e4, e5, e6, e7, e8)
        wid = lax.axis_index("s") * 2 + lax.axis_index("c")
        base = jnp.minimum(wid * ev_per_w, e - ev_per_w)
        sl_w = pl.ds(base, ev_per_w)
        copies = [
            pltpu.async_copy(img_hbm, img_v.at[pl.ds(0, npix)], sem),
            pltpu.async_copy(scal_hbm, scal_v, sem),
        ]
        for arr, dst in zip((x1l, y1l, x1r, y1r, x2l, y2l, x2r, y2r, tof),
                            ev_refs):
            copies.append(pltpu.async_copy(arr.at[sl_w], dst, sem))
        for cp in copies:
            cp.wait()

        inv_dx = scal_v[pl.ds(0, _LANES)]
        inv_dy = scal_v[pl.ds(_LANES, _LANES)]
        inv_sig = scal_v[pl.ds(2 * _LANES, _LANES)]

        cx = jnp.float32((nx - 1) * 0.5)
        cy = jnp.float32((ny - 1) * 0.5)
        half = jnp.float32(0.5)
        inv_n = jnp.float32(1.0 / _N_SAMPLES)
        c_tof = jnp.float32(_C_MM_PER_PS * 0.5)

        @plsc.parallel_loop(0, nreg, 1, unroll=4)
        def body(v):
            b = v * _LANES
            sl = pl.ds(b, _LANES)
            x1 = half * (e0[sl] + e2[sl])
            y1 = half * (e1[sl] + e3[sl])
            x2 = half * (e4[sl] + e6[sl])
            y2 = half * (e5[sl] + e7[sl])
            d_tof = e8[sl] * c_tof
            ux = x2 - x1
            uy = y2 - y1
            q = ux * ux + uy * uy
            r = jnp.float32(_RS_SEED)
            r = r * (jnp.float32(1.5) - half * q * r * r)
            r = r * (jnp.float32(1.5) - half * q * r * r)
            ell = q * r
            zs = ell * inv_sig
            dt_sig = d_tof * inv_sig
            kc = (half + d_tof * r) * jnp.float32(_N_SAMPLES) - half
            k0 = jnp.minimum(
                jnp.maximum(kc - jnp.float32(_WIN // 2 - 1),
                            jnp.float32(0.0)),
                jnp.float32(_N_SAMPLES - _WIN))
            k0 = k0.astype(jnp.int32).astype(jnp.float32)
            u0 = (k0 + half) * inv_n
            gx = ux * inv_dx
            gy = uy * inv_dy
            fxb = x1 * inv_dx + cx + gx * u0
            fyb = y1 * inv_dy + cy + gy * u0
            fxs = gx * inv_n
            fys = gy * inv_n
            zb = zs * u0 - (half * zs + dt_sig)
            zst = zs * inv_n
            scale = ell * inv_n
            arg = zb * zb * jnp.float32(-0.5)
            dif = (zb + half * zst) * zst * jnp.float32(-1.0)
            ddif = zst * zst * jnp.float32(-1.0)

            acc = jnp.zeros((_LANES,), jnp.float32)
            row1 = img_v.at[pl.ds(ny, npix + 2)]
            for j in range(_WIN):
                c = jnp.float32(j)
                fx = fxb + fxs * c
                fy = fyb + fys * c
                xq = fx.astype(jnp.int32)
                yq = fy.astype(jnp.int32)
                wx = fx - xq.astype(jnp.float32)
                wy = fy - yq.astype(jnp.float32)
                inb = jnp.maximum(jnp.abs(fx - cx), jnp.abs(fy - cy)) < cx
                i00 = xq * ny + yq
                i01 = i00 + 1
                v00 = plsc.load_gather(img_v, [i00], mask=inb)
                v01 = plsc.load_gather(img_v, [i01], mask=inb)
                v10 = plsc.load_gather(row1, [i00], mask=inb)
                v11 = plsc.load_gather(row1, [i01], mask=inb)
                pa = v00 + wx * (v10 - v00)
                pb = v01 + wx * (v11 - v01)
                val = pa + wy * (pb - pa)
                w = jnp.exp(arg)
                acc = acc + val * w
                arg = arg + dif
                dif = dif + ddif
            out_v[sl] = acc * scale

        pltpu.sync_copy(out_v, out_hbm.at[sl_w])

    return proj


def kernel(image, tof_value, x1l, y1l, x1r, y1r, x2l, y2l, x2r, y2r,
           time_resolution, dx, dy, nx, ny, event_num):
    e = tof_value.shape[0]
    nx_s, ny_s = image.shape
    chunk = _NW * _LANES
    epad = ((e + chunk - 1) // chunk) * chunk
    f32 = jnp.float32
    sigma = time_resolution * f32(_C_MM_PER_PS * 0.5 / 2.355) + f32(1e-6)
    scal = jnp.concatenate([
        jnp.full((_LANES,), 1.0 / dx, f32),
        jnp.full((_LANES,), 1.0 / dy, f32),
        jnp.full((_LANES,), 1.0 / sigma, f32),
    ])

    return _make_proj(e, epad, nx_s, ny_s)(
        image.reshape(-1), x1l, y1l, x1r, y1r,
        x2l, y2l, x2r, y2r, tof_value, scal)

# --- scband reference (transcript-rebuilt; emitter-appended) ---
"""Pipeline reference for scband-project-10986526343934 (READ-ONLY COPY).

The authoritative reference and input builder live on the scoring server;
editing this copy changes nothing except your own understanding.
"""

import jax, jax.numpy as jnp
import numpy as np

NX = 256
NY = 256
DX = 2.0
DY = 2.0
E = 200000
N_SAMPLES = 64
RING_R = 400.0
CRYSTAL_HALF_W = 2.0
C_MM_PER_PS = 0.299792458


def setup_inputs(seed: int = 0) -> dict:
    key = jax.random.key(seed)
    ks = jax.random.split(key, 6)
    image = jax.random.uniform(ks[0], (NX, NY), dtype=jnp.float32)
    th1 = jax.random.uniform(ks[1], (E,), minval=0.0, maxval=2.0 * np.pi)
    th2 = th1 + np.pi + jax.random.uniform(ks[2], (E,), minval=-0.4, maxval=0.4)

    def edges(th):
        cx = RING_R * jnp.cos(th)
        cy = RING_R * jnp.sin(th)
        tx = -jnp.sin(th)
        ty = jnp.cos(th)
        return ((cx - CRYSTAL_HALF_W * tx).astype(jnp.float32),
                (cy - CRYSTAL_HALF_W * ty).astype(jnp.float32),
                (cx + CRYSTAL_HALF_W * tx).astype(jnp.float32),
                (cy + CRYSTAL_HALF_W * ty).astype(jnp.float32))

    x1l, y1l, x1r, y1r = edges(th1)
    x2l, y2l, x2r, y2r = edges(th2)
    tof_value = (jax.random.normal(ks[3], (E,)) * 100.0).astype(jnp.float32)  # ps
    time_resolution = jnp.float32(400.0)  # ps FWHM
    return {
        "image": image,
        "tof_value": tof_value,
        "x1l": x1l, "y1l": y1l, "x1r": x1r, "y1r": y1r,
        "x2l": x2l, "y2l": y2l, "x2r": x2r, "y2r": y2r,
        "time_resolution": time_resolution,
        "dx": jnp.float32(DX), "dy": jnp.float32(DY),
        "nx": NX, "ny": NY, "event_num": E,
    }


def _bilinear_gather(image, px, py, dx, dy, nx, ny):
    fx = px / dx + nx * 0.5 - 0.5
    fy = py / dy + ny * 0.5 - 0.5
    x0 = jnp.floor(fx)
    y0 = jnp.floor(fy)
    wx = fx - x0
    wy = fy - y0
    x0i = x0.astype(jnp.int32)
    y0i = y0.astype(jnp.int32)
    x1i = x0i + 1
    y1i = y0i + 1
    inb = (x0i >= 0) & (x1i <= nx - 1) & (y0i >= 0) & (y1i <= ny - 1)
    x0c = jnp.clip(x0i, 0, nx - 1)
    x1c = jnp.clip(x1i, 0, nx - 1)
    y0c = jnp.clip(y0i, 0, ny - 1)
    y1c = jnp.clip(y1i, 0, ny - 1)
    flat = image.reshape(-1)

    def g(xi, yi):
        return jnp.take(flat, xi * ny + yi)

    v = ((1.0 - wx) * (1.0 - wy) * g(x0c, y0c)
         + wx * (1.0 - wy) * g(x1c, y0c)
         + (1.0 - wx) * wy * g(x0c, y1c)
         + wx * wy * g(x1c, y1c))
    return jnp.where(inb, v, 0.0)


def _project(image, tof_value, x1l, y1l, x1r, y1r, x2l, y2l, x2r, y2r,
             time_resolution, dx, dy, nx, ny):
    # crystal centers
    x1 = 0.5 * (x1l + x1r)
    y1 = 0.5 * (y1l + y1r)
    x2 = 0.5 * (x2l + x2r)
    y2 = 0.5 * (y2l + y2r)
    ux = x2 - x1
    uy = y2 - y1
    L = jnp.sqrt(ux * ux + uy * uy) + 1e-8
    t = (jnp.arange(N_SAMPLES, dtype=jnp.float32) + 0.5) / N_SAMPLES
    px = x1[:, None] + ux[:, None] * t[None, :]
    py = y1[:, None] + uy[:, None] * t[None, :]
    # signed distance of each sample from LOR midpoint (mm)
    s = (t[None, :] - 0.5) * L[:, None]
    # TOF center offset from midpoint (mm); tof_value in ps
    d_tof = tof_value * C_MM_PER_PS * 0.5
    sigma = time_resolution * C_MM_PER_PS * 0.5 / 2.355 + 1e-6
    w = jnp.exp(-0.5 * ((s - d_tof[:, None]) / sigma) ** 2)
    vals = _bilinear_gather(image, px, py, dx, dy, nx, ny)
    step = (L / N_SAMPLES)[:, None]
    return jnp.sum(vals * w * step, axis=1)


def reference(image, tof_value, x1l, y1l, x1r, y1r, x2l, y2l, x2r, y2r,
              time_resolution, dx, dy, nx, ny, event_num):
    del event_num
    return _project(image, tof_value, x1l, y1l, x1r, y1r, x2l, y2l, x2r, y2r,
                    time_resolution, dx, dy, nx, ny)

if __name__ == "__main__":
    import jax
    _d = setup_inputs()
    print(jax.jit(kernel)(*tuple(_d.values())))

</pallas_src>

<mosaic_0001>
#map = affine_map<(d0, d1) -> (0)>
module attributes {stable_mosaic.version = 14 : i64} {
  func.func @proj(%arg0: i32, %arg1: i32, %arg2: memref<65536xf32, #tpu.memory_space<hbm>>, %arg3: memref<200000xf32, #tpu.memory_space<hbm>>, %arg4: memref<200000xf32, #tpu.memory_space<hbm>>, %arg5: memref<200000xf32, #tpu.memory_space<hbm>>, %arg6: memref<200000xf32, #tpu.memory_space<hbm>>, %arg7: memref<200000xf32, #tpu.memory_space<hbm>>, %arg8: memref<200000xf32, #tpu.memory_space<hbm>>, %arg9: memref<200000xf32, #tpu.memory_space<hbm>>, %arg10: memref<200000xf32, #tpu.memory_space<hbm>>, %arg11: memref<200000xf32, #tpu.memory_space<hbm>>, %arg12: memref<48xf32, #tpu.memory_space<hbm>>, %arg13: memref<200000xf32, #tpu.memory_space<hbm>>, %arg14: memref<65808xf32, #tpu.memory_space<vmem>>, %arg15: memref<6256xf32, #tpu.memory_space<vmem>>, %arg16: memref<6256xf32, #tpu.memory_space<vmem>>, %arg17: memref<6256xf32, #tpu.memory_space<vmem>>, %arg18: memref<6256xf32, #tpu.memory_space<vmem>>, %arg19: memref<6256xf32, #tpu.memory_space<vmem>>, %arg20: memref<6256xf32, #tpu.memory_space<vmem>>, %arg21: memref<6256xf32, #tpu.memory_space<vmem>>, %arg22: memref<6256xf32, #tpu.memory_space<vmem>>, %arg23: memref<6256xf32, #tpu.memory_space<vmem>>, %arg24: memref<6256xf32, #tpu.memory_space<vmem>>, %arg25: memref<48xf32, #tpu.memory_space<vmem>>, %arg26: memref<!tpu.dma_semaphore, #tpu.memory_space<semaphore_mem>>) attributes {dimension_semantics = [#tpu.dimension_semantics<core_parallel>, #tpu.dimension_semantics<subcore_parallel>], iteration_bounds = array<i64: 2, 16>, scalar_prefetch = 0 : i64, scratch_operands = 13 : i64, tpu.core_type = #tpu.core_type<sc_vector_subcore>, window_params = [{transform_indices = #map}, {transform_indices = #map}, {transform_indices = #map}, {transform_indices = #map}, {transform_indices = #map}, {transform_indices = #map}, {transform_indices = #map}, {transform_indices = #map}, {transform_indices = #map}, {transform_indices = #map}, {transform_indices = #map}, {transform_indices = #map}]} {
    %mul3A = arith.constant 2 : i32
    %mul3A_0 = arith.muli %arg1, %mul3A : i32
    %add3A = arith.addi %mul3A_0, %arg0 : i32
    %mul3A_1 = arith.constant 6256 : i32
    %mul3A_2 = arith.muli %add3A, %mul3A_1 : i32
    %min3A = arith.constant 193744 : i32
    %min3A_3 = arith.minsi %mul3A_2, %min3A : i32
    %dma_start3A = arith.constant 0 : i32
    %dma_start3A_4 = tpu.memref_slice %arg14[%dma_start3A] : memref<65808xf32, #tpu.memory_space<vmem>> -> memref<65536xf32, #tpu.memory_space<vmem>>
    %dma_start3A_5 = arith.constant 0 : i32
    %dma_start3A_6 = tpu.memref_slice %arg14[%dma_start3A_5] : memref<65808xf32, #tpu.memory_space<vmem>> -> memref<65536xf32, #tpu.memory_space<vmem>>
    tpu.enqueue_dma source(%arg2 : memref<65536xf32, #tpu.memory_space<hbm>>) target(%dma_start3A_6 : memref<65536xf32, #tpu.memory_space<vmem>>) target_semaphore(%arg26 : memref<!tpu.dma_semaphore, #tpu.memory_space<semaphore_mem>>)
    tpu.enqueue_dma source(%arg12 : memref<48xf32, #tpu.memory_space<hbm>>) target(%arg25 : memref<48xf32, #tpu.memory_space<vmem>>) target_semaphore(%arg26 : memref<!tpu.dma_semaphore, #tpu.memory_space<semaphore_mem>>)
    %dma_start3A_7 = tpu.memref_slice %arg3[%min3A_3] : memref<200000xf32, #tpu.memory_space<hbm>> -> memref<6256xf32, #tpu.memory_space<hbm>>
    %dma_start3A_8 = tpu.memref_slice %arg3[%min3A_3] : memref<200000xf32, #tpu.memory_space<hbm>> -> memref<6256xf32, #tpu.memory_space<hbm>>
    tpu.enqueue_dma source(%dma_start3A_8 : memref<6256xf32, #tpu.memory_space<hbm>>) target(%arg15 : memref<6256xf32, #tpu.memory_space<vmem>>) target_semaphore(%arg26 : memref<!tpu.dma_semaphore, #tpu.memory_space<semaphore_mem>>)
    %dma_start3A_9 = tpu.memref_slice %arg4[%min3A_3] : memref<200000xf32, #tpu.memory_space<hbm>> -> memref<6256xf32, #tpu.memory_space<hbm>>
    %dma_start3A_10 = tpu.memref_slice %arg4[%min3A_3] : memref<200000xf32, #tpu.memory_space<hbm>> -> memref<6256xf32, #tpu.memory_space<hbm>>
    tpu.enqueue_dma source(%dma_start3A_10 : memref<6256xf32, #tpu.memory_space<hbm>>) target(%arg16 : memref<6256xf32, #tpu.memory_space<vmem>>) target_semaphore(%arg26 : memref<!tpu.dma_semaphore, #tpu.memory_space<semaphore_mem>>)
    %dma_start3A_11 = tpu.memref_slice %arg5[%min3A_3] : memref<200000xf32, #tpu.memory_space<hbm>> -> memref<6256xf32, #tpu.memory_space<hbm>>
    %dma_start3A_12 = tpu.memref_slice %arg5[%min3A_3] : memref<200000xf32, #tpu.memory_space<hbm>> -> memref<6256xf32, #tpu.memory_space<hbm>>
    tpu.enqueue_dma source(%dma_start3A_12 : memref<6256xf32, #tpu.memory_space<hbm>>) target(%arg17 : memref<6256xf32, #tpu.memory_space<vmem>>) target_semaphore(%arg26 : memref<!tpu.dma_semaphore, #tpu.memory_space<semaphore_mem>>)
    %dma_start3A_13 = tpu.memref_slice %arg6[%min3A_3] : memref<200000xf32, #tpu.memory_space<hbm>> -> memref<6256xf32, #tpu.memory_space<hbm>>
    %dma_start3A_14 = tpu.memref_slice %arg6[%min3A_3] : memref<200000xf32, #tpu.memory_space<hbm>> -> memref<6256xf32, #tpu.memory_space<hbm>>
    tpu.enqueue_dma source(%dma_start3A_14 : memref<6256xf32, #tpu.memory_space<hbm>>) target(%arg18 : memref<6256xf32, #tpu.memory_space<vmem>>) target_semaphore(%arg26 : memref<!tpu.dma_semaphore, #tpu.memory_space<semaphore_mem>>)
    %dma_start3A_15 = tpu.memref_slice %arg7[%min3A_3] : memref<200000xf32, #tpu.memory_space<hbm>> -> memref<6256xf32, #tpu.memory_space<hbm>>
    %dma_start3A_16 = tpu.memref_slice %arg7[%min3A_3] : memref<200000xf32, #tpu.memory_space<hbm>> -> memref<6256xf32, #tpu.memory_space<hbm>>
    tpu.enqueue_dma source(%dma_start3A_16 : memref<6256xf32, #tpu.memory_space<hbm>>) target(%arg19 : memref<6256xf32, #tpu.memory_space<vmem>>) target_semaphore(%arg26 : memref<!tpu.dma_semaphore, #tpu.memory_space<semaphore_mem>>)
    %dma_start3A_17 = tpu.memref_slice %arg8[%min3A_3] : memref<200000xf32, #tpu.memory_space<hbm>> -> memref<6256xf32, #tpu.memory_space<hbm>>
    %dma_start3A_18 = tpu.memref_slice %arg8[%min3A_3] : memref<200000xf32, #tpu.memory_space<hbm>> -> memref<6256xf32, #tpu.memory_space<hbm>>
    tpu.enqueue_dma source(%dma_start3A_18 : memref<6256xf32, #tpu.memory_space<hbm>>) target(%arg20 : memref<6256xf32, #tpu.memory_space<vmem>>) target_semaphore(%arg26 : memref<!tpu.dma_semaphore, #tpu.memory_space<semaphore_mem>>)
    %dma_start3A_19 = tpu.memref_slice %arg9[%min3A_3] : memref<200000xf32, #tpu.memory_space<hbm>> -> memref<6256xf32, #tpu.memory_space<hbm>>
    %dma_start3A_20 = tpu.memref_slice %arg9[%min3A_3] : memref<200000xf32, #tpu.memory_space<hbm>> -> memref<6256xf32, #tpu.memory_space<hbm>>
    tpu.enqueue_dma source(%dma_start3A_20 : memref<6256xf32, #tpu.memory_space<hbm>>) target(%arg21 : memref<6256xf32, #tpu.memory_space<vmem>>) target_semaphore(%arg26 : memref<!tpu.dma_semaphore, #tpu.memory_space<semaphore_mem>>)
    %dma_start3A_21 = tpu.memref_slice %arg10[%min3A_3] : memref<200000xf32, #tpu.memory_space<hbm>> -> memref<6256xf32, #tpu.memory_space<hbm>>
    %dma_start3A_22 = tpu.memref_slice %arg10[%min3A_3] : memref<200000xf32, #tpu.memory_space<hbm>> -> memref<6256xf32, #tpu.memory_space<hbm>>
    tpu.enqueue_dma source(%dma_start3A_22 : memref<6256xf32, #tpu.memory_space<hbm>>) target(%arg22 : memref<6256xf32, #tpu.memory_space<vmem>>) target_semaphore(%arg26 : memref<!tpu.dma_semaphore, #tpu.memory_space<semaphore_mem>>)
    %dma_start3A_23 = tpu.memref_slice %arg11[%min3A_3] : memref<200000xf32, #tpu.memory_space<hbm>> -> memref<6256xf32, #tpu.memory_space<hbm>>
    %dma_start3A_24 = tpu.memref_slice %arg11[%min3A_3] : memref<200000xf32, #tpu.memory_space<hbm>> -> memref<6256xf32, #tpu.memory_space<hbm>>
    tpu.enqueue_dma source(%dma_start3A_24 : memref<6256xf32, #tpu.memory_space<hbm>>) target(%arg23 : memref<6256xf32, #tpu.memory_space<vmem>>) target_semaphore(%arg26 : memref<!tpu.dma_semaphore, #tpu.memory_space<semaphore_mem>>)
    %dma_wait3A = arith.constant 0 : i32
    %dma_wait3A_25 = tpu.memref_slice %arg14[%dma_wait3A] : memref<65808xf32, #tpu.memory_space<vmem>> -> memref<65536xf32, #tpu.memory_space<vmem>>
    %dma_wait3A_26 = arith.constant 0 : i32
    %dma_wait3A_27 = tpu.memref_slice %arg14[%dma_wait3A_26] : memref<65808xf32, #tpu.memory_space<vmem>> -> memref<65536xf32, #tpu.memory_space<vmem>>
    tpu.wait_dma2 semaphore(%arg26 : memref<!tpu.dma_semaphore, #tpu.memory_space<semaphore_mem>>) src(%arg2 : memref<65536xf32, #tpu.memory_space<hbm>>) dst(%dma_wait3A_27 : memref<65536xf32, #tpu.memory_space<vmem>>)
    tpu.wait_dma2 semaphore(%arg26 : memref<!tpu.dma_semaphore, #tpu.memory_space<semaphore_mem>>) src(%arg12 : memref<48xf32, #tpu.memory_space<hbm>>) dst(%arg25 : memref<48xf32, #tpu.memory_space<vmem>>)
    %dma_wait3A_28 = tpu.memref_slice %arg3[%min3A_3] : memref<200000xf32, #tpu.memory_space<hbm>> -> memref<6256xf32, #tpu.memory_space<hbm>>
    %dma_wait3A_29 = tpu.memref_slice %arg3[%min3A_3] : memref<200000xf32, #tpu.memory_space<hbm>> -> memref<6256xf32, #tpu.memory_space<hbm>>
    tpu.wait_dma2 semaphore(%arg26 : memref<!tpu.dma_semaphore, #tpu.memory_space<semaphore_mem>>) src(%dma_wait3A_29 : memref<6256xf32, #tpu.memory_space<hbm>>) dst(%arg15 : memref<6256xf32, #tpu.memory_space<vmem>>)
    %dma_wait3A_30 = tpu.memref_slice %arg4[%min3A_3] : memref<200000xf32, #tpu.memory_space<hbm>> -> memref<6256xf32, #tpu.memory_space<hbm>>
    %dma_wait3A_31 = tpu.memref_slice %arg4[%min3A_3] : memref<200000xf32, #tpu.memory_space<hbm>> -> memref<6256xf32, #tpu.memory_space<hbm>>
    tpu.wait_dma2 semaphore(%arg26 : memref<!tpu.dma_semaphore, #tpu.memory_space<semaphore_mem>>) src(%dma_wait3A_31 : memref<6256xf32, #tpu.memory_space<hbm>>) dst(%arg16 : memref<6256xf32, #tpu.memory_space<vmem>>)
    %dma_wait3A_32 = tpu.memref_slice %arg5[%min3A_3] : memref<200000xf32, #tpu.memory_space<hbm>> -> memref<6256xf32, #tpu.memory_space<hbm>>
    %dma_wait3A_33 = tpu.memref_slice %arg5[%min3A_3] : memref<200000xf32, #tpu.memory_space<hbm>> -> memref<6256xf32, #tpu.memory_space<hbm>>
    tpu.wait_dma2 semaphore(%arg26 : memref<!tpu.dma_semaphore, #tpu.memory_space<semaphore_mem>>) src(%dma_wait3A_33 : memref<6256xf32, #tpu.memory_space<hbm>>) dst(%arg17 : memref<6256xf32, #tpu.memory_space<vmem>>)
    %dma_wait3A_34 = tpu.memref_slice %arg6[%min3A_3] : memref<200000xf32, #tpu.memory_space<hbm>> -> memref<6256xf32, #tpu.memory_space<hbm>>
    %dma_wait3A_35 = tpu.memref_slice %arg6[%min3A_3] : memref<200000xf32, #tpu.memory_space<hbm>> -> memref<6256xf32, #tpu.memory_space<hbm>>
    tpu.wait_dma2 semaphore(%arg26 : memref<!tpu.dma_semaphore, #tpu.memory_space<semaphore_mem>>) src(%dma_wait3A_35 : memref<6256xf32, #tpu.memory_space<hbm>>) dst(%arg18 : memref<6256xf32, #tpu.memory_space<vmem>>)
    %dma_wait3A_36 = tpu.memref_slice %arg7[%min3A_3] : memref<200000xf32, #tpu.memory_space<hbm>> -> memref<6256xf32, #tpu.memory_space<hbm>>
    %dma_wait3A_37 = tpu.memref_slice %arg7[%min3A_3] : memref<200000xf32, #tpu.memory_space<hbm>> -> memref<6256xf32, #tpu.memory_space<hbm>>
    tpu.wait_dma2 semaphore(%arg26 : memref<!tpu.dma_semaphore, #tpu.memory_space<semaphore_mem>>) src(%dma_wait3A_37 : memref<6256xf32, #tpu.memory_space<hbm>>) dst(%arg19 : memref<6256xf32, #tpu.memory_space<vmem>>)
    %dma_wait3A_38 = tpu.memref_slice %arg8[%min3A_3] : memref<200000xf32, #tpu.memory_space<hbm>> -> memref<6256xf32, #tpu.memory_space<hbm>>
    %dma_wait3A_39 = tpu.memref_slice %arg8[%min3A_3] : memref<200000xf32, #tpu.memory_space<hbm>> -> memref<6256xf32, #tpu.memory_space<hbm>>
    tpu.wait_dma2 semaphore(%arg26 : memref<!tpu.dma_semaphore, #tpu.memory_space<semaphore_mem>>) src(%dma_wait3A_39 : memref<6256xf32, #tpu.memory_space<hbm>>) dst(%arg20 : memref<6256xf32, #tpu.memory_space<vmem>>)
    %dma_wait3A_40 = tpu.memref_slice %arg9[%min3A_3] : memref<200000xf32, #tpu.memory_space<hbm>> -> memref<6256xf32, #tpu.memory_space<hbm>>
    %dma_wait3A_41 = tpu.memref_slice %arg9[%min3A_3] : memref<200000xf32, #tpu.memory_space<hbm>> -> memref<6256xf32, #tpu.memory_space<hbm>>
    tpu.wait_dma2 semaphore(%arg26 : memref<!tpu.dma_semaphore, #tpu.memory_space<semaphore_mem>>) src(%dma_wait3A_41 : memref<6256xf32, #tpu.memory_space<hbm>>) dst(%arg21 : memref<6256xf32, #tpu.memory_space<vmem>>)
    %dma_wait3A_42 = tpu.memref_slice %arg10[%min3A_3] : memref<200000xf32, #tpu.memory_space<hbm>> -> memref<6256xf32, #tpu.memory_space<hbm>>
    %dma_wait3A_43 = tpu.memref_slice %arg10[%min3A_3] : memref<200000xf32, #tpu.memory_space<hbm>> -> memref<6256xf32, #tpu.memory_space<hbm>>
    tpu.wait_dma2 semaphore(%arg26 : memref<!tpu.dma_semaphore, #tpu.memory_space<semaphore_mem>>) src(%dma_wait3A_43 : memref<6256xf32, #tpu.memory_space<hbm>>) dst(%arg22 : memref<6256xf32, #tpu.memory_space<vmem>>)
    %dma_wait3A_44 = tpu.memref_slice %arg11[%min3A_3] : memref<200000xf32, #tpu.memory_space<hbm>> -> memref<6256xf32, #tpu.memory_space<hbm>>
    %dma_wait3A_45 = tpu.memref_slice %arg11[%min3A_3] : memref<200000xf32, #tpu.memory_space<hbm>> -> memref<6256xf32, #tpu.memory_space<hbm>>
    tpu.wait_dma2 semaphore(%arg26 : memref<!tpu.dma_semaphore, #tpu.memory_space<semaphore_mem>>) src(%dma_wait3A_45 : memref<6256xf32, #tpu.memory_space<hbm>>) dst(%arg23 : memref<6256xf32, #tpu.memory_space<vmem>>)
    %get3A = arith.constant 0 : index
    %get3A_46 = tpu.vector_load %arg25[%get3A] {strides = array<i32>} : memref<48xf32, #tpu.memory_space<vmem>>, vector<16xf32>,
    %get3A_47 = arith.constant 16 : index
    %get3A_48 = tpu.vector_load %arg25[%get3A_47] {strides = array<i32>} : memref<48xf32, #tpu.memory_space<vmem>>, vector<16xf32>,
    %get3A_49 = arith.constant 32 : index
    %get3A_50 = tpu.vector_load %arg25[%get3A_49] {strides = array<i32>} : memref<48xf32, #tpu.memory_space<vmem>>, vector<16xf32>,
    %parallel_loop3A = arith.constant 0 : i32
    %parallel_loop3A_51 = arith.constant 391 : i32
    %parallel_loop3A_52 = arith.constant 1 : i32
    %parallel_loop3A_53 = arith.constant 5.000000e-01 : f32
    %parallel_loop3A_54 = arith.constant 0.149896234 : f32
    %parallel_loop3A_55 = arith.constant 1.562500e-02 : f32
    %parallel_loop3A_56 = arith.constant 1.275000e+02 : f32
    %parallel_loop3A_57 = arith.constant 1.275000e+02 : f32
    scf.for %parallel_loop3A_58 = %parallel_loop3A to %parallel_loop3A_51 step %parallel_loop3A_52  : i32 {
      %parallel_loop3A_59 = arith.constant 16 : i32
      %parallel_loop3A_60 = arith.muli %parallel_loop3A_58, %parallel_loop3A_59 : i32
      %parallel_loop3A_61 = arith.index_cast %parallel_loop3A_60 : i32 to index
      %parallel_loop3A_62 = tpu.vector_load %arg15[%parallel_loop3A_61] {strides = array<i32>} : memref<6256xf32, #tpu.memory_space<vmem>>, vector<16xf32>,
      %parallel_loop3A_63 = arith.index_cast %parallel_loop3A_60 : i32 to index
      %parallel_loop3A_64 = tpu.vector_load %arg17[%parallel_loop3A_63] {strides = array<i32>} : memref<6256xf32, #tpu.memory_space<vmem>>, vector<16xf32>,
      %parallel_loop3A_65 = arith.addf %parallel_loop3A_62, %parallel_loop3A_64 : vector<16xf32>
      %parallel_loop3A_66 = vector.broadcast %parallel_loop3A_53 : f32 to vector<16xf32>
      %parallel_loop3A_67 = arith.mulf %parallel_loop3A_66, %parallel_loop3A_65 : vector<16xf32>
      %parallel_loop3A_68 = arith.index_cast %parallel_loop3A_60 : i32 to index
      %parallel_loop3A_69 = tpu.vector_load %arg16[%parallel_loop3A_68] {strides = array<i32>} : memref<6256xf32, #tpu.memory_space<vmem>>, vector<16xf32>,
      %parallel_loop3A_70 = arith.index_cast %parallel_loop3A_60 : i32 to index
      %parallel_loop3A_71 = tpu.vector_load %arg18[%parallel_loop3A_70] {strides = array<i32>} : memref<6256xf32, #tpu.memory_space<vmem>>, vector<16xf32>,
      %parallel_loop3A_72 = arith.addf %parallel_loop3A_69, %parallel_loop3A_71 : vector<16xf32>
      %parallel_loop3A_73 = vector.broadcast %parallel_loop3A_53 : f32 to vector<16xf32>
      %parallel_loop3A_74 = arith.mulf %parallel_loop3A_73, %parallel_loop3A_72 : vector<16xf32>
      %parallel_loop3A_75 = arith.index_cast %parallel_loop3A_60 : i32 to index
      %parallel_loop3A_76 = tpu.vector_load %arg19[%parallel_loop3A_75] {strides = array<i32>} : memref<6256xf32, #tpu.memory_space<vmem>>, vector<16xf32>,
      %parallel_loop3A_77 = arith.index_cast %parallel_loop3A_60 : i32 to index
      %parallel_loop3A_78 = tpu.vector_load %arg21[%parallel_loop3A_77] {strides = array<i32>} : memref<6256xf32, #tpu.memory_space<vmem>>, vector<16xf32>,
      %parallel_loop3A_79 = arith.addf %parallel_loop3A_76, %parallel_loop3A_78 : vector<16xf32>
      %parallel_loop3A_80 = vector.broadcast %parallel_loop3A_53 : f32 to vector<16xf32>
      %parallel_loop3A_81 = arith.mulf %parallel_loop3A_80, %parallel_loop3A_79 : vector<16xf32>
      %parallel_loop3A_82 = arith.index_cast %parallel_loop3A_60 : i32 to index
      %parallel_loop3A_83 = tpu.vector_load %arg20[%parallel_loop3A_82] {strides = array<i32>} : memref<6256xf32, #tpu.memory_space<vmem>>, vector<16xf32>,
      %parallel_loop3A_84 = arith.index_cast %parallel_loop3A_60 : i32 to index
      %parallel_loop3A_85 = tpu.vector_load %arg22[%parallel_loop3A_84] {strides = array<i32>} : memref<6256xf32, #tpu.memory_space<vmem>>, vector<16xf32>,
      %parallel_loop3A_86 = arith.addf %parallel_loop3A_83, %parallel_loop3A_85 : vector<16xf32>
      %parallel_loop3A_87 = vector.broadcast %parallel_loop3A_53 : f32 to vector<16xf32>
      %parallel_loop3A_88 = arith.mulf %parallel_loop3A_87, %parallel_loop3A_86 : vector<16xf32>
      %parallel_loop3A_89 = arith.index_cast %parallel_loop3A_60 : i32 to index
      %parallel_loop3A_90 = tpu.vector_load %arg23[%parallel_loop3A_89] {strides = array<i32>} : memref<6256xf32, #tpu.memory_space<vmem>>, vector<16xf32>,
      %parallel_loop3A_91 = vector.broadcast %parallel_loop3A_54 : f32 to vector<16xf32>
      %parallel_loop3A_92 = arith.mulf %parallel_loop3A_90, %parallel_loop3A_91 : vector<16xf32>
      %parallel_loop3A_93 = arith.subf %parallel_loop3A_81, %parallel_loop3A_67 : vector<16xf32>
      %parallel_loop3A_94 = arith.subf %parallel_loop3A_88, %parallel_loop3A_74 : vector<16xf32>
      %parallel_loop3A_95 = arith.mulf %parallel_loop3A_93, %parallel_loop3A_93 : vector<16xf32>
      %parallel_loop3A_96 = arith.mulf %parallel_loop3A_94, %parallel_loop3A_94 : vector<16xf32>
      %parallel_loop3A_97 = arith.addf %parallel_loop3A_95, %parallel_loop3A_96 : vector<16xf32>
      %parallel_loop3A_98 = vector.broadcast %parallel_loop3A_53 : f32 to vector<16xf32>
      %parallel_loop3A_99 = arith.mulf %parallel_loop3A_98, %parallel_loop3A_97 : vector<16xf32>
      %parallel_loop3A_100 = arith.constant 0.00126262626 : f32
      %parallel_loop3A_101 = vector.broadcast %parallel_loop3A_100 : f32 to vector<16xf32>
      %parallel_loop3A_102 = arith.mulf %parallel_loop3A_99, %parallel_loop3A_101 : vector<16xf32>
      %parallel_loop3A_103 = arith.constant 0.00126262626 : f32
      %parallel_loop3A_104 = vector.broadcast %parallel_loop3A_103 : f32 to vector<16xf32>
      %parallel_loop3A_105 = arith.mulf %parallel_loop3A_102, %parallel_loop3A_104 : vector<16xf32>
      %parallel_loop3A_106 = arith.constant 1.500000e+00 : f32
      %parallel_loop3A_107 = vector.broadcast %parallel_loop3A_106 : f32 to vector<16xf32>
      %parallel_loop3A_108 = arith.subf %parallel_loop3A_107, %parallel_loop3A_105 : vector<16xf32>
      %parallel_loop3A_109 = arith.constant 0.00126262626 : f32
      %parallel_loop3A_110 = vector.broadcast %parallel_loop3A_109 : f32 to vector<16xf32>
      %parallel_loop3A_111 = arith.mulf %parallel_loop3A_110, %parallel_loop3A_108 : vector<16xf32>
      %parallel_loop3A_112 = vector.broadcast %parallel_loop3A_53 : f32 to vector<16xf32>
      %parallel_loop3A_113 = arith.mulf %parallel_loop3A_112, %parallel_loop3A_97 : vector<16xf32>
      %parallel_loop3A_114 = arith.mulf %parallel_loop3A_113, %parallel_loop3A_111 : vector<16xf32>
      %parallel_loop3A_115 = arith.mulf %parallel_loop3A_114, %parallel_loop3A_111 : vector<16xf32>
      %parallel_loop3A_116 = arith.constant 1.500000e+00 : f32
      %parallel_loop3A_117 = vector.broadcast %parallel_loop3A_116 : f32 to vector<16xf32>
      %parallel_loop3A_118 = arith.subf %parallel_loop3A_117, %parallel_loop3A_115 : vector<16xf32>
      %parallel_loop3A_119 = arith.mulf %parallel_loop3A_111, %parallel_loop3A_118 : vector<16xf32>
      %parallel_loop3A_120 = arith.mulf %parallel_loop3A_97, %parallel_loop3A_119 : vector<16xf32>
      %parallel_loop3A_121 = arith.mulf %parallel_loop3A_120, %get3A_50 : vector<16xf32>
      %parallel_loop3A_122 = arith.mulf %parallel_loop3A_92, %get3A_50 : vector<16xf32>
      %parallel_loop3A_123 = arith.mulf %parallel_loop3A_92, %parallel_loop3A_119 : vector<16xf32>
      %parallel_loop3A_124 = vector.broadcast %parallel_loop3A_53 : f32 to vector<16xf32>
      %parallel_loop3A_125 = arith.addf %parallel_loop3A_124, %parallel_loop3A_123 : vector<16xf32>
      %parallel_loop3A_126 = arith.constant 6.400000e+01 : f32
      %parallel_loop3A_127 = vector.broadcast %parallel_loop3A_126 : f32 to vector<16xf32>
      %parallel_loop3A_128 = arith.mulf %parallel_loop3A_125, %parallel_loop3A_127 : vector<16xf32>
      %parallel_loop3A_129 = vector.broadcast %parallel_loop3A_53 : f32 to vector<16xf32>
      %parallel_loop3A_130 = arith.subf %parallel_loop3A_128, %parallel_loop3A_129 : vector<16xf32>
      %parallel_loop3A_131 = arith.constant 5.000000e+00 : f32
      %parallel_loop3A_132 = vector.broadcast %parallel_loop3A_131 : f32 to vector<16xf32>
      %parallel_loop3A_133 = arith.subf %parallel_loop3A_130, %parallel_loop3A_132 : vector<16xf32>
      %parallel_loop3A_134 = arith.constant 0.000000e+00 : f32
      %parallel_loop3A_135 = vector.broadcast %parallel_loop3A_134 : f32 to vector<16xf32>
      %parallel_loop3A_136 = arith.maximumf %parallel_loop3A_133, %parallel_loop3A_135 : vector<16xf32>
      %parallel_loop3A_137 = arith.constant 5.200000e+01 : f32
      %parallel_loop3A_138 = vector.broadcast %parallel_loop3A_137 : f32 to vector<16xf32>
      %parallel_loop3A_139 = arith.minimumf %parallel_loop3A_136, %parallel_loop3A_138 : vector<16xf32>
      %parallel_loop3A_140 = arith.fptosi %parallel_loop3A_139 : vector<16xf32> to vector<16xi32>
      %parallel_loop3A_141 = arith.sitofp %parallel_loop3A_140 : vector<16xi32> to vector<16xf32>
      %parallel_loop3A_142 = vector.broadcast %parallel_loop3A_53 : f32 to vector<16xf32>
      %parallel_loop3A_143 = arith.addf %parallel_loop3A_141, %parallel_loop3A_142 : vector<16xf32>
      %parallel_loop3A_144 = vector.broadcast %parallel_loop3A_55 : f32 to vector<16xf32>
      %parallel_loop3A_145 = arith.mulf %parallel_loop3A_143, %parallel_loop3A_144 : vector<16xf32>
      %parallel_loop3A_146 = arith.mulf %parallel_loop3A_93, %get3A_46 : vector<16xf32>
      %parallel_loop3A_147 = arith.mulf %parallel_loop3A_94, %get3A_48 : vector<16xf32>
      %parallel_loop3A_148 = arith.mulf %parallel_loop3A_67, %get3A_46 : vector<16xf32>
      %parallel_loop3A_149 = vector.broadcast %parallel_loop3A_56 : f32 to vector<16xf32>
      %parallel_loop3A_150 = arith.addf %parallel_loop3A_148, %parallel_loop3A_149 : vector<16xf32>
      %parallel_loop3A_151 = arith.mulf %parallel_loop3A_146, %parallel_loop3A_145 : vector<16xf32>
      %parallel_loop3A_152 = arith.addf %parallel_loop3A_150, %parallel_loop3A_151 : vector<16xf32>
      %parallel_loop3A_153 = arith.mulf %parallel_loop3A_74, %get3A_48 : vector<16xf32>
      %parallel_loop3A_154 = vector.broadcast %parallel_loop3A_57 : f32 to vector<16xf32>
      %parallel_loop3A_155 = arith.addf %parallel_loop3A_153, %parallel_loop3A_154 : vector<16xf32>
      %parallel_loop3A_156 = arith.mulf %parallel_loop3A_147, %parallel_loop3A_145 : vector<16xf32>
      %parallel_loop3A_157 = arith.addf %parallel_loop3A_155, %parallel_loop3A_156 : vector<16xf32>
      %parallel_loop3A_158 = vector.broadcast %parallel_loop3A_55 : f32 to vector<16xf32>
      %parallel_loop3A_159 = arith.mulf %parallel_loop3A_146, %parallel_loop3A_158 : vector<16xf32>
      %parallel_loop3A_160 = vector.broadcast %parallel_loop3A_55 : f32 to vector<16xf32>
      %parallel_loop3A_161 = arith.mulf %parallel_loop3A_147, %parallel_loop3A_160 : vector<16xf32>
      %parallel_loop3A_162 = arith.mulf %parallel_loop3A_121, %parallel_loop3A_145 : vector<16xf32>
      %parallel_loop3A_163 = vector.broadcast %parallel_loop3A_53 : f32 to vector<16xf32>
      %parallel_loop3A_164 = arith.mulf %parallel_loop3A_163, %parallel_loop3A_121 : vector<16xf32>
      %parallel_loop3A_165 = arith.addf %parallel_loop3A_164, %parallel_loop3A_122 : vector<16xf32>
      %parallel_loop3A_166 = arith.subf %parallel_loop3A_162, %parallel_loop3A_165 : vector<16xf32>
      %parallel_loop3A_167 = vector.broadcast %parallel_loop3A_55 : f32 to vector<16xf32>
      %parallel_loop3A_168 = arith.mulf %parallel_loop3A_121, %parallel_loop3A_167 : vector<16xf32>
      %parallel_loop3A_169 = vector.broadcast %parallel_loop3A_55 : f32 to vector<16xf32>
      %parallel_loop3A_170 = arith.mulf %parallel_loop3A_120, %parallel_loop3A_169 : vector<16xf32>
      %parallel_loop3A_171 = arith.mulf %parallel_loop3A_166, %parallel_loop3A_166 : vector<16xf32>
      %parallel_loop3A_172 = arith.constant -5.000000e-01 : f32
      %parallel_loop3A_173 = vector.broadcast %parallel_loop3A_172 : f32 to vector<16xf32>
      %parallel_loop3A_174 = arith.mulf %parallel_loop3A_171, %parallel_loop3A_173 : vector<16xf32>
      %parallel_loop3A_175 = vector.broadcast %parallel_loop3A_53 : f32 to vector<16xf32>
      %parallel_loop3A_176 = arith.mulf %parallel_loop3A_175, %parallel_loop3A_168 : vector<16xf32>
      %parallel_loop3A_177 = arith.addf %parallel_loop3A_166, %parallel_loop3A_176 : vector<16xf32>
      %parallel_loop3A_178 = arith.mulf %parallel_loop3A_177, %parallel_loop3A_168 : vector<16xf32>
      %parallel_loop3A_179 = arith.constant -1.000000e+00 : f32
      %parallel_loop3A_180 = vector.broadcast %parallel_loop3A_179 : f32 to vector<16xf32>
      %parallel_loop3A_181 = arith.mulf %parallel_loop3A_178, %parallel_loop3A_180 : vector<16xf32>
      %parallel_loop3A_182 = arith.mulf %parallel_loop3A_168, %parallel_loop3A_168 : vector<16xf32>
      %parallel_loop3A_183 = arith.constant -1.000000e+00 : f32
      %parallel_loop3A_184 = vector.broadcast %parallel_loop3A_183 : f32 to vector<16xf32>
      %parallel_loop3A_185 = arith.mulf %parallel_loop3A_182, %parallel_loop3A_184 : vector<16xf32>
      %parallel_loop3A_186 = arith.constant 0.000000e+00 : f32
      %parallel_loop3A_187 = vector.broadcast %parallel_loop3A_186 : f32 to vector<16xf32>
      %parallel_loop3A_188 = arith.constant 0.000000e+00 : f32
      %parallel_loop3A_189 = vector.broadcast %parallel_loop3A_188 : f32 to vector<16xf32>
      %parallel_loop3A_190 = arith.mulf %parallel_loop3A_159, %parallel_loop3A_189 : vector<16xf32>
      %parallel_loop3A_191 = arith.addf %parallel_loop3A_152, %parallel_loop3A_190 : vector<16xf32>
      %parallel_loop3A_192 = arith.constant 0.000000e+00 : f32
      %parallel_loop3A_193 = vector.broadcast %parallel_loop3A_192 : f32 to vector<16xf32>
      %parallel_loop3A_194 = arith.mulf %parallel_loop3A_161, %parallel_loop3A_193 : vector<16xf32>
      %parallel_loop3A_195 = arith.addf %parallel_loop3A_157, %parallel_loop3A_194 : vector<16xf32>
      %parallel_loop3A_196 = arith.fptosi %parallel_loop3A_191 : vector<16xf32> to vector<16xi32>
      %parallel_loop3A_197 = arith.fptosi %parallel_loop3A_195 : vector<16xf32> to vector<16xi32>
      %parallel_loop3A_198 = arith.sitofp %parallel_loop3A_196 : vector<16xi32> to vector<16xf32>
      %parallel_loop3A_199 = arith.subf %parallel_loop3A_191, %parallel_loop3A_198 : vector<16xf32>
      %parallel_loop3A_200 = arith.sitofp %parallel_loop3A_197 : vector<16xi32> to vector<16xf32>
      %parallel_loop3A_201 = arith.subf %parallel_loop3A_195, %parallel_loop3A_200 : vector<16xf32>
      %parallel_loop3A_202 = vector.broadcast %parallel_loop3A_56 : f32 to vector<16xf32>
      %parallel_loop3A_203 = arith.subf %parallel_loop3A_191, %parallel_loop3A_202 : vector<16xf32>
      %parallel_loop3A_204 = math.absf %parallel_loop3A_203 : vector<16xf32>
      %parallel_loop3A_205 = vector.broadcast %parallel_loop3A_57 : f32 to vector<16xf32>
      %parallel_loop3A_206 = arith.subf %parallel_loop3A_195, %parallel_loop3A_205 : vector<16xf32>
      %parallel_loop3A_207 = math.absf %parallel_loop3A_206 : vector<16xf32>
      %parallel_loop3A_208 = arith.maximumf %parallel_loop3A_204, %parallel_loop3A_207 : vector<16xf32>
      %parallel_loop3A_209 = vector.broadcast %parallel_loop3A_56 : f32 to vector<16xf32>
      %parallel_loop3A_210 = arith.cmpf olt, %parallel_loop3A_208, %parallel_loop3A_209 : vector<16xf32>
      %parallel_loop3A_211 = arith.constant 256 : i32
      %parallel_loop3A_212 = vector.broadcast %parallel_loop3A_211 : i32 to vector<16xi32>
      %parallel_loop3A_213 = arith.muli %parallel_loop3A_196, %parallel_loop3A_212 : vector<16xi32>
      %parallel_loop3A_214 = arith.addi %parallel_loop3A_213, %parallel_loop3A_197 : vector<16xi32>
      %parallel_loop3A_215 = arith.constant 1 : i32
      %parallel_loop3A_216 = vector.broadcast %parallel_loop3A_215 : i32 to vector<16xi32>
      %parallel_loop3A_217 = arith.addi %parallel_loop3A_214, %parallel_loop3A_216 : vector<16xi32>
      %parallel_loop3A_218 = tpu.vector_load_idx %arg14[%parallel_loop3A_214] masked %parallel_loop3A_210 : memref<65808xf32, #tpu.memory_space<vmem>>[vector<16xi32>], vector<16xf32>, vector<16xi1>
      %parallel_loop3A_219 = tpu.vector_load_idx %arg14[%parallel_loop3A_217] masked %parallel_loop3A_210 : memref<65808xf32, #tpu.memory_space<vmem>>[vector<16xi32>], vector<16xf32>, vector<16xi1>
      %parallel_loop3A_220 = arith.constant 256 : i32
      %parallel_loop3A_221 = tpu.memref_slice %arg14[%parallel_loop3A_220] : memref<65808xf32, #tpu.memory_space<vmem>> -> memref<65538xf32, #tpu.memory_space<vmem>>
      %parallel_loop3A_222 = tpu.vector_load_idx %parallel_loop3A_221[%parallel_loop3A_214] masked %parallel_loop3A_210 : memref<65538xf32, #tpu.memory_space<vmem>>[vector<16xi32>], vector<16xf32>, vector<16xi1>
      %parallel_loop3A_223 = arith.constant 256 : i32
      %parallel_loop3A_224 = tpu.memref_slice %arg14[%parallel_loop3A_223] : memref<65808xf32, #tpu.memory_space<vmem>> -> memref<65538xf32, #tpu.memory_space<vmem>>
      %parallel_loop3A_225 = tpu.vector_load_idx %parallel_loop3A_224[%parallel_loop3A_217] masked %parallel_loop3A_210 : memref<65538xf32, #tpu.memory_space<vmem>>[vector<16xi32>], vector<16xf32>, vector<16xi1>
      %parallel_loop3A_226 = arith.subf %parallel_loop3A_222, %parallel_loop3A_218 : vector<16xf32>
      %parallel_loop3A_227 = arith.mulf %parallel_loop3A_199, %parallel_loop3A_226 : vector<16xf32>
      %parallel_loop3A_228 = arith.addf %parallel_loop3A_218, %parallel_loop3A_227 : vector<16xf32>
      %parallel_loop3A_229 = arith.subf %parallel_loop3A_225, %parallel_loop3A_219 : vector<16xf32>
      %parallel_loop3A_230 = arith.mulf %parallel_loop3A_199, %parallel_loop3A_229 : vector<16xf32>
      %parallel_loop3A_231 = arith.addf %parallel_loop3A_219, %parallel_loop3A_230 : vector<16xf32>
      %parallel_loop3A_232 = arith.subf %parallel_loop3A_231, %parallel_loop3A_228 : vector<16xf32>
      %parallel_loop3A_233 = arith.mulf %parallel_loop3A_201, %parallel_loop3A_232 : vector<16xf32>
      %parallel_loop3A_234 = arith.addf %parallel_loop3A_228, %parallel_loop3A_233 : vector<16xf32>
      %parallel_loop3A_235 = math.exp %parallel_loop3A_174 : vector<16xf32>
      %parallel_loop3A_236 = arith.mulf %parallel_loop3A_234, %parallel_loop3A_235 : vector<16xf32>
      %parallel_loop3A_237 = arith.addf %parallel_loop3A_187, %parallel_loop3A_236 : vector<16xf32>
      %parallel_loop3A_238 = arith.addf %parallel_loop3A_174, %parallel_loop3A_181 : vector<16xf32>
      %parallel_loop3A_239 = arith.addf %parallel_loop3A_181, %parallel_loop3A_185 : vector<16xf32>
      %parallel_loop3A_240 = arith.constant 1.000000e+00 : f32
      %parallel_loop3A_241 = vector.broadcast %parallel_loop3A_240 : f32 to vector<16xf32>
      %parallel_loop3A_242 = arith.mulf %parallel_loop3A_159, %parallel_loop3A_241 : vector<16xf32>
      %parallel_loop3A_243 = arith.addf %parallel_loop3A_152, %parallel_loop3A_242 : vector<16xf32>
      %parallel_loop3A_244 = arith.constant 1.000000e+00 : f32
      %parallel_loop3A_245 = vector.broadcast %parallel_loop3A_244 : f32 to vector<16xf32>
      %parallel_loop3A_246 = arith.mulf %parallel_loop3A_161, %parallel_loop3A_245 : vector<16xf32>
      %parallel_loop3A_247 = arith.addf %parallel_loop3A_157, %parallel_loop3A_246 : vector<16xf32>
      %parallel_loop3A_248 = arith.fptosi %parallel_loop3A_243 : vector<16xf32> to vector<16xi32>
      %parallel_loop3A_249 = arith.fptosi %parallel_loop3A_247 : vector<16xf32> to vector<16xi32>
      %parallel_loop3A_250 = arith.sitofp %parallel_loop3A_248 : vector<16xi32> to vector<16xf32>
      %parallel_loop3A_251 = arith.subf %parallel_loop3A_243, %parallel_loop3A_250 : vector<16xf32>
      %parallel_loop3A_252 = arith.sitofp %parallel_loop3A_249 : vector<16xi32> to vector<16xf32>
      %parallel_loop3A_253 = arith.subf %parallel_loop3A_247, %parallel_loop3A_252 : vector<16xf32>
      %parallel_loop3A_254 = vector.broadcast %parallel_loop3A_56 : f32 to vector<16xf32>
      %parallel_loop3A_255 = arith.subf %parallel_loop3A_243, %parallel_loop3A_254 : vector<16xf32>
      %parallel_loop3A_256 = math.absf %parallel_loop3A_255 : vector<16xf32>
      %parallel_loop3A_257 = vector.broadcast %parallel_loop3A_57 : f32 to vector<16xf32>
      %parallel_loop3A_258 = arith.subf %parallel_loop3A_247, %parallel_loop3A_257 : vector<16xf32>
      %parallel_loop3A_259 = math.absf %parallel_loop3A_258 : vector<16xf32>
      %parallel_loop3A_260 = arith.maximumf %parallel_loop3A_256, %parallel_loop3A_259 : vector<16xf32>
      %parallel_loop3A_261 = vector.broadcast %parallel_loop3A_56 : f32 to vector<16xf32>
      %parallel_loop3A_262 = arith.cmpf olt, %parallel_loop3A_260, %parallel_loop3A_261 : vector<16xf32>
      %parallel_loop3A_263 = arith.constant 256 : i32
      %parallel_loop3A_264 = vector.broadcast %parallel_loop3A_263 : i32 to vector<16xi32>
      %parallel_loop3A_265 = arith.muli %parallel_loop3A_248, %parallel_loop3A_264 : vector<16xi32>
      %parallel_loop3A_266 = arith.addi %parallel_loop3A_265, %parallel_loop3A_249 : vector<16xi32>
      %parallel_loop3A_267 = arith.constant 1 : i32
      %parallel_loop3A_268 = vector.broadcast %parallel_loop3A_267 : i32 to vector<16xi32>
      %parallel_loop3A_269 = arith.addi %parallel_loop3A_266, %parallel_loop3A_268 : vector<16xi32>
      %parallel_loop3A_270 = tpu.vector_load_idx %arg14[%parallel_loop3A_266] masked %parallel_loop3A_262 : memref<65808xf32, #tpu.memory_space<vmem>>[vector<16xi32>], vector<16xf32>, vector<16xi1>
      %parallel_loop3A_271 = tpu.vector_load_idx %arg14[%parallel_loop3A_269] masked %parallel_loop3A_262 : memref<65808xf32, #tpu.memory_space<vmem>>[vector<16xi32>], vector<16xf32>, vector<16xi1>
      %parallel_loop3A_272 = arith.constant 256 : i32
      %parallel_loop3A_273 = tpu.memref_slice %arg14[%parallel_loop3A_272] : memref<65808xf32, #tpu.memory_space<vmem>> -> memref<65538xf32, #tpu.memory_space<vmem>>
      %parallel_loop3A_274 = tpu.vector_load_idx %parallel_loop3A_273[%parallel_loop3A_266] masked %parallel_loop3A_262 : memref<65538xf32, #tpu.memory_space<vmem>>[vector<16xi32>], vector<16xf32>, vector<16xi1>
      %parallel_loop3A_275 = arith.constant 256 : i32
      %parallel_loop3A_276 = tpu.memref_slice %arg14[%parallel_loop3A_275] : memref<65808xf32, #tpu.memory_space<vmem>> -> memref<65538xf32, #tpu.memory_space<vmem>>
      %parallel_loop3A_277 = tpu.vector_load_idx %parallel_loop3A_276[%parallel_loop3A_269] masked %parallel_loop3A_262 : memref<65538xf32, #tpu.memory_space<vmem>>[vector<16xi32>], vector<16xf32>, vector<16xi1>
      %parallel_loop3A_278 = arith.subf %parallel_loop3A_274, %parallel_loop3A_270 : vector<16xf32>
      %parallel_loop3A_279 = arith.mulf %parallel_loop3A_251, %parallel_loop3A_278 : vector<16xf32>
      %parallel_loop3A_280 = arith.addf %parallel_loop3A_270, %parallel_loop3A_279 : vector<16xf32>
      %parallel_loop3A_281 = arith.subf %parallel_loop3A_277, %parallel_loop3A_271 : vector<16xf32>
      %parallel_loop3A_282 = arith.mulf %parallel_loop3A_251, %parallel_loop3A_281 : vector<16xf32>
      %parallel_loop3A_283 = arith.addf %parallel_loop3A_271, %parallel_loop3A_282 : vector<16xf32>
      %parallel_loop3A_284 = arith.subf %parallel_loop3A_283, %parallel_loop3A_280 : vector<16xf32>
      %parallel_loop3A_285 = arith.mulf %parallel_loop3A_253, %parallel_loop3A_284 : vector<16xf32>
      %parallel_loop3A_286 = arith.addf %parallel_loop3A_280, %parallel_loop3A_285 : vector<16xf32>
      %parallel_loop3A_287 = math.exp %parallel_loop3A_238 : vector<16xf32>
      %parallel_loop3A_288 = arith.mulf %parallel_loop3A_286, %parallel_loop3A_287 : vector<16xf32>
      %parallel_loop3A_289 = arith.addf %parallel_loop3A_237, %parallel_loop3A_288 : vector<16xf32>
      %parallel_loop3A_290 = arith.addf %parallel_loop3A_238, %parallel_loop3A_239 : vector<16xf32>
      %parallel_loop3A_291 = arith.addf %parallel_loop3A_239, %parallel_loop3A_185 : vector<16xf32>
      %parallel_loop3A_292 = arith.constant 2.000000e+00 : f32
      %parallel_loop3A_293 = vector.broadcast %parallel_loop3A_292 : f32 to vector<16xf32>
      %parallel_loop3A_294 = arith.mulf %parallel_loop3A_159, %parallel_loop3A_293 : vector<16xf32>
      %parallel_loop3A_295 = arith.addf %parallel_loop3A_152, %parallel_loop3A_294 : vector<16xf32>
      %parallel_loop3A_296 = arith.constant 2.000000e+00 : f32
      %parallel_loop3A_297 = vector.broadcast %parallel_loop3A_296 : f32 to vector<16xf32>
      %parallel_loop3A_298 = arith.mulf %parallel_loop3A_161, %parallel_loop3A_297 : vector<16xf32>
      %parallel_loop3A_299 = arith.addf %parallel_loop3A_157, %parallel_loop3A_298 : vector<16xf32>
      %parallel_loop3A_300 = arith.fptosi %parallel_loop3A_295 : vector<16xf32> to vector<16xi32>
      %parallel_loop3A_301 = arith.fptosi %parallel_loop3A_299 : vector<16xf32> to vector<16xi32>
      %parallel_loop3A_302 = arith.sitofp %parallel_loop3A_300 : vector<16xi32> to vector<16xf32>
      %parallel_loop3A_303 = arith.subf %parallel_loop3A_295, %parallel_loop3A_302 : vector<16xf32>
      %parallel_loop3A_304 = arith.sitofp %parallel_loop3A_301 : vector<16xi32> to vector<16xf32>
      %parallel_loop3A_305 = arith.subf %parallel_loop3A_299, %parallel_loop3A_304 : vector<16xf32>
      %parallel_loop3A_306 = vector.broadcast %parallel_loop3A_56 : f32 to vector<16xf32>
      %parallel_loop3A_307 = arith.subf %parallel_loop3A_295, %parallel_loop3A_306 : vector<16xf32>
      %parallel_loop3A_308 = math.absf %parallel_loop3A_307 : vector<16xf32>
      %parallel_loop3A_309 = vector.broadcast %parallel_loop3A_57 : f32 to vector<16xf32>
      %parallel_loop3A_310 = arith.subf %parallel_loop3A_299, %parallel_loop3A_309 : vector<16xf32>
      %parallel_loop3A_311 = math.absf %parallel_loop3A_310 : vector<16xf32>
      %parallel_loop3A_312 = arith.maximumf %parallel_loop3A_308, %parallel_loop3A_311 : vector<16xf32>
      %parallel_loop3A_313 = vector.broadcast %parallel_loop3A_56 : f32 to vector<16xf32>
      %parallel_loop3A_314 = arith.cmpf olt, %parallel_loop3A_312, %parallel_loop3A_313 : vector<16xf32>
      %parallel_loop3A_315 = arith.constant 256 : i32
      %parallel_loop3A_316 = vector.broadcast %parallel_loop3A_315 : i32 to vector<16xi32>
      %parallel_loop3A_317 = arith.muli %parallel_loop3A_300, %parallel_loop3A_316 : vector<16xi32>
      %parallel_loop3A_318 = arith.addi %parallel_loop3A_317, %parallel_loop3A_301 : vector<16xi32>
      %parallel_loop3A_319 = arith.constant 1 : i32
      %parallel_loop3A_320 = vector.broadcast %parallel_loop3A_319 : i32 to vector<16xi32>
      %parallel_loop3A_321 = arith.addi %parallel_loop3A_318, %parallel_loop3A_320 : vector<16xi32>
      %parallel_loop3A_322 = tpu.vector_load_idx %arg14[%parallel_loop3A_318] masked %parallel_loop3A_314 : memref<65808xf32, #tpu.memory_space<vmem>>[vector<16xi32>], vector<16xf32>, vector<16xi1>
      %parallel_loop3A_323 = tpu.vector_load_idx %arg14[%parallel_loop3A_321] masked %parallel_loop3A_314 : memref<65808xf32, #tpu.memory_space<vmem>>[vector<16xi32>], vector<16xf32>, vector<16xi1>
      %parallel_loop3A_324 = arith.constant 256 : i32
      %parallel_loop3A_325 = tpu.memref_slice %arg14[%parallel_loop3A_324] : memref<65808xf32, #tpu.memory_space<vmem>> -> memref<65538xf32, #tpu.memory_space<vmem>>
      %parallel_loop3A_326 = tpu.vector_load_idx %parallel_loop3A_325[%parallel_loop3A_318] masked %parallel_loop3A_314 : memref<65538xf32, #tpu.memory_space<vmem>>[vector<16xi32>], vector<16xf32>, vector<16xi1>
      %parallel_loop3A_327 = arith.constant 256 : i32
      %parallel_loop3A_328 = tpu.memref_slice %arg14[%parallel_loop3A_327] : memref<65808xf32, #tpu.memory_space<vmem>> -> memref<65538xf32, #tpu.memory_space<vmem>>
      %parallel_loop3A_329 = tpu.vector_load_idx %parallel_loop3A_328[%parallel_loop3A_321] masked %parallel_loop3A_314 : memref<65538xf32, #tpu.memory_space<vmem>>[vector<16xi32>], vector<16xf32>, vector<16xi1>
      %parallel_loop3A_330 = arith.subf %parallel_loop3A_326, %parallel_loop3A_322 : vector<16xf32>
      %parallel_loop3A_331 = arith.mulf %parallel_loop3A_303, %parallel_loop3A_330 : vector<16xf32>
      %parallel_loop3A_332 = arith.addf %parallel_loop3A_322, %parallel_loop3A_331 : vector<16xf32>
      %parallel_loop3A_333 = arith.subf %parallel_loop3A_329, %parallel_loop3A_323 : vector<16xf32>
      %parallel_loop3A_334 = arith.mulf %parallel_loop3A_303, %parallel_loop3A_333 : vector<16xf32>
      %parallel_loop3A_335 = arith.addf %parallel_loop3A_323, %parallel_loop3A_334 : vector<16xf32>
      %parallel_loop3A_336 = arith.subf %parallel_loop3A_335, %parallel_loop3A_332 : vector<16xf32>
      %parallel_loop3A_337 = arith.mulf %parallel_loop3A_305, %parallel_loop3A_336 : vector<16xf32>
      %parallel_loop3A_338 = arith.addf %parallel_loop3A_332, %parallel_loop3A_337 : vector<16xf32>
      %parallel_loop3A_339 = math.exp %parallel_loop3A_290 : vector<16xf32>
      %parallel_loop3A_340 = arith.mulf %parallel_loop3A_338, %parallel_loop3A_339 : vector<16xf32>
      %parallel_loop3A_341 = arith.addf %parallel_loop3A_289, %parallel_loop3A_340 : vector<16xf32>
      %parallel_loop3A_342 = arith.addf %parallel_loop3A_290, %parallel_loop3A_291 : vector<16xf32>
      %parallel_loop3A_343 = arith.addf %parallel_loop3A_291, %parallel_loop3A_185 : vector<16xf32>
      %parallel_loop3A_344 = arith.constant 3.000000e+00 : f32
      %parallel_loop3A_345 = vector.broadcast %parallel_loop3A_344 : f32 to vector<16xf32>
      %parallel_loop3A_346 = arith.mulf %parallel_loop3A_159, %parallel_loop3A_345 : vector<16xf32>
      %parallel_loop3A_347 = arith.addf %parallel_loop3A_152, %parallel_loop3A_346 : vector<16xf32>
      %parallel_loop3A_348 = arith.constant 3.000000e+00 : f32
      %parallel_loop3A_349 = vector.broadcast %parallel_loop3A_348 : f32 to vector<16xf32>
      %parallel_loop3A_350 = arith.mulf %parallel_loop3A_161, %parallel_loop3A_349 : vector<16xf32>
      %parallel_loop3A_351 = arith.addf %parallel_loop3A_157, %parallel_loop3A_350 : vector<16xf32>
      %parallel_loop3A_352 = arith.fptosi %parallel_loop3A_347 : vector<16xf32> to vector<16xi32>
      %parallel_loop3A_353 = arith.fptosi %parallel_loop3A_351 : vector<16xf32> to vector<16xi32>
      %parallel_loop3A_354 = arith.sitofp %parallel_loop3A_352 : vector<16xi32> to vector<16xf32>
      %parallel_loop3A_355 = arith.subf %parallel_loop3A_347, %parallel_loop3A_354 : vector<16xf32>
      %parallel_loop3A_356 = arith.sitofp %parallel_loop3A_353 : vector<16xi32> to vector<16xf32>
      %parallel_loop3A_357 = arith.subf %parallel_loop3A_351, %parallel_loop3A_356 : vector<16xf32>
      %parallel_loop3A_358 = vector.broadcast %parallel_loop3A_56 : f32 to vector<16xf32>
      %parallel_loop3A_359 = arith.subf %parallel_loop3A_347, %parallel_loop3A_358 : vector<16xf32>
      %parallel_loop3A_360 = math.absf %parallel_loop3A_359 : vector<16xf32>
      %parallel_loop3A_361 = vector.broadcast %parallel_loop3A_57 : f32 to vector<16xf32>
      %parallel_loop3A_362 = arith.subf %parallel_loop3A_351, %parallel_loop3A_361 : vector<16xf32>
      %parallel_loop3A_363 = math.absf %parallel_loop3A_362 : vector<16xf32>
      %parallel_loop3A_364 = arith.maximumf %parallel_loop3A_360, %parallel_loop3A_363 : vector<16xf32>
      %parallel_loop3A_365 = vector.broadcast %parallel_loop3A_56 : f32 to vector<16xf32>
      %parallel_loop3A_366 = arith.cmpf olt, %parallel_loop3A_364, %parallel_loop3A_365 : vector<16xf32>
      %parallel_loop3A_367 = arith.constant 256 : i32
      %parallel_loop3A_368 = vector.broadcast %parallel_loop3A_367 : i32 to vector<16xi32>
      %parallel_loop3A_369 = arith.muli %parallel_loop3A_352, %parallel_loop3A_368 : vector<16xi32>
      %parallel_loop3A_370 = arith.addi %parallel_loop3A_369, %parallel_loop3A_353 : vector<16xi32>
      %parallel_loop3A_371 = arith.constant 1 : i32
      %parallel_loop3A_372 = vector.broadcast %parallel_loop3A_371 : i32 to vector<16xi32>
      %parallel_loop3A_373 = arith.addi %parallel_loop3A_370, %parallel_loop3A_372 : vector<16xi32>
      %parallel_loop3A_374 = tpu.vector_load_idx %arg14[%parallel_loop3A_370] masked %parallel_loop3A_366 : memref<65808xf32, #tpu.memory_space<vmem>>[vector<16xi32>], vector<16xf32>, vector<16xi1>
      %parallel_loop3A_375 = tpu.vector_load_idx %arg14[%parallel_loop3A_373] masked %parallel_loop3A_366 : memref<65808xf32, #tpu.memory_space<vmem>>[vector<16xi32>], vector<16xf32>, vector<16xi1>
      %parallel_loop3A_376 = arith.constant 256 : i32
      %parallel_loop3A_377 = tpu.memref_slice %arg14[%parallel_loop3A_376] : memref<65808xf32, #tpu.memory_space<vmem>> -> memref<65538xf32, #tpu.memory_space<vmem>>
      %parallel_loop3A_378 = tpu.vector_load_idx %parallel_loop3A_377[%parallel_loop3A_370] masked %parallel_loop3A_366 : memref<65538xf32, #tpu.memory_space<vmem>>[vector<16xi32>], vector<16xf32>, vector<16xi1>
      %parallel_loop3A_379 = arith.constant 256 : i32
      %parallel_loop3A_380 = tpu.memref_slice %arg14[%parallel_loop3A_379] : memref<65808xf32, #tpu.memory_space<vmem>> -> memref<65538xf32, #tpu.memory_space<vmem>>
      %parallel_loop3A_381 = tpu.vector_load_idx %parallel_loop3A_380[%parallel_loop3A_373] masked %parallel_loop3A_366 : memref<65538xf32, #tpu.memory_space<vmem>>[vector<16xi32>], vector<16xf32>, vector<16xi1>
      %parallel_loop3A_382 = arith.subf %parallel_loop3A_378, %parallel_loop3A_374 : vector<16xf32>
      %parallel_loop3A_383 = arith.mulf %parallel_loop3A_355, %parallel_loop3A_382 : vector<16xf32>
      %parallel_loop3A_384 = arith.addf %parallel_loop3A_374, %parallel_loop3A_383 : vector<16xf32>
      %parallel_loop3A_385 = arith.subf %parallel_loop3A_381, %parallel_loop3A_375 : vector<16xf32>
      %parallel_loop3A_386 = arith.mulf %parallel_loop3A_355, %parallel_loop3A_385 : vector<16xf32>
      %parallel_loop3A_387 = arith.addf %parallel_loop3A_375, %parallel_loop3A_386 : vector<16xf32>
      %parallel_loop3A_388 = arith.subf %parallel_loop3A_387, %parallel_loop3A_384 : vector<16xf32>
      %parallel_loop3A_389 = arith.mulf %parallel_loop3A_357, %parallel_loop3A_388 : vector<16xf32>
      %parallel_loop3A_390 = arith.addf %parallel_loop3A_384, %parallel_loop3A_389 : vector<16xf32>
      %parallel_loop3A_391 = math.exp %parallel_loop3A_342 : vector<16xf32>
      %parallel_loop3A_392 = arith.mulf %parallel_loop3A_390, %parallel_loop3A_391 : vector<16xf32>
      %parallel_loop3A_393 = arith.addf %parallel_loop3A_341, %parallel_loop3A_392 : vector<16xf32>
      %parallel_loop3A_394 = arith.addf %parallel_loop3A_342, %parallel_loop3A_343 : vector<16xf32>
      %parallel_loop3A_395 = arith.addf %parallel_loop3A_343, %parallel_loop3A_185 : vector<16xf32>
      %parallel_loop3A_396 = arith.constant 4.000000e+00 : f32
      %parallel_loop3A_397 = vector.broadcast %parallel_loop3A_396 : f32 to vector<16xf32>
      %parallel_loop3A_398 = arith.mulf %parallel_loop3A_159, %parallel_loop3A_397 : vector<16xf32>
      %parallel_loop3A_399 = arith.addf %parallel_loop3A_152, %parallel_loop3A_398 : vector<16xf32>
      %parallel_loop3A_400 = arith.constant 4.000000e+00 : f32
      %parallel_loop3A_401 = vector.broadcast %parallel_loop3A_400 : f32 to vector<16xf32>
      %parallel_loop3A_402 = arith.mulf %parallel_loop3A_161, %parallel_loop3A_401 : vector<16xf32>
      %parallel_loop3A_403 = arith.addf %parallel_loop3A_157, %parallel_loop3A_402 : vector<16xf32>
      %parallel_loop3A_404 = arith.fptosi %parallel_loop3A_399 : vector<16xf32> to vector<16xi32>
      %parallel_loop3A_405 = arith.fptosi %parallel_loop3A_403 : vector<16xf32> to vector<16xi32>
      %parallel_loop3A_406 = arith.sitofp %parallel_loop3A_404 : vector<16xi32> to vector<16xf32>
      %parallel_loop3A_407 = arith.subf %parallel_loop3A_399, %parallel_loop3A_406 : vector<16xf32>
      %parallel_loop3A_408 = arith.sitofp %parallel_loop3A_405 : vector<16xi32> to vector<16xf32>
      %parallel_loop3A_409 = arith.subf %parallel_loop3A_403, %parallel_loop3A_408 : vector<16xf32>
      %parallel_loop3A_410 = vector.broadcast %parallel_loop3A_56 : f32 to vector<16xf32>
      %parallel_loop3A_411 = arith.subf %parallel_loop3A_399, %parallel_loop3A_410 : vector<16xf32>
      %parallel_loop3A_412 = math.absf %parallel_loop3A_411 : vector<16xf32>
      %parallel_loop3A_413 = vector.broadcast %parallel_loop3A_57 : f32 to vector<16xf32>
      %parallel_loop3A_414 = arith.subf %parallel_loop3A_403, %parallel_loop3A_413 : vector<16xf32>
      %parallel_loop3A_415 = math.absf %parallel_loop3A_414 : vector<16xf32>
      %parallel_loop3A_416 = arith.maximumf %parallel_loop3A_412, %parallel_loop3A_415 : vector<16xf32>
      %parallel_loop3A_417 = vector.broadcast %parallel_loop3A_56 : f32 to vector<16xf32>
      %parallel_loop3A_418 = arith.cmpf olt, %parallel_loop3A_416, %parallel_loop3A_417 : vector<16xf32>
      %parallel_loop3A_419 = arith.constant 256 : i32
      %parallel_loop3A_420 = vector.broadcast %parallel_loop3A_419 : i32 to vector<16xi32>
      %parallel_loop3A_421 = arith.muli %parallel_loop3A_404, %parallel_loop3A_420 : vector<16xi32>
      %parallel_loop3A_422 = arith.addi %parallel_loop3A_421, %parallel_loop3A_405 : vector<16xi32>
      %parallel_loop3A_423 = arith.constant 1 : i32
      %parallel_loop3A_424 = vector.broadcast %parallel_loop3A_423 : i32 to vector<16xi32>
      %parallel_loop3A_425 = arith.addi %parallel_loop3A_422, %parallel_loop3A_424 : vector<16xi32>
      %parallel_loop3A_426 = tpu.vector_load_idx %arg14[%parallel_loop3A_422] masked %parallel_loop3A_418 : memref<65808xf32, #tpu.memory_space<vmem>>[vector<16xi32>], vector<16xf32>, vector<16xi1>
      %parallel_loop3A_427 = tpu.vector_load_idx %arg14[%parallel_loop3A_425] masked %parallel_loop3A_418 : memref<65808xf32, #tpu.memory_space<vmem>>[vector<16xi32>], vector<16xf32>, vector<16xi1>
      %parallel_loop3A_428 = arith.constant 256 : i32
      %parallel_loop3A_429 = tpu.memref_slice %arg14[%parallel_loop3A_428] : memref<65808xf32, #tpu.memory_space<vmem>> -> memref<65538xf32, #tpu.memory_space<vmem>>
      %parallel_loop3A_430 = tpu.vector_load_idx %parallel_loop3A_429[%parallel_loop3A_422] masked %parallel_loop3A_418 : memref<65538xf32, #tpu.memory_space<vmem>>[vector<16xi32>], vector<16xf32>, vector<16xi1>
      %parallel_loop3A_431 = arith.constant 256 : i32
      %parallel_loop3A_432 = tpu.memref_slice %arg14[%parallel_loop3A_431] : memref<65808xf32, #tpu.memory_space<vmem>> -> memref<65538xf32, #tpu.memory_space<vmem>>
      %parallel_loop3A_433 = tpu.vector_load_idx %parallel_loop3A_432[%parallel_loop3A_425] masked %parallel_loop3A_418 : memref<65538xf32, #tpu.memory_space<vmem>>[vector<16xi32>], vector<16xf32>, vector<16xi1>
      %parallel_loop3A_434 = arith.subf %parallel_loop3A_430, %parallel_loop3A_426 : vector<16xf32>
      %parallel_loop3A_435 = arith.mulf %parallel_loop3A_407, %parallel_loop3A_434 : vector<16xf32>
      %parallel_loop3A_436 = arith.addf %parallel_loop3A_426, %parallel_loop3A_435 : vector<16xf32>
      %parallel_loop3A_437 = arith.subf %parallel_loop3A_433, %parallel_loop3A_427 : vector<16xf32>
      %parallel_loop3A_438 = arith.mulf %parallel_loop3A_407, %parallel_loop3A_437 : vector<16xf32>
      %parallel_loop3A_439 = arith.addf %parallel_loop3A_427, %parallel_loop3A_438 : vector<16xf32>
      %parallel_loop3A_440 = arith.subf %parallel_loop3A_439, %parallel_loop3A_436 : vector<16xf32>
      %parallel_loop3A_441 = arith.mulf %parallel_loop3A_409, %parallel_loop3A_440 : vector<16xf32>
      %parallel_loop3A_442 = arith.addf %parallel_loop3A_436, %parallel_loop3A_441 : vector<16xf32>
      %parallel_loop3A_443 = math.exp %parallel_loop3A_394 : vector<16xf32>
      %parallel_loop3A_444 = arith.mulf %parallel_loop3A_442, %parallel_loop3A_443 : vector<16xf32>
      %parallel_loop3A_445 = arith.addf %parallel_loop3A_393, %parallel_loop3A_444 : vector<16xf32>
      %parallel_loop3A_446 = arith.addf %parallel_loop3A_394, %parallel_loop3A_395 : vector<16xf32>
      %parallel_loop3A_447 = arith.addf %parallel_loop3A_395, %parallel_loop3A_185 : vector<16xf32>
      %parallel_loop3A_448 = arith.constant 5.000000e+00 : f32
      %parallel_loop3A_449 = vector.broadcast %parallel_loop3A_448 : f32 to vector<16xf32>
      %parallel_loop3A_450 = arith.mulf %parallel_loop3A_159, %parallel_loop3A_449 : vector<16xf32>
      %parallel_loop3A_451 = arith.addf %parallel_loop3A_152, %parallel_loop3A_450 : vector<16xf32>
      %parallel_loop3A_452 = arith.constant 5.000000e+00 : f32
      %parallel_loop3A_453 = vector.broadcast %parallel_loop3A_452 : f32 to vector<16xf32>
      %parallel_loop3A_454 = arith.mulf %parallel_loop3A_161, %parallel_loop3A_453 : vector<16xf32>
      %parallel_loop3A_455 = arith.addf %parallel_loop3A_157, %parallel_loop3A_454 : vector<16xf32>
      %parallel_loop3A_456 = arith.fptosi %parallel_loop3A_451 : vector<16xf32> to vector<16xi32>
      %parallel_loop3A_457 = arith.fptosi %parallel_loop3A_455 : vector<16xf32> to vector<16xi32>
      %parallel_loop3A_458 = arith.sitofp %parallel_loop3A_456 : vector<16xi32> to vector<16xf32>
      %parallel_loop3A_459 = arith.subf %parallel_loop3A_451, %parallel_loop3A_458 : vector<16xf32>
      %parallel_loop3A_460 = arith.sitofp %parallel_loop3A_457 : vector<16xi32> to vector<16xf32>
      %parallel_loop3A_461 = arith.subf %parallel_loop3A_455, %parallel_loop3A_460 : vector<16xf32>
      %parallel_loop3A_462 = vector.broadcast %parallel_loop3A_56 : f32 to vector<16xf32>
      %parallel_loop3A_463 = arith.subf %parallel_loop3A_451, %parallel_loop3A_462 : vector<16xf32>
      %parallel_loop3A_464 = math.absf %parallel_loop3A_463 : vector<16xf32>
      %parallel_loop3A_465 = vector.broadcast %parallel_loop3A_57 : f32 to vector<16xf32>
      %parallel_loop3A_466 = arith.subf %parallel_loop3A_455, %parallel_loop3A_465 : vector<16xf32>
      %parallel_loop3A_467 = math.absf %parallel_loop3A_466 : vector<16xf32>
      %parallel_loop3A_468 = arith.maximumf %parallel_loop3A_464, %parallel_loop3A_467 : vector<16xf32>
      %parallel_loop3A_469 = vector.broadcast %parallel_loop3A_56 : f32 to vector<16xf32>
      %parallel_loop3A_470 = arith.cmpf olt, %parallel_loop3A_468, %parallel_loop3A_469 : vector<16xf32>
      %parallel_loop3A_471 = arith.constant 256 : i32
      %parallel_loop3A_472 = vector.broadcast %parallel_loop3A_471 : i32 to vector<16xi32>
      %parallel_loop3A_473 = arith.muli %parallel_loop3A_456, %parallel_loop3A_472 : vector<16xi32>
      %parallel_loop3A_474 = arith.addi %parallel_loop3A_473, %parallel_loop3A_457 : vector<16xi32>
      %parallel_loop3A_475 = arith.constant 1 : i32
      %parallel_loop3A_476 = vector.broadcast %parallel_loop3A_475 : i32 to vector<16xi32>
      %parallel_loop3A_477 = arith.addi %parallel_loop3A_474, %parallel_loop3A_476 : vector<16xi32>
      %parallel_loop3A_478 = tpu.vector_load_idx %arg14[%parallel_loop3A_474] masked %parallel_loop3A_470 : memref<65808xf32, #tpu.memory_space<vmem>>[vector<16xi32>], vector<16xf32>, vector<16xi1>
      %parallel_loop3A_479 = tpu.vector_load_idx %arg14[%parallel_loop3A_477] masked %parallel_loop3A_470 : memref<65808xf32, #tpu.memory_space<vmem>>[vector<16xi32>], vector<16xf32>, vector<16xi1>
      %parallel_loop3A_480 = arith.constant 256 : i32
      %parallel_loop3A_481 = tpu.memref_slice %arg14[%parallel_loop3A_480] : memref<65808xf32, #tpu.memory_space<vmem>> -> memref<65538xf32, #tpu.memory_space<vmem>>
      %parallel_loop3A_482 = tpu.vector_load_idx %parallel_loop3A_481[%parallel_loop3A_474] masked %parallel_loop3A_470 : memref<65538xf32, #tpu.memory_space<vmem>>[vector<16xi32>], vector<16xf32>, vector<16xi1>
      %parallel_loop3A_483 = arith.constant 256 : i32
      %parallel_loop3A_484 = tpu.memref_slice %arg14[%parallel_loop3A_483] : memref<65808xf32, #tpu.memory_space<vmem>> -> memref<65538xf32, #tpu.memory_space<vmem>>
      %parallel_loop3A_485 = tpu.vector_load_idx %parallel_loop3A_484[%parallel_loop3A_477] masked %parallel_loop3A_470 : memref<65538xf32, #tpu.memory_space<vmem>>[vector<16xi32>], vector<16xf32>, vector<16xi1>
      %parallel_loop3A_486 = arith.subf %parallel_loop3A_482, %parallel_loop3A_478 : vector<16xf32>
      %parallel_loop3A_487 = arith.mulf %parallel_loop3A_459, %parallel_loop3A_486 : vector<16xf32>
      %parallel_loop3A_488 = arith.addf %parallel_loop3A_478, %parallel_loop3A_487 : vector<16xf32>
      %parallel_loop3A_489 = arith.subf %parallel_loop3A_485, %parallel_loop3A_479 : vector<16xf32>
      %parallel_loop3A_490 = arith.mulf %parallel_loop3A_459, %parallel_loop3A_489 : vector<16xf32>
      %parallel_loop3A_491 = arith.addf %parallel_loop3A_479, %parallel_loop3A_490 : vector<16xf32>
      %parallel_loop3A_492 = arith.subf %parallel_loop3A_491, %parallel_loop3A_488 : vector<16xf32>
      %parallel_loop3A_493 = arith.mulf %parallel_loop3A_461, %parallel_loop3A_492 : vector<16xf32>
      %parallel_loop3A_494 = arith.addf %parallel_loop3A_488, %parallel_loop3A_493 : vector<16xf32>
      %parallel_loop3A_495 = math.exp %parallel_loop3A_446 : vector<16xf32>
      %parallel_loop3A_496 = arith.mulf %parallel_loop3A_494, %parallel_loop3A_495 : vector<16xf32>
      %parallel_loop3A_497 = arith.addf %parallel_loop3A_445, %parallel_loop3A_496 : vector<16xf32>
      %parallel_loop3A_498 = arith.addf %parallel_loop3A_446, %parallel_loop3A_447 : vector<16xf32>
      %parallel_loop3A_499 = arith.addf %parallel_loop3A_447, %parallel_loop3A_185 : vector<16xf32>
      %parallel_loop3A_500 = arith.constant 6.000000e+00 : f32
      %parallel_loop3A_501 = vector.broadcast %parallel_loop3A_500 : f32 to vector<16xf32>
      %parallel_loop3A_502 = arith.mulf %parallel_loop3A_159, %parallel_loop3A_501 : vector<16xf32>
      %parallel_loop3A_503 = arith.addf %parallel_loop3A_152, %parallel_loop3A_502 : vector<16xf32>
      %parallel_loop3A_504 = arith.constant 6.000000e+00 : f32
      %parallel_loop3A_505 = vector.broadcast %parallel_loop3A_504 : f32 to vector<16xf32>
      %parallel_loop3A_506 = arith.mulf %parallel_loop3A_161, %parallel_loop3A_505 : vector<16xf32>
      %parallel_loop3A_507 = arith.addf %parallel_loop3A_157, %parallel_loop3A_506 : vector<16xf32>
      %parallel_loop3A_508 = arith.fptosi %parallel_loop3A_503 : vector<16xf32> to vector<16xi32>
      %parallel_loop3A_509 = arith.fptosi %parallel_loop3A_507 : vector<16xf32> to vector<16xi32>
      %parallel_loop3A_510 = arith.sitofp %parallel_loop3A_508 : vector<16xi32> to vector<16xf32>
      %parallel_loop3A_511 = arith.subf %parallel_loop3A_503, %parallel_loop3A_510 : vector<16xf32>
      %parallel_loop3A_512 = arith.sitofp %parallel_loop3A_509 : vector<16xi32> to vector<16xf32>
      %parallel_loop3A_513 = arith.subf %parallel_loop3A_507, %parallel_loop3A_512 : vector<16xf32>
      %parallel_loop3A_514 = vector.broadcast %parallel_loop3A_56 : f32 to vector<16xf32>
      %parallel_loop3A_515 = arith.subf %parallel_loop3A_503, %parallel_loop3A_514 : vector<16xf32>
      %parallel_loop3A_516 = math.absf %parallel_loop3A_515 : vector<16xf32>
      %parallel_loop3A_517 = vector.broadcast %parallel_loop3A_57 : f32 to vector<16xf32>
      %parallel_loop3A_518 = arith.subf %parallel_loop3A_507, %parallel_loop3A_517 : vector<16xf32>
      %parallel_loop3A_519 = math.absf %parallel_loop3A_518 : vector<16xf32>
      %parallel_loop3A_520 = arith.maximumf %parallel_loop3A_516, %parallel_loop3A_519 : vector<16xf32>
      %parallel_loop3A_521 = vector.broadcast %parallel_loop3A_56 : f32 to vector<16xf32>
      %parallel_loop3A_522 = arith.cmpf olt, %parallel_loop3A_520, %parallel_loop3A_521 : vector<16xf32>
      %parallel_loop3A_523 = arith.constant 256 : i32
      %parallel_loop3A_524 = vector.broadcast %parallel_loop3A_523 : i32 to vector<16xi32>
      %parallel_loop3A_525 = arith.muli %parallel_loop3A_508, %parallel_loop3A_524 : vector<16xi32>
      %parallel_loop3A_526 = arith.addi %parallel_loop3A_525, %parallel_loop3A_509 : vector<16xi32>
      %parallel_loop3A_527 = arith.constant 1 : i32
      %parallel_loop3A_528 = vector.broadcast %parallel_loop3A_527 : i32 to vector<16xi32>
      %parallel_loop3A_529 = arith.addi %parallel_loop3A_526, %parallel_loop3A_528 : vector<16xi32>
      %parallel_loop3A_530 = tpu.vector_load_idx %arg14[%parallel_loop3A_526] masked %parallel_loop3A_522 : memref<65808xf32, #tpu.memory_space<vmem>>[vector<16xi32>], vector<16xf32>, vector<16xi1>
      %parallel_loop3A_531 = tpu.vector_load_idx %arg14[%parallel_loop3A_529] masked %parallel_loop3A_522 : memref<65808xf32, #tpu.memory_space<vmem>>[vector<16xi32>], vector<16xf32>, vector<16xi1>
      %parallel_loop3A_532 = arith.constant 256 : i32
      %parallel_loop3A_533 = tpu.memref_slice %arg14[%parallel_loop3A_532] : memref<65808xf32, #tpu.memory_space<vmem>> -> memref<65538xf32, #tpu.memory_space<vmem>>
      %parallel_loop3A_534 = tpu.vector_load_idx %parallel_loop3A_533[%parallel_loop3A_526] masked %parallel_loop3A_522 : memref<65538xf32, #tpu.memory_space<vmem>>[vector<16xi32>], vector<16xf32>, vector<16xi1>
      %parallel_loop3A_535 = arith.constant 256 : i32
      %parallel_loop3A_536 = tpu.memref_slice %arg14[%parallel_loop3A_535] : memref<65808xf32, #tpu.memory_space<vmem>> -> memref<65538xf32, #tpu.memory_space<vmem>>
      %parallel_loop3A_537 = tpu.vector_load_idx %parallel_loop3A_536[%parallel_loop3A_529] masked %parallel_loop3A_522 : memref<65538xf32, #tpu.memory_space<vmem>>[vector<16xi32>], vector<16xf32>, vector<16xi1>
      %parallel_loop3A_538 = arith.subf %parallel_loop3A_534, %parallel_loop3A_530 : vector<16xf32>
      %parallel_loop3A_539 = arith.mulf %parallel_loop3A_511, %parallel_loop3A_538 : vector<16xf32>
      %parallel_loop3A_540 = arith.addf %parallel_loop3A_530, %parallel_loop3A_539 : vector<16xf32>
      %parallel_loop3A_541 = arith.subf %parallel_loop3A_537, %parallel_loop3A_531 : vector<16xf32>
      %parallel_loop3A_542 = arith.mulf %parallel_loop3A_511, %parallel_loop3A_541 : vector<16xf32>
      %parallel_loop3A_543 = arith.addf %parallel_loop3A_531, %parallel_loop3A_542 : vector<16xf32>
      %parallel_loop3A_544 = arith.subf %parallel_loop3A_543, %parallel_loop3A_540 : vector<16xf32>
      %parallel_loop3A_545 = arith.mulf %parallel_loop3A_513, %parallel_loop3A_544 : vector<16xf32>
      %parallel_loop3A_546 = arith.addf %parallel_loop3A_540, %parallel_loop3A_545 : vector<16xf32>
      %parallel_loop3A_547 = math.exp %parallel_loop3A_498 : vector<16xf32>
      %parallel_loop3A_548 = arith.mulf %parallel_loop3A_546, %parallel_loop3A_547 : vector<16xf32>
      %parallel_loop3A_549 = arith.addf %parallel_loop3A_497, %parallel_loop3A_548 : vector<16xf32>
      %parallel_loop3A_550 = arith.addf %parallel_loop3A_498, %parallel_loop3A_499 : vector<16xf32>
      %parallel_loop3A_551 = arith.addf %parallel_loop3A_499, %parallel_loop3A_185 : vector<16xf32>
      %parallel_loop3A_552 = arith.constant 7.000000e+00 : f32
      %parallel_loop3A_553 = vector.broadcast %parallel_loop3A_552 : f32 to vector<16xf32>
      %parallel_loop3A_554 = arith.mulf %parallel_loop3A_159, %parallel_loop3A_553 : vector<16xf32>
      %parallel_loop3A_555 = arith.addf %parallel_loop3A_152, %parallel_loop3A_554 : vector<16xf32>
      %parallel_loop3A_556 = arith.constant 7.000000e+00 : f32
      %parallel_loop3A_557 = vector.broadcast %parallel_loop3A_556 : f32 to vector<16xf32>
      %parallel_loop3A_558 = arith.mulf %parallel_loop3A_161, %parallel_loop3A_557 : vector<16xf32>
      %parallel_loop3A_559 = arith.addf %parallel_loop3A_157, %parallel_loop3A_558 : vector<16xf32>
      %parallel_loop3A_560 = arith.fptosi %parallel_loop3A_555 : vector<16xf32> to vector<16xi32>
      %parallel_loop3A_561 = arith.fptosi %parallel_loop3A_559 : vector<16xf32> to vector<16xi32>
      %parallel_loop3A_562 = arith.sitofp %parallel_loop3A_560 : vector<16xi32> to vector<16xf32>
      %parallel_loop3A_563 = arith.subf %parallel_loop3A_555, %parallel_loop3A_562 : vector<16xf32>
      %parallel_loop3A_564 = arith.sitofp %parallel_loop3A_561 : vector<16xi32> to vector<16xf32>
      %parallel_loop3A_565 = arith.subf %parallel_loop3A_559, %parallel_loop3A_564 : vector<16xf32>
      %parallel_loop3A_566 = vector.broadcast %parallel_loop3A_56 : f32 to vector<16xf32>
      %parallel_loop3A_567 = arith.subf %parallel_loop3A_555, %parallel_loop3A_566 : vector<16xf32>
      %parallel_loop3A_568 = math.absf %parallel_loop3A_567 : vector<16xf32>
      %parallel_loop3A_569 = vector.broadcast %parallel_loop3A_57 : f32 to vector<16xf32>
      %parallel_loop3A_570 = arith.subf %parallel_loop3A_559, %parallel_loop3A_569 : vector<16xf32>
      %parallel_loop3A_571 = math.absf %parallel_loop3A_570 : vector<16xf32>
      %parallel_loop3A_572 = arith.maximumf %parallel_loop3A_568, %parallel_loop3A_571 : vector<16xf32>
      %parallel_loop3A_573 = vector.broadcast %parallel_loop3A_56 : f32 to vector<16xf32>
      %parallel_loop3A_574 = arith.cmpf olt, %parallel_loop3A_572, %parallel_loop3A_573 : vector<16xf32>
      %parallel_loop3A_575 = arith.constant 256 : i32
      %parallel_loop3A_576 = vector.broadcast %parallel_loop3A_575 : i32 to vector<16xi32>
      %parallel_loop3A_577 = arith.muli %parallel_loop3A_560, %parallel_loop3A_576 : vector<16xi32>
      %parallel_loop3A_578 = arith.addi %parallel_loop3A_577, %parallel_loop3A_561 : vector<16xi32>
      %parallel_loop3A_579 = arith.constant 1 : i32
      %parallel_loop3A_580 = vector.broadcast %parallel_loop3A_579 : i32 to vector<16xi32>
      %parallel_loop3A_581 = arith.addi %parallel_loop3A_578, %parallel_loop3A_580 : vector<16xi32>
      %parallel_loop3A_582 = tpu.vector_load_idx %arg14[%parallel_loop3A_578] masked %parallel_loop3A_574 : memref<65808xf32, #tpu.memory_space<vmem>>[vector<16xi32>], vector<16xf32>, vector<16xi1>
      %parallel_loop3A_583 = tpu.vector_load_idx %arg14[%parallel_loop3A_581] masked %parallel_loop3A_574 : memref<65808xf32, #tpu.memory_space<vmem>>[vector<16xi32>], vector<16xf32>, vector<16xi1>
      %parallel_loop3A_584 = arith.constant 256 : i32
      %parallel_loop3A_585 = tpu.memref_slice %arg14[%parallel_loop3A_584] : memref<65808xf32, #tpu.memory_space<vmem>> -> memref<65538xf32, #tpu.memory_space<vmem>>
      %parallel_loop3A_586 = tpu.vector_load_idx %parallel_loop3A_585[%parallel_loop3A_578] masked %parallel_loop3A_574 : memref<65538xf32, #tpu.memory_space<vmem>>[vector<16xi32>], vector<16xf32>, vector<16xi1>
      %parallel_loop3A_587 = arith.constant 256 : i32
      %parallel_loop3A_588 = tpu.memref_slice %arg14[%parallel_loop3A_587] : memref<65808xf32, #tpu.memory_space<vmem>> -> memref<65538xf32, #tpu.memory_space<vmem>>
      %parallel_loop3A_589 = tpu.vector_load_idx %parallel_loop3A_588[%parallel_loop3A_581] masked %parallel_loop3A_574 : memref<65538xf32, #tpu.memory_space<vmem>>[vector<16xi32>], vector<16xf32>, vector<16xi1>
      %parallel_loop3A_590 = arith.subf %parallel_loop3A_586, %parallel_loop3A_582 : vector<16xf32>
      %parallel_loop3A_591 = arith.mulf %parallel_loop3A_563, %parallel_loop3A_590 : vector<16xf32>
      %parallel_loop3A_592 = arith.addf %parallel_loop3A_582, %parallel_loop3A_591 : vector<16xf32>
      %parallel_loop3A_593 = arith.subf %parallel_loop3A_589, %parallel_loop3A_583 : vector<16xf32>
      %parallel_loop3A_594 = arith.mulf %parallel_loop3A_563, %parallel_loop3A_593 : vector<16xf32>
      %parallel_loop3A_595 = arith.addf %parallel_loop3A_583, %parallel_loop3A_594 : vector<16xf32>
      %parallel_loop3A_596 = arith.subf %parallel_loop3A_595, %parallel_loop3A_592 : vector<16xf32>
      %parallel_loop3A_597 = arith.mulf %parallel_loop3A_565, %parallel_loop3A_596 : vector<16xf32>
      %parallel_loop3A_598 = arith.addf %parallel_loop3A_592, %parallel_loop3A_597 : vector<16xf32>
      %parallel_loop3A_599 = math.exp %parallel_loop3A_550 : vector<16xf32>
      %parallel_loop3A_600 = arith.mulf %parallel_loop3A_598, %parallel_loop3A_599 : vector<16xf32>
      %parallel_loop3A_601 = arith.addf %parallel_loop3A_549, %parallel_loop3A_600 : vector<16xf32>
      %parallel_loop3A_602 = arith.addf %parallel_loop3A_550, %parallel_loop3A_551 : vector<16xf32>
      %parallel_loop3A_603 = arith.addf %parallel_loop3A_551, %parallel_loop3A_185 : vector<16xf32>
      %parallel_loop3A_604 = arith.constant 8.000000e+00 : f32
      %parallel_loop3A_605 = vector.broadcast %parallel_loop3A_604 : f32 to vector<16xf32>
      %parallel_loop3A_606 = arith.mulf %parallel_loop3A_159, %parallel_loop3A_605 : vector<16xf32>
      %parallel_loop3A_607 = arith.addf %parallel_loop3A_152, %parallel_loop3A_606 : vector<16xf32>
      %parallel_loop3A_608 = arith.constant 8.000000e+00 : f32
      %parallel_loop3A_609 = vector.broadcast %parallel_loop3A_608 : f32 to vector<16xf32>
      %parallel_loop3A_610 = arith.mulf %parallel_loop3A_161, %parallel_loop3A_609 : vector<16xf32>
      %parallel_loop3A_611 = arith.addf %parallel_loop3A_157, %parallel_loop3A_610 : vector<16xf32>
      %parallel_loop3A_612 = arith.fptosi %parallel_loop3A_607 : vector<16xf32> to vector<16xi32>
      %parallel_loop3A_613 = arith.fptosi %parallel_loop3A_611 : vector<16xf32> to vector<16xi32>
      %parallel_loop3A_614 = arith.sitofp %parallel_loop3A_612 : vector<16xi32> to vector<16xf32>
      %parallel_loop3A_615 = arith.subf %parallel_loop3A_607, %parallel_loop3A_614 : vector<16xf32>
      %parallel_loop3A_616 = arith.sitofp %parallel_loop3A_613 : vector<16xi32> to vector<16xf32>
      %parallel_loop3A_617 = arith.subf %parallel_loop3A_611, %parallel_loop3A_616 : vector<16xf32>
      %parallel_loop3A_618 = vector.broadcast %parallel_loop3A_56 : f32 to vector<16xf32>
      %parallel_loop3A_619 = arith.subf %parallel_loop3A_607, %parallel_loop3A_618 : vector<16xf32>
      %parallel_loop3A_620 = math.absf %parallel_loop3A_619 : vector<16xf32>
      %parallel_loop3A_621 = vector.broadcast %parallel_loop3A_57 : f32 to vector<16xf32>
      %parallel_loop3A_622 = arith.subf %parallel_loop3A_611, %parallel_loop3A_621 : vector<16xf32>
      %parallel_loop3A_623 = math.absf %parallel_loop3A_622 : vector<16xf32>
      %parallel_loop3A_624 = arith.maximumf %parallel_loop3A_620, %parallel_loop3A_623 : vector<16xf32>
      %parallel_loop3A_625 = vector.broadcast %parallel_loop3A_56 : f32 to vector<16xf32>
      %parallel_loop3A_626 = arith.cmpf olt, %parallel_loop3A_624, %parallel_loop3A_625 : vector<16xf32>
      %parallel_loop3A_627 = arith.constant 256 : i32
      %parallel_loop3A_628 = vector.broadcast %parallel_loop3A_627 : i32 to vector<16xi32>
      %parallel_loop3A_629 = arith.muli %parallel_loop3A_612, %parallel_loop3A_628 : vector<16xi32>
      %parallel_loop3A_630 = arith.addi %parallel_loop3A_629, %parallel_loop3A_613 : vector<16xi32>
      %parallel_loop3A_631 = arith.constant 1 : i32
      %parallel_loop3A_632 = vector.broadcast %parallel_loop3A_631 : i32 to vector<16xi32>
      %parallel_loop3A_633 = arith.addi %parallel_loop3A_630, %parallel_loop3A_632 : vector<16xi32>
      %parallel_loop3A_634 = tpu.vector_load_idx %arg14[%parallel_loop3A_630] masked %parallel_loop3A_626 : memref<65808xf32, #tpu.memory_space<vmem>>[vector<16xi32>], vector<16xf32>, vector<16xi1>
      %parallel_loop3A_635 = tpu.vector_load_idx %arg14[%parallel_loop3A_633] masked %parallel_loop3A_626 : memref<65808xf32, #tpu.memory_space<vmem>>[vector<16xi32>], vector<16xf32>, vector<16xi1>
      %parallel_loop3A_636 = arith.constant 256 : i32
      %parallel_loop3A_637 = tpu.memref_slice %arg14[%parallel_loop3A_636] : memref<65808xf32, #tpu.memory_space<vmem>> -> memref<65538xf32, #tpu.memory_space<vmem>>
      %parallel_loop3A_638 = tpu.vector_load_idx %parallel_loop3A_637[%parallel_loop3A_630] masked %parallel_loop3A_626 : memref<65538xf32, #tpu.memory_space<vmem>>[vector<16xi32>], vector<16xf32>, vector<16xi1>
      %parallel_loop3A_639 = arith.constant 256 : i32
      %parallel_loop3A_640 = tpu.memref_slice %arg14[%parallel_loop3A_639] : memref<65808xf32, #tpu.memory_space<vmem>> -> memref<65538xf32, #tpu.memory_space<vmem>>
      %parallel_loop3A_641 = tpu.vector_load_idx %parallel_loop3A_640[%parallel_loop3A_633] masked %parallel_loop3A_626 : memref<65538xf32, #tpu.memory_space<vmem>>[vector<16xi32>], vector<16xf32>, vector<16xi1>
      %parallel_loop3A_642 = arith.subf %parallel_loop3A_638, %parallel_loop3A_634 : vector<16xf32>
      %parallel_loop3A_643 = arith.mulf %parallel_loop3A_615, %parallel_loop3A_642 : vector<16xf32>
      %parallel_loop3A_644 = arith.addf %parallel_loop3A_634, %parallel_loop3A_643 : vector<16xf32>
      %parallel_loop3A_645 = arith.subf %parallel_loop3A_641, %parallel_loop3A_635 : vector<16xf32>
      %parallel_loop3A_646 = arith.mulf %parallel_loop3A_615, %parallel_loop3A_645 : vector<16xf32>
      %parallel_loop3A_647 = arith.addf %parallel_loop3A_635, %parallel_loop3A_646 : vector<16xf32>
      %parallel_loop3A_648 = arith.subf %parallel_loop3A_647, %parallel_loop3A_644 : vector<16xf32>
      %parallel_loop3A_649 = arith.mulf %parallel_loop3A_617, %parallel_loop3A_648 : vector<16xf32>
      %parallel_loop3A_650 = arith.addf %parallel_loop3A_644, %parallel_loop3A_649 : vector<16xf32>
      %parallel_loop3A_651 = math.exp %parallel_loop3A_602 : vector<16xf32>
      %parallel_loop3A_652 = arith.mulf %parallel_loop3A_650, %parallel_loop3A_651 : vector<16xf32>
      %parallel_loop3A_653 = arith.addf %parallel_loop3A_601, %parallel_loop3A_652 : vector<16xf32>
      %parallel_loop3A_654 = arith.addf %parallel_loop3A_602, %parallel_loop3A_603 : vector<16xf32>
      %parallel_loop3A_655 = arith.addf %parallel_loop3A_603, %parallel_loop3A_185 : vector<16xf32>
      %parallel_loop3A_656 = arith.constant 9.000000e+00 : f32
      %parallel_loop3A_657 = vector.broadcast %parallel_loop3A_656 : f32 to vector<16xf32>
      %parallel_loop3A_658 = arith.mulf %parallel_loop3A_159, %parallel_loop3A_657 : vector<16xf32>
      %parallel_loop3A_659 = arith.addf %parallel_loop3A_152, %parallel_loop3A_658 : vector<16xf32>
      %parallel_loop3A_660 = arith.constant 9.000000e+00 : f32
      %parallel_loop3A_661 = vector.broadcast %parallel_loop3A_660 : f32 to vector<16xf32>
      %parallel_loop3A_662 = arith.mulf %parallel_loop3A_161, %parallel_loop3A_661 : vector<16xf32>
      %parallel_loop3A_663 = arith.addf %parallel_loop3A_157, %parallel_loop3A_662 : vector<16xf32>
      %parallel_loop3A_664 = arith.fptosi %parallel_loop3A_659 : vector<16xf32> to vector<16xi32>
      %parallel_loop3A_665 = arith.fptosi %parallel_loop3A_663 : vector<16xf32> to vector<16xi32>
      %parallel_loop3A_666 = arith.sitofp %parallel_loop3A_664 : vector<16xi32> to vector<16xf32>
      %parallel_loop3A_667 = arith.subf %parallel_loop3A_659, %parallel_loop3A_666 : vector<16xf32>
      %parallel_loop3A_668 = arith.sitofp %parallel_loop3A_665 : vector<16xi32> to vector<16xf32>
      %parallel_loop3A_669 = arith.subf %parallel_loop3A_663, %parallel_loop3A_668 : vector<16xf32>
      %parallel_loop3A_670 = vector.broadcast %parallel_loop3A_56 : f32 to vector<16xf32>
      %parallel_loop3A_671 = arith.subf %parallel_loop3A_659, %parallel_loop3A_670 : vector<16xf32>
      %parallel_loop3A_672 = math.absf %parallel_loop3A_671 : vector<16xf32>
      %parallel_loop3A_673 = vector.broadcast %parallel_loop3A_57 : f32 to vector<16xf32>
      %parallel_loop3A_674 = arith.subf %parallel_loop3A_663, %parallel_loop3A_673 : vector<16xf32>
      %parallel_loop3A_675 = math.absf %parallel_loop3A_674 : vector<16xf32>
      %parallel_loop3A_676 = arith.maximumf %parallel_loop3A_672, %parallel_loop3A_675 : vector<16xf32>
      %parallel_loop3A_677 = vector.broadcast %parallel_loop3A_56 : f32 to vector<16xf32>
      %parallel_loop3A_678 = arith.cmpf olt, %parallel_loop3A_676, %parallel_loop3A_677 : vector<16xf32>
      %parallel_loop3A_679 = arith.constant 256 : i32
      %parallel_loop3A_680 = vector.broadcast %parallel_loop3A_679 : i32 to vector<16xi32>
      %parallel_loop3A_681 = arith.muli %parallel_loop3A_664, %parallel_loop3A_680 : vector<16xi32>
      %parallel_loop3A_682 = arith.addi %parallel_loop3A_681, %parallel_loop3A_665 : vector<16xi32>
      %parallel_loop3A_683 = arith.constant 1 : i32
      %parallel_loop3A_684 = vector.broadcast %parallel_loop3A_683 : i32 to vector<16xi32>
      %parallel_loop3A_685 = arith.addi %parallel_loop3A_682, %parallel_loop3A_684 : vector<16xi32>
      %parallel_loop3A_686 = tpu.vector_load_idx %arg14[%parallel_loop3A_682] masked %parallel_loop3A_678 : memref<65808xf32, #tpu.memory_space<vmem>>[vector<16xi32>], vector<16xf32>, vector<16xi1>
      %parallel_loop3A_687 = tpu.vector_load_idx %arg14[%parallel_loop3A_685] masked %parallel_loop3A_678 : memref<65808xf32, #tpu.memory_space<vmem>>[vector<16xi32>], vector<16xf32>, vector<16xi1>
      %parallel_loop3A_688 = arith.constant 256 : i32
      %parallel_loop3A_689 = tpu.memref_slice %arg14[%parallel_loop3A_688] : memref<65808xf32, #tpu.memory_space<vmem>> -> memref<65538xf32, #tpu.memory_space<vmem>>
      %parallel_loop3A_690 = tpu.vector_load_idx %parallel_loop3A_689[%parallel_loop3A_682] masked %parallel_loop3A_678 : memref<65538xf32, #tpu.memory_space<vmem>>[vector<16xi32>], vector<16xf32>, vector<16xi1>
      %parallel_loop3A_691 = arith.constant 256 : i32
      %parallel_loop3A_692 = tpu.memref_slice %arg14[%parallel_loop3A_691] : memref<65808xf32, #tpu.memory_space<vmem>> -> memref<65538xf32, #tpu.memory_space<vmem>>
      %parallel_loop3A_693 = tpu.vector_load_idx %parallel_loop3A_692[%parallel_loop3A_685] masked %parallel_loop3A_678 : memref<65538xf32, #tpu.memory_space<vmem>>[vector<16xi32>], vector<16xf32>, vector<16xi1>
      %parallel_loop3A_694 = arith.subf %parallel_loop3A_690, %parallel_loop3A_686 : vector<16xf32>
      %parallel_loop3A_695 = arith.mulf %parallel_loop3A_667, %parallel_loop3A_694 : vector<16xf32>
      %parallel_loop3A_696 = arith.addf %parallel_loop3A_686, %parallel_loop3A_695 : vector<16xf32>
      %parallel_loop3A_697 = arith.subf %parallel_loop3A_693, %parallel_loop3A_687 : vector<16xf32>
      %parallel_loop3A_698 = arith.mulf %parallel_loop3A_667, %parallel_loop3A_697 : vector<16xf32>
      %parallel_loop3A_699 = arith.addf %parallel_loop3A_687, %parallel_loop3A_698 : vector<16xf32>
      %parallel_loop3A_700 = arith.subf %parallel_loop3A_699, %parallel_loop3A_696 : vector<16xf32>
      %parallel_loop3A_701 = arith.mulf %parallel_loop3A_669, %parallel_loop3A_700 : vector<16xf32>
      %parallel_loop3A_702 = arith.addf %parallel_loop3A_696, %parallel_loop3A_701 : vector<16xf32>
      %parallel_loop3A_703 = math.exp %parallel_loop3A_654 : vector<16xf32>
      %parallel_loop3A_704 = arith.mulf %parallel_loop3A_702, %parallel_loop3A_703 : vector<16xf32>
      %parallel_loop3A_705 = arith.addf %parallel_loop3A_653, %parallel_loop3A_704 : vector<16xf32>
      %parallel_loop3A_706 = arith.addf %parallel_loop3A_654, %parallel_loop3A_655 : vector<16xf32>
      %parallel_loop3A_707 = arith.addf %parallel_loop3A_655, %parallel_loop3A_185 : vector<16xf32>
      %parallel_loop3A_708 = arith.constant 1.000000e+01 : f32
      %parallel_loop3A_709 = vector.broadcast %parallel_loop3A_708 : f32 to vector<16xf32>
      %parallel_loop3A_710 = arith.mulf %parallel_loop3A_159, %parallel_loop3A_709 : vector<16xf32>
      %parallel_loop3A_711 = arith.addf %parallel_loop3A_152, %parallel_loop3A_710 : vector<16xf32>
      %parallel_loop3A_712 = arith.constant 1.000000e+01 : f32
      %parallel_loop3A_713 = vector.broadcast %parallel_loop3A_712 : f32 to vector<16xf32>
      %parallel_loop3A_714 = arith.mulf %parallel_loop3A_161, %parallel_loop3A_713 : vector<16xf32>
      %parallel_loop3A_715 = arith.addf %parallel_loop3A_157, %parallel_loop3A_714 : vector<16xf32>
      %parallel_loop3A_716 = arith.fptosi %parallel_loop3A_711 : vector<16xf32> to vector<16xi32>
      %parallel_loop3A_717 = arith.fptosi %parallel_loop3A_715 : vector<16xf32> to vector<16xi32>
      %parallel_loop3A_718 = arith.sitofp %parallel_loop3A_716 : vector<16xi32> to vector<16xf32>
      %parallel_loop3A_719 = arith.subf %parallel_loop3A_711, %parallel_loop3A_718 : vector<16xf32>
      %parallel_loop3A_720 = arith.sitofp %parallel_loop3A_717 : vector<16xi32> to vector<16xf32>
      %parallel_loop3A_721 = arith.subf %parallel_loop3A_715, %parallel_loop3A_720 : vector<16xf32>
      %parallel_loop3A_722 = vector.broadcast %parallel_loop3A_56 : f32 to vector<16xf32>
      %parallel_loop3A_723 = arith.subf %parallel_loop3A_711, %parallel_loop3A_722 : vector<16xf32>
      %parallel_loop3A_724 = math.absf %parallel_loop3A_723 : vector<16xf32>
      %parallel_loop3A_725 = vector.broadcast %parallel_loop3A_57 : f32 to vector<16xf32>
      %parallel_loop3A_726 = arith.subf %parallel_loop3A_715, %parallel_loop3A_725 : vector<16xf32>
      %parallel_loop3A_727 = math.absf %parallel_loop3A_726 : vector<16xf32>
      %parallel_loop3A_728 = arith.maximumf %parallel_loop3A_724, %parallel_loop3A_727 : vector<16xf32>
      %parallel_loop3A_729 = vector.broadcast %parallel_loop3A_56 : f32 to vector<16xf32>
      %parallel_loop3A_730 = arith.cmpf olt, %parallel_loop3A_728, %parallel_loop3A_729 : vector<16xf32>
      %parallel_loop3A_731 = arith.constant 256 : i32
      %parallel_loop3A_732 = vector.broadcast %parallel_loop3A_731 : i32 to vector<16xi32>
      %parallel_loop3A_733 = arith.muli %parallel_loop3A_716, %parallel_loop3A_732 : vector<16xi32>
      %parallel_loop3A_734 = arith.addi %parallel_loop3A_733, %parallel_loop3A_717 : vector<16xi32>
      %parallel_loop3A_735 = arith.constant 1 : i32
      %parallel_loop3A_736 = vector.broadcast %parallel_loop3A_735 : i32 to vector<16xi32>
      %parallel_loop3A_737 = arith.addi %parallel_loop3A_734, %parallel_loop3A_736 : vector<16xi32>
      %parallel_loop3A_738 = tpu.vector_load_idx %arg14[%parallel_loop3A_734] masked %parallel_loop3A_730 : memref<65808xf32, #tpu.memory_space<vmem>>[vector<16xi32>], vector<16xf32>, vector<16xi1>
      %parallel_loop3A_739 = tpu.vector_load_idx %arg14[%parallel_loop3A_737] masked %parallel_loop3A_730 : memref<65808xf32, #tpu.memory_space<vmem>>[vector<16xi32>], vector<16xf32>, vector<16xi1>
      %parallel_loop3A_740 = arith.constant 256 : i32
      %parallel_loop3A_741 = tpu.memref_slice %arg14[%parallel_loop3A_740] : memref<65808xf32, #tpu.memory_space<vmem>> -> memref<65538xf32, #tpu.memory_space<vmem>>
      %parallel_loop3A_742 = tpu.vector_load_idx %parallel_loop3A_741[%parallel_loop3A_734] masked %parallel_loop3A_730 : memref<65538xf32, #tpu.memory_space<vmem>>[vector<16xi32>], vector<16xf32>, vector<16xi1>
      %parallel_loop3A_743 = arith.constant 256 : i32
      %parallel_loop3A_744 = tpu.memref_slice %arg14[%parallel_loop3A_743] : memref<65808xf32, #tpu.memory_space<vmem>> -> memref<65538xf32, #tpu.memory_space<vmem>>
      %parallel_loop3A_745 = tpu.vector_load_idx %parallel_loop3A_744[%parallel_loop3A_737] masked %parallel_loop3A_730 : memref<65538xf32, #tpu.memory_space<vmem>>[vector<16xi32>], vector<16xf32>, vector<16xi1>
      %parallel_loop3A_746 = arith.subf %parallel_loop3A_742, %parallel_loop3A_738 : vector<16xf32>
      %parallel_loop3A_747 = arith.mulf %parallel_loop3A_719, %parallel_loop3A_746 : vector<16xf32>
      %parallel_loop3A_748 = arith.addf %parallel_loop3A_738, %parallel_loop3A_747 : vector<16xf32>
      %parallel_loop3A_749 = arith.subf %parallel_loop3A_745, %parallel_loop3A_739 : vector<16xf32>
      %parallel_loop3A_750 = arith.mulf %parallel_loop3A_719, %parallel_loop3A_749 : vector<16xf32>
      %parallel_loop3A_751 = arith.addf %parallel_loop3A_739, %parallel_loop3A_750 : vector<16xf32>
      %parallel_loop3A_752 = arith.subf %parallel_loop3A_751, %parallel_loop3A_748 : vector<16xf32>
      %parallel_loop3A_753 = arith.mulf %parallel_loop3A_721, %parallel_loop3A_752 : vector<16xf32>
      %parallel_loop3A_754 = arith.addf %parallel_loop3A_748, %parallel_loop3A_753 : vector<16xf32>
      %parallel_loop3A_755 = math.exp %parallel_loop3A_706 : vector<16xf32>
      %parallel_loop3A_756 = arith.mulf %parallel_loop3A_754, %parallel_loop3A_755 : vector<16xf32>
      %parallel_loop3A_757 = arith.addf %parallel_loop3A_705, %parallel_loop3A_756 : vector<16xf32>
      %parallel_loop3A_758 = arith.addf %parallel_loop3A_706, %parallel_loop3A_707 : vector<16xf32>
      %parallel_loop3A_759 = arith.addf %parallel_loop3A_707, %parallel_loop3A_185 : vector<16xf32>
      %parallel_loop3A_760 = arith.constant 1.100000e+01 : f32
      %parallel_loop3A_761 = vector.broadcast %parallel_loop3A_760 : f32 to vector<16xf32>
      %parallel_loop3A_762 = arith.mulf %parallel_loop3A_159, %parallel_loop3A_761 : vector<16xf32>
      %parallel_loop3A_763 = arith.addf %parallel_loop3A_152, %parallel_loop3A_762 : vector<16xf32>
      %parallel_loop3A_764 = arith.constant 1.100000e+01 : f32
      %parallel_loop3A_765 = vector.broadcast %parallel_loop3A_764 : f32 to vector<16xf32>
      %parallel_loop3A_766 = arith.mulf %parallel_loop3A_161, %parallel_loop3A_765 : vector<16xf32>
      %parallel_loop3A_767 = arith.addf %parallel_loop3A_157, %parallel_loop3A_766 : vector<16xf32>
      %parallel_loop3A_768 = arith.fptosi %parallel_loop3A_763 : vector<16xf32> to vector<16xi32>
      %parallel_loop3A_769 = arith.fptosi %parallel_loop3A_767 : vector<16xf32> to vector<16xi32>
      %parallel_loop3A_770 = arith.sitofp %parallel_loop3A_768 : vector<16xi32> to vector<16xf32>
      %parallel_loop3A_771 = arith.subf %parallel_loop3A_763, %parallel_loop3A_770 : vector<16xf32>
      %parallel_loop3A_772 = arith.sitofp %parallel_loop3A_769 : vector<16xi32> to vector<16xf32>
      %parallel_loop3A_773 = arith.subf %parallel_loop3A_767, %parallel_loop3A_772 : vector<16xf32>
      %parallel_loop3A_774 = vector.broadcast %parallel_loop3A_56 : f32 to vector<16xf32>
      %parallel_loop3A_775 = arith.subf %parallel_loop3A_763, %parallel_loop3A_774 : vector<16xf32>
      %parallel_loop3A_776 = math.absf %parallel_loop3A_775 : vector<16xf32>
      %parallel_loop3A_777 = vector.broadcast %parallel_loop3A_57 : f32 to vector<16xf32>
      %parallel_loop3A_778 = arith.subf %parallel_loop3A_767, %parallel_loop3A_777 : vector<16xf32>
      %parallel_loop3A_779 = math.absf %parallel_loop3A_778 : vector<16xf32>
      %parallel_loop3A_780 = arith.maximumf %parallel_loop3A_776, %parallel_loop3A_779 : vector<16xf32>
      %parallel_loop3A_781 = vector.broadcast %parallel_loop3A_56 : f32 to vector<16xf32>
      %parallel_loop3A_782 = arith.cmpf olt, %parallel_loop3A_780, %parallel_loop3A_781 : vector<16xf32>
      %parallel_loop3A_783 = arith.constant 256 : i32
      %parallel_loop3A_784 = vector.broadcast %parallel_loop3A_783 : i32 to vector<16xi32>
      %parallel_loop3A_785 = arith.muli %parallel_loop3A_768, %parallel_loop3A_784 : vector<16xi32>
      %parallel_loop3A_786 = arith.addi %parallel_loop3A_785, %parallel_loop3A_769 : vector<16xi32>
      %parallel_loop3A_787 = arith.constant 1 : i32
      %parallel_loop3A_788 = vector.broadcast %parallel_loop3A_787 : i32 to vector<16xi32>
      %parallel_loop3A_789 = arith.addi %parallel_loop3A_786, %parallel_loop3A_788 : vector<16xi32>
      %parallel_loop3A_790 = tpu.vector_load_idx %arg14[%parallel_loop3A_786] masked %parallel_loop3A_782 : memref<65808xf32, #tpu.memory_space<vmem>>[vector<16xi32>], vector<16xf32>, vector<16xi1>
      %parallel_loop3A_791 = tpu.vector_load_idx %arg14[%parallel_loop3A_789] masked %parallel_loop3A_782 : memref<65808xf32, #tpu.memory_space<vmem>>[vector<16xi32>], vector<16xf32>, vector<16xi1>
      %parallel_loop3A_792 = arith.constant 256 : i32
      %parallel_loop3A_793 = tpu.memref_slice %arg14[%parallel_loop3A_792] : memref<65808xf32, #tpu.memory_space<vmem>> -> memref<65538xf32, #tpu.memory_space<vmem>>
      %parallel_loop3A_794 = tpu.vector_load_idx %parallel_loop3A_793[%parallel_loop3A_786] masked %parallel_loop3A_782 : memref<65538xf32, #tpu.memory_space<vmem>>[vector<16xi32>], vector<16xf32>, vector<16xi1>
      %parallel_loop3A_795 = arith.constant 256 : i32
      %parallel_loop3A_796 = tpu.memref_slice %arg14[%parallel_loop3A_795] : memref<65808xf32, #tpu.memory_space<vmem>> -> memref<65538xf32, #tpu.memory_space<vmem>>
      %parallel_loop3A_797 = tpu.vector_load_idx %parallel_loop3A_796[%parallel_loop3A_789] masked %parallel_loop3A_782 : memref<65538xf32, #tpu.memory_space<vmem>>[vector<16xi32>], vector<16xf32>, vector<16xi1>
      %parallel_loop3A_798 = arith.subf %parallel_loop3A_794, %parallel_loop3A_790 : vector<16xf32>
      %parallel_loop3A_799 = arith.mulf %parallel_loop3A_771, %parallel_loop3A_798 : vector<16xf32>
      %parallel_loop3A_800 = arith.addf %parallel_loop3A_790, %parallel_loop3A_799 : vector<16xf32>
      %parallel_loop3A_801 = arith.subf %parallel_loop3A_797, %parallel_loop3A_791 : vector<16xf32>
      %parallel_loop3A_802 = arith.mulf %parallel_loop3A_771, %parallel_loop3A_801 : vector<16xf32>
      %parallel_loop3A_803 = arith.addf %parallel_loop3A_791, %parallel_loop3A_802 : vector<16xf32>
      %parallel_loop3A_804 = arith.subf %parallel_loop3A_803, %parallel_loop3A_800 : vector<16xf32>
      %parallel_loop3A_805 = arith.mulf %parallel_loop3A_773, %parallel_loop3A_804 : vector<16xf32>
      %parallel_loop3A_806 = arith.addf %parallel_loop3A_800, %parallel_loop3A_805 : vector<16xf32>
      %parallel_loop3A_807 = math.exp %parallel_loop3A_758 : vector<16xf32>
      %parallel_loop3A_808 = arith.mulf %parallel_loop3A_806, %parallel_loop3A_807 : vector<16xf32>
      %parallel_loop3A_809 = arith.addf %parallel_loop3A_757, %parallel_loop3A_808 : vector<16xf32>
      %parallel_loop3A_810 = arith.addf %parallel_loop3A_758, %parallel_loop3A_759 : vector<16xf32>
      %parallel_loop3A_811 = arith.addf %parallel_loop3A_759, %parallel_loop3A_185 : vector<16xf32>
      %parallel_loop3A_812 = arith.mulf %parallel_loop3A_809, %parallel_loop3A_170 : vector<16xf32>
      %parallel_loop3A_813 = arith.index_cast %parallel_loop3A_60 : i32 to index
      %parallel_loop3A_814 = tpu.vector_load %arg24[%parallel_loop3A_813] {strides = array<i32>} : memref<6256xf32, #tpu.memory_space<vmem>>, vector<16xf32>,
      tpu.vector_store %arg24[%parallel_loop3A_813], %parallel_loop3A_812 {strides = array<i32>} : memref<6256xf32, #tpu.memory_space<vmem>>, vector<16xf32>,
    } {sc.loop_unroll_factor = 4 : i64, sc.parallel_access}
    "tpu.region"() ({
      %run_scoped3A = tpu.sem_alloc : memref<!tpu.dma_semaphore, #tpu.memory_space<semaphore_mem>>
      %dma_start3A_58 = tpu.memref_slice %arg13[%min3A_3] : memref<200000xf32, #tpu.memory_space<hbm>> -> memref<6256xf32, #tpu.memory_space<hbm>>
      %dma_start3A_59 = tpu.memref_slice %arg13[%min3A_3] : memref<200000xf32, #tpu.memory_space<hbm>> -> memref<6256xf32, #tpu.memory_space<hbm>>
      tpu.enqueue_dma source(%arg24 : memref<6256xf32, #tpu.memory_space<vmem>>) target(%dma_start3A_59 : memref<6256xf32, #tpu.memory_space<hbm>>) target_semaphore(%run_scoped3A : memref<!tpu.dma_semaphore, #tpu.memory_space<semaphore_mem>>)
      %dma_wait3A_60 = tpu.memref_slice %arg13[%min3A_3] : memref<200000xf32, #tpu.memory_space<hbm>> -> memref<6256xf32, #tpu.memory_space<hbm>>
      %dma_wait3A_61 = tpu.memref_slice %arg13[%min3A_3] : memref<200000xf32, #tpu.memory_space<hbm>> -> memref<6256xf32, #tpu.memory_space<hbm>>
      tpu.wait_dma2 semaphore(%run_scoped3A : memref<!tpu.dma_semaphore, #tpu.memory_space<semaphore_mem>>) src(%arg24 : memref<6256xf32, #tpu.memory_space<vmem>>) dst(%dma_wait3A_61 : memref<6256xf32, #tpu.memory_space<hbm>>)
      tpu.yield
    }) : () -> ()
    return
  }
}

</mosaic_0001>

<sc_bundles>
// kernel: kernel.3.cloned.1.call-start
scs
__scs_entry_jumppad:
0x0: {  	(pc) =	sbr.rel $0x88, $3  }
0x1: {  	(tag) =	ssettag $0x0;
	lr =	simm.s32 $0x1  }
0x2: {  	[smem:$0x3F94] =	sst lr;
	_ =	strace $0xD0000000  }
0x3: {  	_ = 	snop  }
0x4: {  	_ = 	snop  }
0x5: {  	_ = 	snop  }
0x6: {  	_ = 	snop  }
0x7: {  	_ = 	snop  }
__scs_overlays_trampoline_lowered:
0x8: {  	[smem:$0x3FA3] =	sst s0  }
0x9: {  	[smem:$0x3FA4] =	sst s1  }
0xa: {  	[smem:$0x3FA5] =	sst s2  }
0xb: {  	[smem:$0x3FA6] =	sst s3  }
0xc: {  	[smem:$0x3FA7] =	sst s4  }
0xd: {  	[smem:$0x3FA8] =	sst s5  }
0xe: {  	[smem:$0x3FA9] =	sst s6  }
0xf: {  	[smem:$0x3FAA] =	sst s7  }
0x10: {  	[smem:$0x3FAB] =	sst s8  }
0x11: {  	[smem:$0x3FAC] =	sst s9;
	s0 =	simm.s32 @!p0 $0x0  }
0x12: {  	s1 =	sld [smem:$0x3F92];
	s0 =	simm.s32 @p0 $0x1  }
0x13: {  	[smem:$0x3FAD] =	sst s0;
	s0 =	simm.s32 @!p1 $0x0  }
0x14: {  	s2 =	sld [smem:$0x3F91];
	s0 =	simm.s32 @p1 $0x1  }
0x15: {  	[smem:$0x3FAE] =	sst s0;
	s0 =	simm.s32 @!p2 $0x0  }
0x16: {  	s3 =	sld [smem:$0x3FDB];
	s0 =	simm.s32 @p2 $0x1  }
0x17: {  	s4 =	simm.s32 $0x1BF5;
	[smem:$0x3FB0] =	sst s0  }
0x18: {  	s0 =	sld [smem:$0x3F93];
	_ =	swait.ge [sflag:s4], $0x0  }
0x19: {  	s7 =	sld [smem:$0x3F94]  }
0x1a: {  	s8 =	sadd.s32 $0xFFFFE003, lr  }
0x1b: {  	s9 =	sadd.s32 $0xFFFFFEF7, lr;
	s5 =	simm.s32 $0xFFFFFFFF;
	p2 =	slt.u32 s8, $0xFFFFF086  }
0x1c: {  	p1 =	slt.u32 s9, $0xF7A;
	s5 =	simm.s32 @!p2 $0x0  }
0x1d: {  	s5 =	simm.s32 @p1 $0x1;
	p0 =	seq.s32 s7, s2  }
0x1e: {  	s7 =	smul.u32 @!p0 $0xF7A, s2;
	p2 =	seq.s32 @!p0 s5, $0x0  }
0x1f: {  	s9 =	smul.u32 $0xF7A, s1;
	s8 =	simm.s32 @!p0 $0x1BF5;
	p2 =	por !p2, p0  }
0x20: {  	[sflag:s8] =	ssyncset.s32 @!p0 $0xFFFFF086;
	s6 =	sadd.s32 @!p0 s3, s7;
	s7 =	simm.s32 @!p0 $0x108  }
0x21: {  	s3 =	sadd.s32 s3, s9;
	s6 =	sadd.s32 @!p0 $0x88, s6;
	s7 =	simm.s32 @p2 $0x1082  }
0x22: {  	[simem:s7], [sflag:s8] =	dma.local @!p0 [hbm:s6], $0xF7A  }
0x23: {  	s9 =	sor.u32 $0xD0000000, s2;
	s6 =	simm.s32 $0x108;
	_ =	swait.ge @!p0 [sflag:s8], $0x0  }
0x24: {  	s3 =	sadd.s32 $0x88, s3;
	s6 =	simm.s32 @!p1 $0x1082;
	[sflag:s4] =	ssyncset.s32 $0xFFFFF086  }
0x25: {  	[simem:s6], [sflag:s4] =	dma.local [hbm:s3], $0xF7A  }
0x26: {  	[smem:$0x3F94] =	sst s1;
	(tag) =	ssettag s2;
	_ =	strace s9  }
0x27: {  	s1 =	sld [smem:$0x3FA4]  }
0x28: {  	s2 =	sld [smem:$0x3FA5]  }
0x29: {  	s4 =	sld [smem:$0x3FA7]  }
0x2a: {  	p0 =	seq.s32 s5, $0x0;
	s5 =	sld [smem:$0x3FA8]  }
0x2b: {  	s6 =	sld [smem:$0x3FA9]  }
0x2c: {  	s7 =	sld [smem:$0x3FAA]  }
0x2d: {  	s3 =	simm.s32 $0x108;
	s8 =	sld [smem:$0x3FAB]  }
0x2e: {  	s3 =	simm.s32 @!p0 $0x1082;
	s9 =	sld [smem:$0x3FAC]  }
0x2f: {  	lr =	sadd.s32 s0, s3;
	s0 =	sld [smem:$0x3FA3]  }
0x30: {  	s3 =	sld [smem:$0x3FA6]  }
0x31: {  	[smem:$0x3FAF] =	sst s10  }
0x32: {  	s10 =	sld [smem:$0x3FAD];
	_ =	sdelay $0x3  }
0x33: {  	p0 =	seq.s32 s10, $0x1;
	s10 =	sld [smem:$0x3FAF];
	_ =	sdelay $0x3  }
0x34: {  	[smem:$0x3FAF] =	sst s10  }
0x35: {  	s10 =	sld [smem:$0x3FAE];
	_ =	sdelay $0x3  }
0x36: {  	p1 =	seq.s32 s10, $0x1;
	s10 =	sld [smem:$0x3FAF];
	_ =	sdelay $0x3  }
0x37: {  	[smem:$0x3FAF] =	sst s10  }
0x38: {  	s10 =	sld [smem:$0x3FB0]  }
0x39: {  	_ = 	snop;
	(pc) =	sbr.ind lr, $3  }
0x3a: {  	_ = 	snop  }
0x3b: {  	_ = 	snop  }
0x3c: {  	p2 =	seq.s32 s10, $0x1;
	s10 =	sld [smem:$0x3FAF]  }
0x3d: {  	_ =	shalt  }
0x3e: {  	_ =	shalt  }
0x3f: {  	_ =	shalt  }
0x40: {  	_ =	shalt  }
0x41: {  	_ =	shalt  }
0x42: {  	_ =	shalt  }
0x43: {  	_ =	shalt  }
0x44: {  	_ =	shalt  }
0x45: {  	_ =	shalt  }
0x46: {  	_ =	shalt  }
0x47: {  	_ =	shalt  }
0x48: {  	_ =	shalt  }
0x49: {  	_ =	shalt  }
0x4a: {  	_ =	shalt  }
0x4b: {  	_ =	shalt  }
0x4c: {  	_ =	shalt  }
0x4d: {  	_ =	shalt  }
0x4e: {  	_ =	shalt  }
0x4f: {  	_ =	shalt  }
0x50: {  	_ =	shalt  }
0x51: {  	_ =	shalt  }
0x52: {  	_ =	shalt  }
0x53: {  	_ =	shalt  }
0x54: {  	_ =	shalt  }
0x55: {  	_ =	shalt  }
0x56: {  	_ =	shalt  }
0x57: {  	_ =	shalt  }
0x58: {  	_ =	shalt  }
0x59: {  	_ =	shalt  }
0x5a: {  	_ =	shalt  }
0x5b: {  	_ =	shalt  }
0x5c: {  	_ =	shalt  }
0x5d: {  	_ =	shalt  }
0x5e: {  	_ =	shalt  }
0x5f: {  	_ =	shalt  }
0x60: {  	_ =	shalt  }
0x61: {  	_ =	shalt  }
0x62: {  	_ =	shalt  }
0x63: {  	_ =	shalt  }
0x64: {  	_ =	shalt  }
0x65: {  	_ =	shalt  }
0x66: {  	_ =	shalt  }
0x67: {  	_ =	shalt  }
0x68: {  	_ =	shalt  }
0x69: {  	_ =	shalt  }
0x6a: {  	_ =	shalt  }
0x6b: {  	_ =	shalt  }
0x6c: {  	_ =	shalt  }
0x6d: {  	_ =	shalt  }
0x6e: {  	_ =	shalt  }
0x6f: {  	_ =	shalt  }
0x70: {  	_ =	shalt  }
0x71: {  	_ =	shalt  }
0x72: {  	_ =	shalt  }
0x73: {  	_ =	shalt  }
0x74: {  	_ =	shalt  }
0x75: {  	_ =	shalt  }
0x76: {  	_ =	shalt  }
0x77: {  	_ =	shalt  }
0x78: {  	_ =	shalt  }
0x79: {  	_ =	shalt  }
0x7a: {  	_ =	shalt  }
0x7b: {  	_ =	shalt  }
0x7c: {  	_ =	shalt  }
0x7d: {  	_ =	shalt  }
0x7e: {  	_ =	shalt  }
0x7f: {  	_ =	shalt  }
0x80: {  	_ =	shalt  }
0x81: {  	_ =	shalt  }
0x82: {  	_ =	shalt  }
0x83: {  	_ =	shalt  }
0x84: {  	_ =	shalt  }
0x85: {  	_ =	shalt  }
0x86: {  	_ =	shalt  }
0x87: {  	_ =	shalt  }
.Lfunc_end0:
.L_simem_size_0:
called_computation_lowered:
.L_overlay_start_0:
0x88: {  	s2 =	sld [smem:$0x3FD9]  }
0x89: {  	s3 =	sld [smem:$0x3FFE];
	_ =	sdelay $0x1  }
0x8a: {  	s1 =	srdreg.scid  }
0x8b: {  	s0 =	sand.u32 $0x1, s1  }
0x8c: {  	s17 =	sshll.u32 s0, $0xA;
	s2 =	sadd.s32 s3, s2  }
0x8d: {  	s2 =	sadd.s32 s2, s17  }
0x8e: {  	[smem:$0x3FBB] =	sst s2  }
0x8f: {  	_ = 	snop  }
0x90: {  	s2 =	sld [smem:$0x3FC8]  }
0x91: {  	s18 =	sld [smem:$0x3FC7]  }
0x92: {  	s4 =	sld [smem:$0x3FC6]  }
0x93: {  	s5 =	sld [smem:$0x3FC5]  }
0x94: {  	s6 =	sld [smem:$0x3FC4]  }
0x95: {  	s7 =	sld [smem:$0x3FC3]  }
0x96: {  	s8 =	sld [smem:$0x3FC2]  }
0x97: {  	s9 =	sld [smem:$0x3FC1]  }
0x98: {  	s10 =	sld [smem:$0x3FC0]  }
0x99: {  	s11 =	sld [smem:$0x3FD0];
	(tm) =	ssettm $0x1  }
0x9a: {  	s12 =	sld [smem:$0x3FFB];
	_ =	sdelay $0x3  }
0x9b: {  	_ =	strace s12  }
0x9c: {  	s12 =	sld [smem:$0x3FFC];
	_ =	sdelay $0x3  }
0x9d: {  	_ =	strace s12  }
0x9e: {  	s12 =	sld [smem:$0x3FFD];
	_ =	sdelay $0x3  }
0x9f: {  	_ =	strace s12  }
0xa0: {  	_ =	strace $0x8FFFFFFF  }
0xa1: {  	s19 =	sld [smem:$0x3FDB];
	_ =	sdelay $0x1  }
0xa2: {  	s13 =	simm.s32 $_scs_section_size  }
0xa3: {  	s14 =	simm.s32 $_size__tile_overlayer_lowered;
	s15 =	simm.s32 $_tile_overlayer_lowered  }
0xa4: {  	s22 =	simm.s32 $0x1BFF;
	s21 =	sshll.u32 s15, $0x1;
	s12 =	sadd.s32 s13, s19  }
0xa5: {  	s16 =	simm.s32 $0x0;
	s20 =	sshll.u32 s14, $0x1;
	s14 =	sadd.s32 s21, s12  }
0xa6: {  	[timem:s16], [sflag:s22] =	dma.local [hbm:s14], s20  }
0xa7: {  	_ =	swait.ge [sflag:s22], s20  }
0xa8: {  	s13 =	ssub.s32 $0x0, s20;
	[sflag:s22] =	ssyncset.done $0x0  }
0xa9: {  	[sflag:s22] =	ssyncadd.s32 s13;
	_ =	sdelay $0x1  }
0xaa: {  	s23 =	simm.s32 $0x1B8B  }
0xab: {  	_ =	swait.ge [sflag:s23], $0x1  }
0xac: {  	[sflag:s23] =	ssyncset.done $0x0  }
0xad: {  	s25 =	simm.s32 $0x1B8E;
	s24 =	sld [smem:$0x3FFE];
	[sflag:s23] =	ssyncadd.s32 $0xFFFFFFFF  }
0xae: {  	s26 =	simm.s32 $execute0_lowered;
	[smem:$0x3FD2] =	sst s25  }
0xaf: {  	s14 =	sshll.u32 s26, $0x1;
	_ =	strace $0x80000046;
	[dreg:$0x1] =	wrdreg $0xFFFFFFFF  }
0xb0: {  	s28 =	simm.s32 $_size_execute0_lowered;
	s12 =	sadd.s32 s12, s14;
	[dreg:$0x0] =	wrdreg $0x0  }
0xb1: {  	s14 =	sshll.u32 s28, $0x1;
	[dreg:$0x2] =	wrdreg s12  }
0xb2: {  	[dreg:$0x3] =	wrdreg s14  }
0xb3: {  	[dreg:$0x4] =	wrdreg $0xC0  }
0xb4: {  	_ =	task [dreg:s16], $0x5FFFF  }
0xb5: {  	[dreg:$0x1] =	wrdreg $0xFFFFFFFF  }
0xb6: {  	[dreg:$0x0] =	wrdreg $0x60  }
0xb7: {  	[dreg:$0x2] =	wrdreg s24  }
0xb8: {  	[dreg:$0x3] =	wrdreg s18  }
0xb9: {  	[dreg:$0x4] =	wrdreg s4  }
0xba: {  	[dreg:$0x5] =	wrdreg s5  }
0xbb: {  	[dreg:$0x6] =	wrdreg s6  }
0xbc: {  	[dreg:$0x7] =	wrdreg s7  }
0xbd: {  	[dreg:$0x8] =	wrdreg s8  }
0xbe: {  	[dreg:$0x9] =	wrdreg s9  }
0xbf: {  	[dreg:$0xa] =	wrdreg s10  }
0xc0: {  	[dreg:$0xb] =	wrdreg s2  }
0xc1: {  	[dreg:$0xc] =	wrdreg s11  }
0xc2: {  	[dreg:$0xd] =	wrdreg $0x9  }
0xc3: {  	_ =	task.clear_ibuf [dreg:s16], $0xEFFFF;
	_ =	strace $0x90000046  }
0xc4: {  	s29 =	simm.s32 $0x9;
	_ =	strace $0x80000048  }
0xc5: {  	_ =	swait.ge [sflag:s29], $0x1  }
0xc6: {  	[sflag:s29] =	ssyncadd.s32 $0xFFFFFFFF  }
0xc7: {  	_ =	strace $0x90000048  }
0xc8: {  	_ =	sfence  }
0xc9: {  	s30 =	sld [smem:$0x0];
	_ =	sdelay $0x2  }
0xca: {  	s31 =	sshll.u32 s1, $0xD;
	s1 =	sshrl.u32 s1, $0x2  }
0xcb: {  	s3 =	sand.u32 $0x4000, s31;
	s1 =	sadd.s32 s1, s30  }
0xcc: {  	s0 =	sor.u32 s3, s0;
	s1 =	sshll.u32 s1, $0x11  }
0xcd: {  	s0 =	sor.u32 s1, s0  }
0xce: {  	s0 =	sadd.s32 $0x8F2B, s0  }
0xcf: {  	[sflag:s0] =	ssyncadd.remote.s32 $0x1  }
0xd0: {  	_ =	sfence.sel $0xFFFF  }
0xd1: {  	[dreg:$0x0] =	wrdreg $0xFFFFFFFF;
	(pc) =	sbr.abs _section_cstart, $3  }
0xd2: {  	[dreg:$0x1] =	wrdreg $0xFFFFFFFF  }
0xd3: {  	_ =	task.clear_ibuf [dreg:s16], $0x2FFFF;
	_ =	strace $0x9FFFFFFF  }
0xd4: {  	(tm) =	ssettm $0x7FFFFFFF  }
0xd5: {  	_ =	shalt  }
tec
execute0_lowered:
.L_overlay_start_1:
0x0: {  	(tag) =	ssettag $0x1  }
0x1: {  	s0 =	rddreg [dreg:$0x0]  }
0x2: {  	s1 =	rddreg [dreg:$0x1]  }
0x3: {  	s6 =	rddreg [dreg:$0x2]  }
0x4: {  	s7 =	rddreg [dreg:$0x3]  }
0x5: {  	s8 =	rddreg [dreg:$0x4]  }
0x6: {  	s9 =	rddreg [dreg:$0x5]  }
0x7: {  	s10 =	rddreg [dreg:$0x6]  }
0x8: {  	s11 =	rddreg [dreg:$0x7]  }
0x9: {  	s12 =	rddreg [dreg:$0x8]  }
0xa: {  	s13 =	rddreg [dreg:$0x9];
	s2 =	srdreg.scid  }
0xb: {  	s3 =	stileid.u32;
	s14 =	rddreg [dreg:$0xa]  }
0xc: {  	s28 =	simm.s32 $0x100;
	s4 =	sand.u32 $0x1, s2;
	s3 =	sshll.u32 s3, $0x1  }
0xd: {  	s29 =	simm.s32 $0x1DE00;
	s30 =	simm.s32 $0x2;
	s3 =	sor.u32 s4, s3  }
0xe: {  	s31 =	simm.s32 $0x0;
	s2 =	simm.s32 $0x0;
	s5 =	smul.u32 $0x1870, s3  }
0xf: {  	[smem:$0x7FF] =	sst s2;
	s15 =	ssub.s32 $0x2, s4;
	s4 =	sadd.s32 $0x2400, s0  }
0x10: {  	_ =	strace $0x80000047;
	s26 =	sshrl.u32 s15, $0x1;
	s5 =	smin.u32 s5, $0x2F4D0  }
0x11: {  	s3 =	sadd.s32 $0x400, s0;
	s0 =	ssub.s32 s15, s26;
	s16 =	sshrl.u32 s5, $0x3  }
0x12: {  	s26 =	simm.s32 $0x1;
	s15 =	smax.u32 s0, $0x1;
	s5 =	sadd.s32 s1, s16  }
0x13: {  	s6 =	sadd.s32 s6, s16;
	s7 =	sadd.s32 s7, s16;
	s8 =	sadd.s32 s8, s16  }
0x14: {  	s9 =	sadd.s32 s9, s16;
	s10 =	sadd.s32 s10, s16;
	s11 =	sadd.s32 s11, s16  }
0x15: {  	s12 =	sadd.s32 s12, s16;
	s13 =	sadd.s32 s13, s16;
	s14 =	sadd.s32 s14, s16  }
.LBB2_1:
0x16: {  	[tilespmem:s2], [sflag:$0x1] =	stream.linear.gather [hbm4b:s3+s2], $0x10000, $0x38;
	[tilespmem:$0x1F700] =	vst v63  }
0x17: {  	s0 =	simm.s32 $0x1F680  }
0x18: {  	[tilespmem:s0], [sflag:$0x1] =	stream.linear.gather [hbm4b:s4+s2], $0x80, $0x38;
	[tilespmem:$0x1F700] =	vst v63  }
0x19: {  	s17 =	simm.s32 $0x10180  }
0x1a: {  	[tilespmem:s17], [sflag:$0x1] =	stream.linear.gather [hbm4b:s5+s2], $0x1870, $0x38;
	[tilespmem:$0x1F700] =	vst v63  }
0x1b: {  	s18 =	simm.s32 $0x11A00  }
0x1c: {  	[tilespmem:s18], [sflag:$0x1] =	stream.linear.gather [hbm4b:s6+s2], $0x1870, $0x38;
	[tilespmem:$0x1F700] =	vst v63  }
0x1d: {  	s19 =	simm.s32 $0x13280  }
0x1e: {  	[tilespmem:s19], [sflag:$0x1] =	stream.linear.gather [hbm4b:s7+s2], $0x1870, $0x38;
	[tilespmem:$0x1F700] =	vst v63  }
0x1f: {  	s20 =	simm.s32 $0x14B00  }
0x20: {  	[tilespmem:s20], [sflag:$0x1] =	stream.linear.gather [hbm4b:s8+s2], $0x1870, $0x38;
	[tilespmem:$0x1F700] =	vst v63  }
0x21: {  	s21 =	simm.s32 $0x16380  }
0x22: {  	[tilespmem:s21], [sflag:$0x1] =	stream.linear.gather [hbm4b:s9+s2], $0x1870, $0x38;
	[tilespmem:$0x1F700] =	vst v63  }
0x23: {  	s22 =	simm.s32 $0x17C00  }
0x24: {  	[tilespmem:s22], [sflag:$0x1] =	stream.linear.gather [hbm4b:s10+s2], $0x1870, $0x38;
	[tilespmem:$0x1F700] =	vst v63  }
0x25: {  	s23 =	simm.s32 $0x19480  }
0x26: {  	[tilespmem:s23], [sflag:$0x1] =	stream.linear.gather [hbm4b:s11+s2], $0x1870, $0x38;
	[tilespmem:$0x1F700] =	vst v63  }
0x27: {  	s24 =	simm.s32 $0x1AD00  }
0x28: {  	[tilespmem:s24], [sflag:$0x1] =	stream.linear.gather [hbm4b:s12+s2], $0x1870, $0x38;
	[tilespmem:$0x1F700] =	vst v63  }
0x29: {  	s25 =	simm.s32 $0x1C580  }
0x2a: {  	[tilespmem:s25], [sflag:$0x1] =	stream.linear.gather [hbm4b:s13+s2], $0x1870, $0x38;
	[tilespmem:$0x1F700] =	vst v63  }
0x2b: {  	_ =	swait.ge [sflag:s26], $0x10000  }
0x2c: {  	[sflag:s26] =	ssyncset.done $0x0  }
0x2d: {  	[sflag:s26] =	ssyncadd.s32 $0xFFFF0000  }
0x2e: {  	_ =	swait.ge [sflag:s26], $0x80  }
0x2f: {  	[sflag:s26] =	ssyncset.done $0x0  }
0x30: {  	[sflag:s26] =	ssyncadd.s32 $0xFFFFFF80  }
0x31: {  	_ =	swait.ge [sflag:s26], $0x1870  }
0x32: {  	[sflag:s26] =	ssyncset.done $0x0  }
0x33: {  	[sflag:s26] =	ssyncadd.s32 $0xFFFFE790  }
0x34: {  	_ =	swait.ge [sflag:s26], $0x1870  }
0x35: {  	[sflag:s26] =	ssyncset.done $0x0  }
0x36: {  	[sflag:s26] =	ssyncadd.s32 $0xFFFFE790  }
0x37: {  	_ =	swait.ge [sflag:s26], $0x1870  }
0x38: {  	[sflag:s26] =	ssyncset.done $0x0  }
0x39: {  	[sflag:s26] =	ssyncadd.s32 $0xFFFFE790  }
0x3a: {  	_ =	swait.ge [sflag:s26], $0x1870  }
0x3b: {  	[sflag:s26] =	ssyncset.done $0x0  }
0x3c: {  	[sflag:s26] =	ssyncadd.s32 $0xFFFFE790  }
0x3d: {  	_ =	swait.ge [sflag:s26], $0x1870  }
0x3e: {  	[sflag:s26] =	ssyncset.done $0x0  }
0x3f: {  	[sflag:s26] =	ssyncadd.s32 $0xFFFFE790  }
0x40: {  	_ =	swait.ge [sflag:s26], $0x1870  }
0x41: {  	[sflag:s26] =	ssyncset.done $0x0  }
0x42: {  	[sflag:s26] =	ssyncadd.s32 $0xFFFFE790  }
0x43: {  	_ =	swait.ge [sflag:s26], $0x1870  }
0x44: {  	[sflag:s26] =	ssyncset.done $0x0  }
0x45: {  	[sflag:s26] =	ssyncadd.s32 $0xFFFFE790  }
0x46: {  	_ =	swait.ge [sflag:s26], $0x1870  }
0x47: {  	[sflag:s26] =	ssyncset.done $0x0  }
0x48: {  	[sflag:s26] =	ssyncadd.s32 $0xFFFFE790  }
0x49: {  	_ =	swait.ge [sflag:s26], $0x1870  }
0x4a: {  	[sflag:s26] =	ssyncset.done $0x0  }
0x4b: {  	s1 =	simm.s32 $0xFFFFFFFC;
	s16 =	simm.s32 $0x1C5A0;
	[sflag:s26] =	ssyncadd.s32 $0xFFFFE790  }
0x4c: {  	s0 =	simm.s32 $0x1DE20;
	s17 =	simm.s32 $0x1AD20;
	s18 =	simm.s32 $0x17C20;
	v0 =	vld [tilespmem:$0x1F680]  }
0x4d: {  	s19 =	simm.s32 $0x194A0;
	s20 =	simm.s32 $0x163A0;
	s21 =	simm.s32 $0x14B20;
	v1 =	vld [tilespmem:$0x1F690]  }
0x4e: {  	s22 =	simm.s32 $0x11A20;
	s23 =	simm.s32 $0x132A0;
	s24 =	simm.s32 $0x101A0;
	v2 =	vld [tilespmem:$0x1F6A0]  }
.LBB2_2:
0x4f: {  	v3 =	vld [tilespmem:s24+$0xFFFFFFE0]  }
0x50: {  	v4 =	vld [tilespmem:s23+$0xFFFFFFE0]  }
0x51: {  	v5 =	vld [tilespmem:s22+$0xFFFFFFE0]  }
0x52: {  	v6 =	vld [tilespmem:s21+$0xFFFFFFE0]  }
0x53: {  	v7 =	vld [tilespmem:s20+$0xFFFFFFE0]  }
0x54: {  	v8 =	vld [tilespmem:s19+$0xFFFFFFE0]  }
0x55: {  	v9 =	vld [tilespmem:s18+$0xFFFFFFE0]  }
0x56: {  	v10 =	vld [tilespmem:s17+$0xFFFFFFE0];
	_ =	sdelay $0x3  }
0x57: {  	v3 =	vadd.f32 v4, v3;
	v43 =	vadd.f32 v6, v5  }
0x58: {  	v44 =	vadd.f32 v8, v7;
	v45 =	vadd.f32 v10, v9  }
0x59: {  	v3 =	vmul.f32 $5.000000000e-01, v3;
	v4 =	vmul.f32 $5.000000000e-01, v43  }
0x5a: {  	v5 =	vmul.f32 $5.000000000e-01, v44;
	v6 =	vmul.f32 $5.000000000e-01, v45;
	_ =	sdelay $0x1  }
0x5b: {  	v5 =	vsub.f32 v5, v3;
	v6 =	vsub.f32 v6, v4;
	_ =	sdelay $0x1  }
0x5c: {  	v46 =	vmul.f32 v5, v5;
	v47 =	vmul.f32 v6, v6;
	_ =	sdelay $0x1  }
0x5d: {  	v8 =	vadd.f32 v47, v46;
	_ =	sdelay $0x1  }
0x5e: {  	v7 =	vmul.f32 $5.000000000e-01, v8;
	_ =	sdelay $0x1  }
0x5f: {  	v48 =	vmul.f32 $1.262626260e-03, v7;
	_ =	sdelay $0x1  }
0x60: {  	v9 =	vmul.f32 $1.262626260e-03, v48;
	_ =	sdelay $0x1  }
0x61: {  	v9 =	vsub.f32 $1.500000000e+00, v9;
	_ =	sdelay $0x1  }
0x62: {  	v9 =	vmul.f32 $1.262626260e-03, v9;
	_ =	sdelay $0x1  }
0x63: {  	v7 =	vmul.f32 v9, v7  }
0x64: {  	v49 =	vld [tilespmem:s16+$0xFFFFFFE0]  }
0x65: {  	v7 =	vmul.f32 v7, v9;
	_ =	sdelay $0x1  }
0x66: {  	v7 =	vsub.f32 $1.500000000e+00, v7;
	_ =	sdelay $0x1  }
0x67: {  	v10 =	vmul.f32 $1.498962340e-01, v49;
	v9 =	vmul.f32 v7, v9;
	_ =	sdelay $0x1  }
0x68: {  	v7 =	vmul.f32 v9, v10;
	_ =	sdelay $0x1  }
0x69: {  	v7 =	vadd.f32 $5.000000000e-01, v7;
	_ =	sdelay $0x1  }
0x6a: {  	v7 =	vmul.f32 $6.400000000e+01, v7;
	_ =	sdelay $0x1  }
0x6b: {  	v7 =	vadd.f32 $-5.000000000e-01, v7;
	_ =	sdelay $0x1  }
0x6c: {  	v7 =	vadd.f32 $-5.000000000e+00, v7;
	_ =	sdelay $0x1  }
0x6d: {  	v7 =	vmax.f32 v7, $0.0e+00  }
0x6e: {  	v7 =	vmin.f32 v7, $5.200000000e+01  }
0x6f: {  	v7 =	vtrunc.f32 v7  }
0x70: {  	v7 =	vadd.f32 $5.000000000e-01, v7  }
0x71: {  	v3 =	vmul.f32 v3, v0  }
0x72: {  	v5 =	vmul.f32 v5, v0;
	v11 =	vmul.f32 $1.562500000e-02, v7  }
0x73: {  	v4 =	vmul.f32 v4, v1;
	v6 =	vmul.f32 v6, v1  }
0x74: {  	v3 =	vadd.f32 $1.275000000e+02, v3;
	v7 =	vmul.f32 $1.562500000e-02, v5;
	v12 =	vmul.f32 v11, v5  }
0x75: {  	v4 =	vadd.f32 $1.275000000e+02, v4;
	v13 =	vmul.f32 v11, v6;
	v6 =	vmul.f32 $1.562500000e-02, v6  }
0x76: {  	v5 =	vadd.f32 v12, v3;
	v3 =	vmul.f32 $0.0e+00, v7  }
0x77: {  	v32 =	vadd.f32 v7, v7;
	v4 =	vadd.f32 v13, v4;
	v50 =	vmul.f32 $0.0e+00, v6  }
0x78: {  	v33 =	vadd.f32 v6, v6;
	v51 =	vadd.f32 v5, v3  }
0x79: {  	v10 =	vmul.f32 v10, v2;
	v12 =	vadd.f32 v4, v50;
	v56 =	vadd.f32 v5, v7  }
0x7a: {  	v31 =	vmul.f32 $4.000000000e+00, v6;
	v57 =	vadd.f32 v4, v6;
	v3 =	vtrunc.f32 v51  }
0x7b: {  	v14 =	vadd.f32 $-1.275000000e+02, v51;
	v17 =	vtrunc.f32 v12;
	v20 =	vtrunc.f32 v56  }
0x7c: {  	v15 =	vadd.f32 $-1.275000000e+02, v12;
	v23 =	vtrunc.f32 v57;
	v16 =	vcvt.f32.s32 v3  }
0x7d: {  	v21 =	vadd.f32 $-1.275000000e+02, v56;
	v3 =	vmul.f32 v9, v8;
	v52 =	vcvt.f32.s32 v17  }
0x7e: {  	v22 =	vadd.f32 $-1.275000000e+02, v57;
	v58 =	vcvt.f32.s32 v20;
	v23 =	vcvt.f32.s32 v23  }
0x7f: {  	v14 =	vand.u32 $0x7FFFFFFF, v14;
	v15 =	vand.u32 $0x7FFFFFFF, v15;
	v21 =	vand.u32 $0x7FFFFFFF, v21  }
0x80: {  	v22 =	vand.u32 $0x7FFFFFFF, v22;
	v53 =	vmax.f32 v14, v15;
	v54 =	vshll.u32 v16, $0x8  }
0x81: {  	v55 =	vmul.f32 v3, v2;
	v21 =	vmax.f32 v21, v22;
	vm0 =	vlt.f32 v53, $1.275000000e+02  }
0x82: {  	v61 =	vshll.u32 v58, $0x8;
	v16 =	vcvt.s32.f32 v16;
	v9 =	vadd.s32 v52, v54  }
0x83: {  	v8 =	vcvt.s32.f32 v52;
	v46 =	vcvt.s32.f32 v23;
	vm1 =	vlt.f32 v21, $1.275000000e+02  }
0x84: {  	v21 =	vadd.s32 v23, v61;
	v18 =	vmul.f32 $5.000000000e-01, v55;
	v19 =	vadd.s32 $0x1, v9  }
0x85: {  	v54 =	vmul.f32 $3.000000000e+00, v6;
	v11 =	vmul.f32 v11, v55;
	v13 =	vsub.f32 v51, v16  }
0x86: {  	v14 =	vmul.f32 $1.562500000e-02, v55;
	v16 =	vadd.f32 v5, v32;
	v10 =	vadd.f32 v18, v10  }
0x87: {  	v25 =	vadd.s32 $0x1, v21;
	v8 =	vsub.f32 v12, v8;
	v17 =	vsub.f32 v57, v46;
	v59 =	vld.idx.msk [tilespmem:v9+s2+$0x0], vm0  }
0x88: {  	v53 =	vmul.f32 $3.000000000e+00, v7;
	v55 =	vadd.f32 v4, v54;
	v10 =	vsub.f32 v11, v10;
	v9 =	vld.idx.msk [tilespmem:v9+s28+$0x0], vm0  }
0x89: {  	v62 =	vmul.f32 $5.000000000e-01, v14;
	v29 =	vxor.u32 $0x80000000, v14;
	v18 =	vcvt.s32.f32 v58;
	v60 =	vld.idx.msk [tilespmem:v19+s2+$0x0], vm0  }
0x8a: {  	v36 =	vtrunc.f32 v16;
	v37 =	vadd.f32 $-1.275000000e+02, v16;
	v19 =	vld.idx.msk [tilespmem:v19+s28+$0x0], vm0;
	v24 =	vmul.f32 v10, v10  }
0x8b: {  	v38 =	vcvt.f32.s32 v36;
	v58 =	vadd.f32 $-1.275000000e+02, v55;
	v15 =	vsub.f32 v56, v18;
	v27 =	vld.idx.msk [tilespmem:v21+s2+$0x0], vm1  }
0x8c: {  	v28 =	vld.idx.msk [tilespmem:v25+s2+$0x0], vm1;
	v10 =	vadd.f32 v10, v62;
	v63 =	vmul.f32 $-5.000000000e-01, v24;
	v24 =	vadd.f32 v4, v33  }
0x8d: {  	v34 =	vld.idx.msk [tilespmem:v21+s28+$0x0], vm1;
	v42 =	vshll.u32 v38, $0x8;
	v52 =	vcvt.s32.f32 v38;
	v61 =	vand.u32 $0x7FFFFFFF, v58  }
0x8e: {  	v35 =	vld.idx.msk [tilespmem:v25+s28+$0x0], vm1;
	v10 =	vmul.f32 v29, v10;
	v26 =	vmul.f32 $1.442695020e+00, v63;
	v30 =	vadd.f32 $-1.275000000e+02, v24  }
0x8f: {  	v9 =	vsub.f32 v9, v59;
	v19 =	vsub.f32 v19, v60;
	v39 =	vtrunc.f32 v24  }
0x90: {  	(erf) = vpow2.f32 v26;
	v26 =	vand.u32 $0x7FFFFFFF, v37;
	v30 =	vand.u32 $0x7FFFFFFF, v30  }
0x91: {  	v45 =	vadd.f32 v10, v63;
	v40 =	vcvt.f32.s32 v39;
	v41 =	vmax.f32 v26, v30  }
0x92: {  	v9 =	vmul.f32 v13, v9;
	v13 =	vmul.f32 v13, v19;
	vm7 =	vlt.f32 v41, $1.275000000e+02  }
0x93: {  	v21 =	vsub.f32 v35, v28;
	v19 =	vsub.f32 v34, v27;
	v18 =	vadd.s32 v40, v42  }
0x94: {  	v49 =	vmul.f32 $1.442695020e+00, v45;
	v9 =	vadd.f32 v9, v59;
	v11 =	vadd.f32 v13, v60  }
0x95: {  	v43 =	vmul.f32 v15, v19;
	v15 =	vmul.f32 v15, v21;
	v44 =	vadd.s32 $0x1, v18  }
0x96: {  	v30 =	vmul.f32 $4.000000000e+00, v7;
	(erf) = vpow2.f32 v49;
	v11 =	vsub.f32 v11, v9  }
0x97: {  	v60 =	vtrunc.f32 v55;
	v12 =	vadd.f32 v43, v27;
	v15 =	vadd.f32 v15, v28  }
0x98: {  	v16 =	vsub.f32 v16, v52;
	v43 =	vmul.f32 $5.000000000e+00, v7;
	v8 =	vmul.f32 v11, v8;
	v47 =	vld.idx.msk [tilespmem:v18+s2+$0x0], vm7  }
0x99: {  	v13 =	vcvt.s32.f32 v40;
	v63 =	vcvt.f32.s32 v60;
	v15 =	vsub.f32 v15, v12;
	v18 =	vld.idx.msk [tilespmem:v18+s28+$0x0], vm7  }
0x9a: {  	v25 =	vadd.f32 v5, v43;
	v9 =	vadd.f32 v8, v9;
	v8 =	vmul.f32 v29, v14;
	v50 =	vld.idx.msk [tilespmem:v44+s2+$0x0], vm7  }
0x9b: {  	v13 =	vsub.f32 v24, v13;
	v15 =	vmul.f32 v15, v17;
	v51 =	vld.idx.msk [tilespmem:v44+s28+$0x0], vm7;
	v44 =	vmul.f32 $5.000000000e+00, v6;
	v48 =	vpop (erf)  }
0x9c: {  	v46 =	vadd.f32 $-1.275000000e+02, v25;
	v9 =	vmul.f32 v9, v48;
	v10 =	vadd.f32 v10, v8  }
0x9d: {  	v49 =	vtrunc.f32 v25;
	v12 =	vadd.f32 v15, v12;
	v15 =	vadd.f32 v5, v53  }
0x9e: {  	v26 =	vadd.f32 v4, v44;
	v19 =	vand.u32 $0x7FFFFFFF, v46;
	v9 =	vadd.f32 $0.0e+00, v9  }
0x9f: {  	v62 =	vpop (erf);
	v56 =	vtrunc.f32 v15;
	v57 =	vadd.f32 $-1.275000000e+02, v15;
	v11 =	vadd.f32 v10, v45  }
0xa0: {  	v12 =	vmul.f32 v12, v62;
	v10 =	vadd.f32 v10, v8;
	v18 =	vsub.f32 v18, v47  }
0xa1: {  	v17 =	vsub.f32 v51, v50;
	v59 =	vcvt.f32.s32 v56;
	v56 =	vmul.f32 $6.000000000e+00, v6  }
0xa2: {  	v21 =	vand.u32 $0x7FFFFFFF, v57;
	v9 =	vadd.f32 v9, v12;
	v12 =	vadd.f32 v5, v30  }
0xa3: {  	v32 =	vmul.f32 $1.442695020e+00, v11;
	v11 =	vadd.f32 v10, v11;
	v10 =	vadd.f32 v10, v8  }
0xa4: {  	v18 =	vmul.f32 v16, v18;
	v16 =	vmul.f32 v16, v17;
	v28 =	vmax.f32 v21, v61  }
0xa5: {  	v29 =	vshll.u32 v59, $0x8;
	v17 =	vcvt.s32.f32 v59;
	vm8 =	vlt.f32 v28, $1.275000000e+02  }
0xa6: {  	v20 =	vadd.s32 v63, v29;
	v35 =	vadd.f32 $-1.275000000e+02, v12;
	(erf) = vpow2.f32 v32  }
0xa7: {  	v38 =	vtrunc.f32 v12;
	v29 =	vcvt.f32.s32 v49;
	v18 =	vadd.f32 v18, v47  }
0xa8: {  	v14 =	vadd.f32 v16, v50;
	v33 =	vadd.s32 $0x1, v20;
	v16 =	vcvt.s32.f32 v63  }
0xa9: {  	v15 =	vsub.f32 v15, v17;
	v47 =	vadd.f32 $-1.275000000e+02, v26;
	v23 =	vand.u32 $0x7FFFFFFF, v35  }
0xaa: {  	v54 =	vshll.u32 v29, $0x8;
	v14 =	vsub.f32 v14, v18;
	v16 =	vsub.f32 v55, v16  }
0xab: {  	v28 =	vand.u32 $0x7FFFFFFF, v47;
	v55 =	vmul.f32 $6.000000000e+00, v7;
	v47 =	vmul.f32 $7.000000000e+00, v7  }
0xac: {  	v19 =	vmax.f32 v19, v28;
	v13 =	vmul.f32 v14, v13;
	v14 =	vadd.f32 v4, v31  }
0xad: {  	v31 =	vtrunc.f32 v26;
	vm10 =	vlt.f32 v19, $1.275000000e+02;
	v28 =	vadd.f32 v5, v55  }
0xae: {  	v22 =	vadd.f32 v5, v47;
	v34 =	vld.idx.msk [tilespmem:v20+s2+$0x0], vm8;
	v52 =	vcvt.f32.s32 v31;
	v31 =	vadd.f32 v4, v56  }
0xaf: {  	v37 =	vld.idx.msk [tilespmem:v20+s28+$0x0], vm8;
	v20 =	vcvt.f32.s32 v38;
	v13 =	vadd.f32 v13, v18;
	v36 =	vadd.f32 $-1.275000000e+02, v14  }
0xb0: {  	v39 =	vtrunc.f32 v14;
	v60 =	vtrunc.f32 v28;
	v61 =	vadd.f32 $-1.275000000e+02, v28  }
0xb1: {  	v40 =	vld.idx.msk [tilespmem:v33+s2+$0x0], vm8;
	v41 =	vcvt.f32.s32 v39;
	v42 =	vshll.u32 v20, $0x8;
	v57 =	vcvt.s32.f32 v20  }
0xb2: {  	v21 =	vld.idx.msk [tilespmem:v33+s28+$0x0], vm8;
	v58 =	vadd.s32 v52, v54;
	v33 =	vadd.f32 $-1.275000000e+02, v31;
	v17 =	vcvt.f32.s32 v60  }
0xb3: {  	v35 =	vtrunc.f32 v31;
	v39 =	vcvt.s32.f32 v29;
	v24 =	vand.u32 $0x7FFFFFFF, v36  }
0xb4: {  	v59 =	vpop (erf);
	v32 =	vadd.s32 $0x1, v58;
	v27 =	vand.u32 $0x7FFFFFFF, v61;
	v23 =	vmax.f32 v23, v24  }
0xb5: {  	v35 =	vcvt.f32.s32 v35;
	v13 =	vmul.f32 v13, v59;
	vm9 =	vlt.f32 v23, $1.275000000e+02  }
0xb6: {  	v12 =	vsub.f32 v12, v57;
	v33 =	vand.u32 $0x7FFFFFFF, v33;
	v23 =	vadd.s32 v41, v42  }
0xb7: {  	v63 =	vshll.u32 v17, $0x8;
	v24 =	vcvt.s32.f32 v41;
	v45 =	vadd.s32 $0x1, v23  }
0xb8: {  	v17 =	vcvt.s32.f32 v17;
	v18 =	vsub.f32 v37, v34;
	v21 =	vsub.f32 v21, v40  }
0xb9: {  	v27 =	vmax.f32 v27, v33;
	v37 =	vmul.f32 $1.442695020e+00, v11;
	v20 =	vadd.s32 v35, v63;
	v36 =	vld.idx.msk [tilespmem:v32+s2+$0x0], vm10  }
0xba: {  	v11 =	vadd.f32 v10, v11;
	v10 =	vadd.f32 v10, v8;
	v59 =	vcvt.s32.f32 v35;
	v32 =	vld.idx.msk [tilespmem:v32+s28+$0x0], vm10  }
0xbb: {  	vm11 =	vlt.f32 v27, $1.275000000e+02;
	v14 =	vsub.f32 v14, v24;
	v18 =	vmul.f32 v15, v18;
	v48 =	vld.idx.msk [tilespmem:v23+s2+$0x0], vm9  }
0xbc: {  	v17 =	vsub.f32 v28, v17;
	v15 =	vmul.f32 v15, v21;
	(erf) = vpow2.f32 v37;
	v50 =	vld.idx.msk [tilespmem:v45+s2+$0x0], vm9  }
0xbd: {  	v38 =	vadd.s32 $0x1, v20;
	v9 =	vadd.f32 v9, v13;
	v18 =	vadd.f32 v18, v34;
	v51 =	vld.idx.msk [tilespmem:v23+s28+$0x0], vm9  }
0xbe: {  	v15 =	vadd.f32 v15, v40;
	v40 =	vmul.f32 $1.442695020e+00, v11;
	v11 =	vadd.f32 v10, v11;
	v53 =	vld.idx.msk [tilespmem:v45+s28+$0x0], vm9  }
0xbf: {  	v62 =	vld.idx.msk [tilespmem:v58+s28+$0x0], vm10;
	v61 =	vsub.f32 v31, v59;
	v59 =	vmul.f32 $9.000000000e+00, v6;
	v10 =	vadd.f32 v10, v8  }
0xc0: {  	v34 =	vld.idx.msk [tilespmem:v58+s2+$0x0], vm10;
	v15 =	vsub.f32 v15, v18;
	(erf) = vpow2.f32 v40;
	v49 =	vmul.f32 $1.442695020e+00, v11  }
0xc1: {  	v23 =	vcvt.s32.f32 v52;
	v11 =	vadd.f32 v10, v11;
	v40 =	vmul.f32 $8.000000000e+00, v7  }
0xc2: {  	v44 =	vld.idx.msk [tilespmem:v38+s2+$0x0], vm11;
	v15 =	vmul.f32 v15, v16;
	v16 =	vsub.f32 v25, v39;
	v41 =	vsub.f32 v32, v36  }
0xc3: {  	v46 =	vld.idx.msk [tilespmem:v38+s28+$0x0], vm11;
	(erf) = vpow2.f32 v49;
	v21 =	vsub.f32 v51, v48;
	v19 =	vsub.f32 v53, v50  }
0xc4: {  	v54 =	vmul.f32 $1.442695020e+00, v11;
	v23 =	vsub.f32 v26, v23;
	v15 =	vadd.f32 v15, v18  }
0xc5: {  	v58 =	vpop (erf);
	v21 =	vmul.f32 v12, v21;
	v12 =	vmul.f32 v12, v19;
	v19 =	vsub.f32 v62, v34  }
0xc6: {  	v42 =	vld.idx.msk [tilespmem:v20+s2+$0x0], vm11;
	(erf) = vpow2.f32 v54;
	v51 =	vadd.f32 $-1.275000000e+02, v22;
	v60 =	vmul.f32 v15, v58  }
0xc7: {  	v45 =	vld.idx.msk [tilespmem:v20+s28+$0x0], vm11;
	v21 =	vadd.f32 v21, v48;
	v12 =	vadd.f32 v12, v50;
	v43 =	vmul.f32 v16, v19  }
0xc8: {  	v20 =	vsub.f32 v46, v44;
	v48 =	vmul.f32 $7.000000000e+00, v6;
	v50 =	vtrunc.f32 v22  }
0xc9: {  	v28 =	vand.u32 $0x7FFFFFFF, v51;
	v27 =	vcvt.f32.s32 v50;
	v12 =	vsub.f32 v12, v21  }
0xca: {  	v46 =	vld [tilespmem:s20+$0xFFFFFFF0];
	v18 =	vadd.f32 v43, v34;
	v24 =	vadd.f32 v4, v48;
	v43 =	vmul.f32 $8.000000000e+00, v6  }
0xcb: {  	v9 =	vadd.f32 v9, v60;
	v48 =	vld [tilespmem:s19+$0xFFFFFFF0];
	v12 =	vmul.f32 v12, v14;
	v14 =	vmul.f32 v16, v41  }
0xcc: {  	v52 =	vadd.f32 $-1.275000000e+02, v24;
	v16 =	vsub.f32 v45, v42;
	v53 =	vtrunc.f32 v24  }
0xcd: {  	v55 =	vshll.u32 v27, $0x8;
	v30 =	vcvt.f32.s32 v53;
	v14 =	vadd.f32 v14, v36  }
0xce: {  	v38 =	vld [tilespmem:s24+$0xFFFFFFF0];
	v29 =	vand.u32 $0x7FFFFFFF, v52;
	v16 =	vmul.f32 v17, v16;
	v17 =	vmul.f32 v17, v20  }
0xcf: {  	v41 =	vld [tilespmem:s23+$0xFFFFFFF0];
	v12 =	vadd.f32 v12, v21;
	v36 =	vcvt.s32.f32 v27;
	v28 =	vmax.f32 v28, v29  }
0xd0: {  	v56 =	vadd.s32 v30, v55;
	v15 =	vadd.f32 v48, v46;
	v14 =	vsub.f32 v14, v18  }
0xd1: {  	v62 =	vpop (erf);
	vm12 =	vlt.f32 v28, $1.275000000e+02;
	v16 =	vadd.f32 v16, v42;
	v17 =	vadd.f32 v17, v44  }
0xd2: {  	v57 =	vadd.s32 $0x1, v56;
	v12 =	vmul.f32 v12, v62;
	v37 =	vsub.f32 v22, v36  }
0xd3: {  	v22 =	vadd.f32 v4, v59;
	v14 =	vmul.f32 v14, v23;
	v17 =	vsub.f32 v17, v16  }
0xd4: {  	v42 =	vcvt.s32.f32 v30;
	v9 =	vadd.f32 v9, v12;
	v12 =	vadd.f32 v41, v38  }
0xd5: {  	v41 =	vmul.f32 $1.000000000e+01, v7;
	v21 =	vadd.f32 v14, v18;
	v23 =	vmul.f32 v17, v61  }
0xd6: {  	v62 =	vmul.f32 $5.000000000e-01, v15;
	v28 =	vpop (erf);
	v38 =	vadd.f32 $-1.275000000e+02, v22;
	v17 =	vadd.f32 v5, v40  }
0xd7: {  	v18 =	vadd.f32 v5, v41;
	v31 =	vmul.f32 v28, v21;
	v32 =	vadd.f32 v23, v16  }
0xd8: {  	v63 =	vld.idx.msk [tilespmem:v56+s2+$0x0], vm12;
	v16 =	vadd.f32 v10, v8;
	v23 =	vsub.f32 v24, v42;
	v47 =	vtrunc.f32 v17  }
0xd9: {  	v29 =	vld.idx.msk [tilespmem:v56+s28+$0x0], vm12;
	v21 =	vadd.f32 v4, v43;
	v56 =	vmul.f32 $9.000000000e+00, v7;
	v42 =	vmul.f32 $1.000000000e+01, v6  }
0xda: {  	v34 =	vpop (erf);
	v25 =	vld.idx.msk [tilespmem:v57+s2+$0x0], vm12;
	v50 =	vadd.f32 $-1.275000000e+02, v17;
	v48 =	vtrunc.f32 v18;
	v7 =	vmul.f32 $1.100000000e+01, v7  }
0xdb: {  	v33 =	vld.idx.msk [tilespmem:v57+s28+$0x0], vm12;
	v54 =	vcvt.f32.s32 v47;
	v9 =	vadd.f32 v9, v31;
	v35 =	vmul.f32 v34, v32  }
0xdc: {  	v45 =	vld [tilespmem:s21+$0xFFFFFFF0];
	v20 =	vadd.f32 v16, v11;
	v49 =	vtrunc.f32 v21;
	v51 =	vadd.f32 $-1.275000000e+02, v21  }
0xdd: {  	v44 =	vld [tilespmem:s22+$0xFFFFFFF0];
	v11 =	vmul.f32 $5.000000000e-01, v12;
	v32 =	vadd.f32 v4, v42;
	v16 =	vadd.f32 v16, v8  }
0xde: {  	v24 =	vcvt.f32.s32 v49;
	v57 =	vcvt.s32.f32 v54;
	v49 =	vadd.f32 $-1.275000000e+02, v18  }
0xdf: {  	v52 =	vld [tilespmem:s18+$0xFFFFFFF0];
	v9 =	vadd.f32 v9, v35;
	v26 =	vand.u32 $0x7FFFFFFF, v51;
	v39 =	vsub.f32 v29, v63  }
0xe0: {  	v55 =	vld [tilespmem:s17+$0xFFFFFFF0];
	v14 =	vsub.f32 v33, v25;
	v29 =	vand.u32 $0x7FFFFFFF, v38;
	v33 =	vcvt.f32.s32 v48  }
0xe1: {  	v34 =	vand.u32 $0x7FFFFFFF, v49;
	v17 =	vsub.f32 v17, v57;
	v13 =	vmul.f32 v39, v37  }
0xe2: {  	v10 =	vmul.f32 v14, v37;
	v14 =	vadd.f32 v45, v44;
	v39 =	vtrunc.f32 v22  }
0xe3: {  	v51 =	vshll.u32 v33, $0x8;
	v33 =	vcvt.s32.f32 v33;
	v31 =	vcvt.f32.s32 v39  }
0xe4: {  	v19 =	vadd.f32 v13, v63;
	v10 =	vadd.f32 v10, v25;
	v25 =	vand.u32 $0x7FFFFFFF, v50  }
0xe5: {  	v13 =	vadd.f32 v55, v52;
	v25 =	vmax.f32 v25, v26;
	v26 =	vadd.f32 v5, v56  }
0xe6: {  	v53 =	vsub.f32 v10, v19;
	v10 =	vshll.u32 v54, $0x8;
	vm13 =	vlt.f32 v25, $1.275000000e+02  }
0xe7: {  	v13 =	vmul.f32 $5.000000000e-01, v13;
	v58 =	vadd.s32 v24, v10;
	v37 =	vadd.f32 $-1.275000000e+02, v26  }
0xe8: {  	v50 =	vadd.f32 $-1.275000000e+02, v32;
	v60 =	vtrunc.f32 v26;
	v10 =	vmul.f32 $5.000000000e-01, v14  }
0xe9: {  	v61 =	vadd.s32 $0x1, v58;
	v63 =	vcvt.f32.s32 v60;
	v40 =	vand.u32 $0x7FFFFFFF, v37  }
0xea: {  	v18 =	vsub.f32 v18, v33;
	v14 =	vsub.f32 v62, v11;
	v29 =	vmax.f32 v40, v29  }
0xeb: {  	v13 =	vsub.f32 v13, v10;
	v37 =	vshll.u32 v63, $0x8;
	vm14 =	vlt.f32 v29, $1.275000000e+02  }
0xec: {  	v43 =	vmul.f32 v14, v14;
	v40 =	vtrunc.f32 v32;
	v47 =	vadd.s32 v31, v37;
	v45 =	vld.idx.msk [tilespmem:v58+s2+$0x0], vm13  }
0xed: {  	v44 =	vmul.f32 v13, v13;
	v37 =	vand.u32 $0x7FFFFFFF, v50;
	v25 =	vld.idx.msk [tilespmem:v58+s28+$0x0], vm13;
	v39 =	vadd.s32 $0x1, v47  }
0xee: {  	v56 =	vmul.f32 $1.442695020e+00, v20;
	v30 =	vcvt.f32.s32 v40;
	v34 =	vmax.f32 v34, v37;
	v46 =	vld.idx.msk [tilespmem:v61+s2+$0x0], vm13  }
0xef: {  	v20 =	vadd.f32 v16, v20;
	v12 =	vadd.f32 v44, v43;
	v27 =	vld.idx.msk [tilespmem:v61+s28+$0x0], vm13;
	vm15 =	vlt.f32 v34, $1.275000000e+02  }
0xf0: {  	v24 =	vcvt.s32.f32 v24;
	v23 =	vmul.f32 v53, v23;
	v60 =	vld [tilespmem:s16+$0xFFFFFFF0];
	v34 =	vadd.s32 v30, v51  }
0xf1: {  	v15 =	vcvt.s32.f32 v63;
	v55 =	vadd.s32 $0x1, v34;
	v38 =	vmul.f32 $5.000000000e-01, v12;
	v53 =	vld.idx.msk [tilespmem:v47+s2+$0x0], vm14  }
0xf2: {  	v16 =	vadd.f32 v16, v8;
	(erf) = vpow2.f32 v56;
	v21 =	vsub.f32 v21, v24;
	v54 =	vld.idx.msk [tilespmem:v39+s2+$0x0], vm14  }
0xf3: {  	v19 =	vadd.f32 v23, v19;
	v15 =	vsub.f32 v26, v15;
	v41 =	vmul.f32 $1.262626260e-03, v38;
	v29 =	vld.idx.msk [tilespmem:v47+s28+$0x0], vm14  }
0xf4: {  	v42 =	vcvt.s32.f32 v31;
	v25 =	vsub.f32 v25, v45;
	v57 =	vld.idx.msk [tilespmem:v39+s28+$0x0], vm14;
	v27 =	vsub.f32 v27, v46  }
0xf5: {  	v61 =	vmul.f32 $1.442695020e+00, v20;
	v20 =	vadd.f32 v16, v20;
	v52 =	vmul.f32 $1.262626260e-03, v41;
	v58 =	vld.idx.msk [tilespmem:v34+s2+$0x0], vm15  }
0xf6: {  	v16 =	vadd.f32 v16, v8;
	v25 =	vmul.f32 v25, v17;
	v62 =	vld.idx.msk [tilespmem:v55+s2+$0x0], vm15;
	v17 =	vmul.f32 v27, v17  }
0xf7: {  	v24 =	vmul.f32 $1.498962340e-01, v60;
	v51 =	vcvt.s32.f32 v30;
	v41 =	vld.idx.msk [tilespmem:v34+s28+$0x0], vm15;
	v37 =	vsub.f32 $1.500000000e+00, v52  }
0xf8: {  	v43 =	vld.idx.msk [tilespmem:v55+s28+$0x0], vm15;
	v25 =	vadd.f32 v25, v45;
	v17 =	vadd.f32 v17, v46;
	v46 =	vmul.f32 $1.442695020e+00, v20  }
0xf9: {  	(erf) = vpow2.f32 v61;
	v20 =	vadd.f32 v16, v20;
	v37 =	vmul.f32 $1.262626260e-03, v37  }
0xfa: {  	v63 =	vsub.f32 v29, v53;
	v17 =	vsub.f32 v17, v25;
	(erf) = vpow2.f32 v46  }
0xfb: {  	v45 =	vsub.f32 v57, v54;
	v52 =	vpop (erf);
	v49 =	vmul.f32 $1.442695020e+00, v20;
	v59 =	vmul.f32 v37, v38  }
0xfc: {  	v26 =	vsub.f32 v41, v58;
	v19 =	vmul.f32 v19, v52;
	v17 =	vmul.f32 v17, v21  }
0xfd: {  	v48 =	vsub.f32 v43, v62;
	v21 =	vmul.f32 v63, v15;
	v36 =	vmul.f32 v59, v37  }
0xfe: {  	v22 =	vsub.f32 v22, v42;
	v15 =	vmul.f32 v45, v15;
	v26 =	vmul.f32 v26, v18  }
0xff: {  	v18 =	vmul.f32 v48, v18;
	v9 =	vadd.f32 v9, v19;
	v44 =	vsub.f32 $1.500000000e+00, v36  }
0x100: {  	(erf) = vpow2.f32 v49;
	v63 =	vadd.f32 v5, v7;
	v21 =	vadd.f32 v21, v53  }
0x101: {  	v15 =	vadd.f32 v15, v54;
	v23 =	vadd.f32 v26, v58;
	v34 =	vmul.f32 v44, v37  }
0x102: {  	v40 =	vmul.f32 v24, v2;
	v18 =	vadd.f32 v18, v62;
	v17 =	vadd.f32 v17, v25  }
0x103: {  	v53 =	vsub.f32 v32, v51;
	v54 =	vpop (erf);
	v15 =	vsub.f32 v15, v21;
	v47 =	vmul.f32 v34, v24  }
0x104: {  	v62 =	vmul.f32 $1.100000000e+01, v6;
	v18 =	vsub.f32 v18, v23;
	v17 =	vmul.f32 v17, v54  }
0x105: {  	v25 =	vmul.f32 v11, v0;
	v15 =	vmul.f32 v15, v22;
	v33 =	vadd.f32 $5.000000000e-01, v47  }
0x106: {  	v26 =	vtrunc.f32 v63;
	v18 =	vmul.f32 v18, v53;
	v9 =	vadd.f32 v9, v17  }
0x107: {  	v22 =	vadd.f32 v16, v8;
	v15 =	vadd.f32 v15, v21;
	v50 =	vmul.f32 $6.400000000e+01, v33  }
0x108: {  	v11 =	vcvt.f32.s32 v26;
	v8 =	vadd.f32 $1.275000000e+02, v25;
	v57 =	vpop (erf);
	v58 =	vadd.f32 v18, v23  }
0x109: {  	v23 =	vmul.f32 v13, v1;
	v60 =	vpop (erf);
	v15 =	vmul.f32 v15, v57;
	v27 =	vadd.f32 $-5.000000000e-01, v50  }
0x10a: {  	v21 =	vmul.f32 v14, v0;
	v14 =	vadd.f32 v22, v20;
	v61 =	vmul.f32 v58, v60  }
0x10b: {  	v7 =	vmul.f32 $1.562500000e-02, v23;
	v9 =	vadd.f32 v15, v9;
	v55 =	vadd.f32 $-5.000000000e+00, v27  }
0x10c: {  	v14 =	vmul.f32 $1.442695020e+00, v14;
	v33 =	vcvt.s32.f32 v11;
	v11 =	vshll.u32 v11, $0x8  }
0x10d: {  	v32 =	vmul.f32 $0.0e+00, v7;
	v6 =	vadd.f32 v61, v9;
	v56 =	vmax.f32 v55, $0.0e+00  }
0x10e: {  	v9 =	vmul.f32 $1.562500000e-02, v21;
	v27 =	vmul.f32 v10, v1;
	v19 =	vmin.f32 v56, $5.200000000e+01  }
0x10f: {  	v10 =	vadd.f32 v4, v62;
	v4 =	vmul.f32 v34, v12;
	v59 =	vtrunc.f32 v19  }
0x110: {  	(erf) = vpow2.f32 v14;
	v57 =	vadd.f32 v7, v7;
	v18 =	vadd.f32 $5.000000000e-01, v59  }
0x111: {  	v12 =	vsub.f32 v63, v33;
	v31 =	vmul.f32 $0.0e+00, v9;
	v36 =	vmul.f32 v4, v2  }
0x112: {  	v30 =	vadd.f32 $1.275000000e+02, v27;
	v35 =	vtrunc.f32 v10;
	v18 =	vmul.f32 $1.562500000e-02, v18  }
0x113: {  	v43 =	vadd.f32 $-1.275000000e+02, v10;
	v56 =	vadd.f32 v9, v9;
	v42 =	vmul.f32 $5.000000000e-01, v36  }
0x114: {  	v19 =	vadd.f32 $-1.275000000e+02, v63;
	v28 =	vmul.f32 v18, v21;
	v29 =	vmul.f32 v18, v23  }
0x115: {  	v17 =	vmul.f32 $1.562500000e-02, v36;
	v18 =	vmul.f32 v18, v36;
	v23 =	vadd.f32 v42, v40  }
0x116: {  	v16 =	vcvt.f32.s32 v35;
	v8 =	vadd.f32 v28, v8;
	v5 =	vadd.f32 v29, v30  }
0x117: {  	v19 =	vand.u32 $0x7FFFFFFF, v19;
	v52 =	vmul.f32 $5.000000000e-01, v17;
	v18 =	vsub.f32 v18, v23  }
0x118: {  	v63 =	vxor.u32 $0x80000000, v17;
	v13 =	vadd.f32 v8, v31;
	v15 =	vadd.f32 v5, v32  }
0x119: {  	v46 =	vadd.f32 v8, v9;
	v23 =	vadd.f32 v5, v7;
	v47 =	vmul.f32 v18, v18  }
0x11a: {  	v18 =	vadd.f32 v18, v52;
	v31 =	vadd.f32 v5, v57;
	v37 =	vtrunc.f32 v13  }
0x11b: {  	v38 =	vadd.f32 $-1.275000000e+02, v13;
	v39 =	vadd.f32 $-1.275000000e+02, v15;
	v41 =	vtrunc.f32 v15  }
0x11c: {  	v49 =	vtrunc.f32 v46;
	v50 =	vadd.f32 $-1.275000000e+02, v46;
	v51 =	vadd.f32 $-1.275000000e+02, v23  }
0x11d: {  	v54 =	vtrunc.f32 v23;
	v62 =	vadd.f32 $-1.275000000e+02, v31;
	v18 =	vmul.f32 v63, v18  }
0x11e: {  	v20 =	vcvt.f32.s32 v37;
	v21 =	vand.u32 $0x7FFFFFFF, v38;
	v22 =	vand.u32 $0x7FFFFFFF, v39  }
0x11f: {  	v24 =	vcvt.f32.s32 v41;
	v26 =	vcvt.f32.s32 v49;
	v21 =	vmax.f32 v21, v22  }
0x120: {  	v29 =	vcvt.f32.s32 v54;
	v44 =	vshll.u32 v20, $0x8;
	vm4 =	vlt.f32 v21, $1.275000000e+02  }
0x121: {  	v41 =	vtrunc.f32 v31;
	v54 =	vmul.f32 $3.000000000e+00, v7;
	v21 =	vadd.s32 v24, v44  }
0x122: {  	v27 =	vand.u32 $0x7FFFFFFF, v50;
	v28 =	vand.u32 $0x7FFFFFFF, v51;
	v34 =	vand.u32 $0x7FFFFFFF, v62  }
0x123: {  	v36 =	vcvt.f32.s32 v41;
	v27 =	vmax.f32 v27, v28;
	v45 =	vadd.s32 $0x1, v21  }
0x124: {  	v55 =	vshll.u32 v26, $0x8;
	v28 =	vadd.f32 v8, v56;
	vm6 =	vlt.f32 v27, $1.275000000e+02  }
0x125: {  	v22 =	vand.u32 $0x7FFFFFFF, v43;
	v20 =	vcvt.s32.f32 v20;
	v27 =	vadd.s32 v29, v55  }
0x126: {  	v26 =	vcvt.s32.f32 v26;
	v60 =	vtrunc.f32 v28;
	v61 =	vadd.f32 $-1.275000000e+02, v28;
	v48 =	vld.idx.msk [tilespmem:v21+s2+$0x0], vm4  }
0x127: {  	v57 =	vcvt.s32.f32 v29;
	v19 =	vmax.f32 v19, v22;
	v32 =	vcvt.f32.s32 v60;
	v21 =	vld.idx.msk [tilespmem:v21+s28+$0x0], vm4  }
0x128: {  	v24 =	vcvt.s32.f32 v24;
	vm5 =	vlt.f32 v19, $1.275000000e+02;
	v33 =	vand.u32 $0x7FFFFFFF, v61;
	v53 =	vld.idx.msk [tilespmem:v45+s2+$0x0], vm4  }
0x129: {  	v59 =	vadd.s32 $0x1, v27;
	v33 =	vmax.f32 v33, v34;
	v43 =	vshll.u32 v32, $0x8;
	v22 =	vld.idx.msk [tilespmem:v45+s28+$0x0], vm4  }
0x12a: {  	v19 =	vmul.f32 $-5.000000000e-01, v47;
	vm7 =	vlt.f32 v33, $1.275000000e+02;
	v30 =	vadd.s32 v36, v43;
	v40 =	vld.idx.msk [tilespmem:v27+s2+$0x0], vm6  }
0x12b: {  	v13 =	vsub.f32 v13, v20;
	v14 =	vsub.f32 v46, v26;
	v27 =	vld.idx.msk [tilespmem:v27+s28+$0x0], vm6;
	v44 =	vadd.s32 $0x1, v30  }
0x12c: {  	v47 =	vadd.s32 v16, v11;
	v11 =	vmul.f32 v63, v17;
	v16 =	vcvt.s32.f32 v16  }
0x12d: {  	v23 =	vsub.f32 v23, v57;
	v15 =	vsub.f32 v15, v24;
	v51 =	vadd.s32 $0x1, v47  }
0x12e: {  	v16 =	vsub.f32 v10, v16;
	v42 =	vld.idx.msk [tilespmem:v59+s2+$0x0], vm6;
	v45 =	vmul.f32 $1.442695020e+00, v19;
	v19 =	vadd.f32 v18, v19  }
0x12f: {  	v32 =	vcvt.s32.f32 v32;
	v18 =	vadd.f32 v18, v11;
	v58 =	vsub.f32 v21, v48;
	v21 =	vld.idx.msk [tilespmem:v59+s28+$0x0], vm6  }
0x130: {  	(erf) = vpow2.f32 v45;
	v22 =	vsub.f32 v22, v53;
	v46 =	vsub.f32 v27, v40;
	v56 =	vld.idx.msk [tilespmem:v44+s2+$0x0], vm7  }
0x131: {  	v28 =	vsub.f32 v28, v32;
	v59 =	vmul.f32 $1.442695020e+00, v19;
	v24 =	vld.idx.msk [tilespmem:v44+s28+$0x0], vm7;
	v20 =	vmul.f32 v13, v58  }
0x132: {  	v52 =	vld.idx.msk [tilespmem:v30+s2+$0x0], vm7;
	v19 =	vadd.f32 v18, v19;
	v13 =	vmul.f32 v13, v22;
	v49 =	vmul.f32 v14, v46  }
0x133: {  	v58 =	vld.idx.msk [tilespmem:v30+s28+$0x0], vm7;
	v30 =	vadd.f32 v5, v54;
	(erf) = vpow2.f32 v59;
	v59 =	vmul.f32 $4.000000000e+00, v7  }
0x134: {  	v20 =	vadd.f32 v20, v48;
	v13 =	vadd.f32 v13, v53;
	v53 =	vmul.f32 $3.000000000e+00, v9  }
0x135: {  	v22 =	vadd.f32 v49, v40;
	v61 =	vadd.f32 $-1.275000000e+02, v30;
	v63 =	vtrunc.f32 v30  }
0x136: {  	v49 =	vcvt.s32.f32 v36;
	v50 =	vsub.f32 v21, v42;
	v24 =	vsub.f32 v24, v56  }
0x137: {  	v38 =	vcvt.f32.s32 v63;
	v63 =	vadd.f32 v5, v59;
	v13 =	vsub.f32 v13, v20  }
0x138: {  	v29 =	vadd.f32 v8, v53;
	v41 =	vand.u32 $0x7FFFFFFF, v61;
	v55 =	vmul.f32 v14, v50  }
0x139: {  	v21 =	vld.idx.msk [tilespmem:v51+s28+$0x0], vm5;
	v24 =	vmul.f32 v28, v24;
	v39 =	vadd.f32 $-1.275000000e+02, v63;
	v48 =	vmul.f32 v13, v15  }
0x13a: {  	v33 =	vtrunc.f32 v29;
	v60 =	vadd.f32 $-1.275000000e+02, v29;
	v15 =	vld.idx.msk [tilespmem:v51+s2+$0x0], vm5;
	v51 =	vsub.f32 v31, v49  }
0x13b: {  	v25 =	vadd.f32 v55, v42;
	v62 =	vcvt.f32.s32 v33;
	v42 =	vsub.f32 v58, v52  }
0x13c: {  	v24 =	vadd.f32 v24, v56;
	v56 =	vmul.f32 $1.442695020e+00, v19;
	v58 =	vmul.f32 $4.000000000e+00, v9  }
0x13d: {  	v32 =	vand.u32 $0x7FFFFFFF, v39;
	v40 =	vand.u32 $0x7FFFFFFF, v60;
	v17 =	vadd.f32 v48, v20  }
0x13e: {  	v27 =	vld.idx.msk [tilespmem:v47+s28+$0x0], vm5;
	v60 =	vadd.f32 v18, v11;
	v43 =	vmax.f32 v40, v41;
	v44 =	vshll.u32 v62, $0x8  }
0x13f: {  	v13 =	vld.idx.msk [tilespmem:v47+s2+$0x0], vm5;
	v25 =	vsub.f32 v25, v22;
	v45 =	vmul.f32 v28, v42;
	v61 =	vcvt.s32.f32 v62  }
0x140: {  	(erf) = vpow2.f32 v56;
	v62 =	vadd.f32 v8, v58;
	v41 =	vmul.f32 $5.000000000e+00, v9  }
0x141: {  	v42 =	vmul.f32 $5.000000000e+00, v7;
	v56 =	vmul.f32 $6.000000000e+00, v7;
	vm8 =	vlt.f32 v43, $1.275000000e+02  }
0x142: {  	v14 =	vpop (erf);
	v33 =	vadd.s32 v38, v44;
	v19 =	vadd.f32 v60, v19;
	v43 =	vcvt.s32.f32 v38  }
0x143: {  	v48 =	vpop (erf);
	v34 =	vadd.f32 v60, v11;
	v46 =	vadd.s32 $0x1, v33;
	v47 =	vmul.f32 v25, v23  }
0x144: {  	v26 =	vadd.f32 v45, v52;
	v17 =	vmul.f32 v17, v48;
	v27 =	vsub.f32 v27, v13  }
0x145: {  	v36 =	vtrunc.f32 v62;
	v37 =	vadd.f32 $-1.275000000e+02, v62;
	v20 =	vadd.f32 v47, v22  }
0x146: {  	v50 =	vpop (erf);
	v24 =	vsub.f32 v24, v26;
	v18 =	vmul.f32 v27, v12;
	v27 =	vcvt.f32.s32 v36  }
0x147: {  	v53 =	vadd.f32 $0.0e+00, v17;
	v17 =	vsub.f32 v21, v15;
	v20 =	vmul.f32 v20, v50;
	v52 =	vld.idx.msk [tilespmem:v33+s2+$0x0], vm8  }
0x148: {  	v55 =	vmul.f32 v24, v51;
	v40 =	vshll.u32 v27, $0x8;
	v27 =	vcvt.s32.f32 v27;
	v54 =	vld.idx.msk [tilespmem:v46+s2+$0x0], vm8  }
0x149: {  	v12 =	vmul.f32 v17, v12;
	v13 =	vadd.f32 v18, v13;
	v28 =	vld.idx.msk [tilespmem:v46+s28+$0x0], vm8;
	v46 =	vsub.f32 v30, v43  }
0x14a: {  	v57 =	vld.idx.msk [tilespmem:v33+s28+$0x0], vm8;
	v33 =	vtrunc.f32 v63;
	v20 =	vadd.f32 v53, v20;
	v21 =	vadd.f32 v55, v26  }
0x14b: {  	v26 =	vsub.f32 v29, v61;
	v29 =	vand.u32 $0x7FFFFFFF, v37;
	v33 =	vcvt.f32.s32 v33  }
0x14c: {  	v23 =	vsub.f32 v62, v27;
	v55 =	vmul.f32 $6.000000000e+00, v9;
	v29 =	vmax.f32 v29, v32  }
0x14d: {  	v12 =	vadd.f32 v12, v15;
	v44 =	vpop (erf);
	v32 =	vadd.f32 v5, v42;
	vm9 =	vlt.f32 v29, $1.275000000e+02  }
0x14e: {  	v29 =	vadd.f32 v8, v41;
	v21 =	vmul.f32 v21, v44;
	v27 =	vadd.f32 v8, v55  }
0x14f: {  	v49 =	vadd.f32 $-1.275000000e+02, v32;
	v51 =	vtrunc.f32 v32;
	v24 =	vsub.f32 v57, v52  }
0x150: {  	v28 =	vsub.f32 v28, v54;
	v47 =	vtrunc.f32 v29;
	v48 =	vadd.f32 $-1.275000000e+02, v29  }
0x151: {  	v37 =	vcvt.f32.s32 v51;
	v59 =	vtrunc.f32 v27;
	v60 =	vadd.f32 $-1.275000000e+02, v27  }
0x152: {  	v24 =	vmul.f32 v26, v24;
	v26 =	vmul.f32 v26, v28;
	v28 =	vadd.s32 v33, v40  }
0x153: {  	v30 =	vcvt.f32.s32 v47;
	v36 =	vand.u32 $0x7FFFFFFF, v49;
	v35 =	vand.u32 $0x7FFFFFFF, v48  }
0x154: {  	v20 =	vadd.f32 v20, v21;
	v45 =	vadd.s32 $0x1, v28;
	v35 =	vmax.f32 v35, v36  }
0x155: {  	v22 =	vadd.f32 v26, v54;
	vm10 =	vlt.f32 v35, $1.275000000e+02;
	v54 =	vshll.u32 v30, $0x8  }
0x156: {  	v33 =	vcvt.s32.f32 v33;
	v41 =	vand.u32 $0x7FFFFFFF, v60;
	v35 =	vadd.s32 v37, v54  }
0x157: {  	v36 =	vadd.f32 v5, v56;
	v24 =	vadd.f32 v24, v52;
	v52 =	vmul.f32 $1.442695020e+00, v19;
	v50 =	vld.idx.msk [tilespmem:v28+s2+$0x0], vm9  }
0x158: {  	v19 =	vadd.f32 v34, v19;
	v34 =	vadd.f32 v34, v11;
	v57 =	vadd.s32 $0x1, v35;
	v28 =	vld.idx.msk [tilespmem:v28+s28+$0x0], vm9  }
0x159: {  	v31 =	vsub.f32 v63, v33;
	v30 =	vcvt.s32.f32 v30;
	v63 =	vtrunc.f32 v36;
	v53 =	vld.idx.msk [tilespmem:v45+s2+$0x0], vm9  }
0x15a: {  	v42 =	vadd.f32 $-1.275000000e+02, v36;
	v54 =	vmul.f32 $7.000000000e+00, v7;
	(erf) = vpow2.f32 v52;
	v26 =	vld.idx.msk [tilespmem:v45+s28+$0x0], vm9  }
0x15b: {  	v37 =	vcvt.s32.f32 v37;
	v22 =	vsub.f32 v22, v24;
	v38 =	vcvt.f32.s32 v63;
	v58 =	vld.idx.msk [tilespmem:v35+s2+$0x0], vm10  }
0x15c: {  	v48 =	vmul.f32 $1.442695020e+00, v19;
	v29 =	vsub.f32 v29, v30;
	v19 =	vadd.f32 v34, v19;
	v61 =	vld.idx.msk [tilespmem:v35+s28+$0x0], vm10  }
0x15d: {  	v34 =	vadd.f32 v34, v11;
	v42 =	vand.u32 $0x7FFFFFFF, v42;
	v32 =	vsub.f32 v32, v37;
	v62 =	vld.idx.msk [tilespmem:v57+s2+$0x0], vm10  }
0x15e: {  	v22 =	vmul.f32 v22, v46;
	v46 =	vmax.f32 v41, v42;
	v45 =	vld.idx.msk [tilespmem:v57+s28+$0x0], vm10;
	v28 =	vsub.f32 v28, v50  }
0x15f: {  	(erf) = vpow2.f32 v48;
	v55 =	vmul.f32 $1.442695020e+00, v19;
	v19 =	vadd.f32 v34, v19  }
0x160: {  	vm11 =	vlt.f32 v46, $1.275000000e+02;
	v26 =	vsub.f32 v26, v53;
	v28 =	vmul.f32 v23, v28  }
0x161: {  	v22 =	vadd.f32 v22, v24;
	(erf) = vpow2.f32 v55;
	v44 =	vmul.f32 $1.442695020e+00, v19  }
0x162: {  	v23 =	vmul.f32 v23, v26;
	v26 =	vsub.f32 v61, v58;
	v25 =	vadd.f32 v28, v50  }
0x163: {  	v28 =	vcvt.f32.s32 v59;
	v52 =	vsub.f32 v45, v62;
	v45 =	vpop (erf);
	(erf) = vpow2.f32 v44  }
0x164: {  	v23 =	vadd.f32 v23, v53;
	v51 =	vmul.f32 v29, v26;
	v53 =	vmul.f32 $7.000000000e+00, v9  }
0x165: {  	v22 =	vmul.f32 v22, v45;
	v47 =	vshll.u32 v28, $0x8;
	v26 =	vmul.f32 v29, v52  }
0x166: {  	v28 =	vcvt.s32.f32 v28;
	v23 =	vsub.f32 v23, v25;
	v40 =	vadd.s32 v38, v47  }
0x167: {  	v24 =	vadd.f32 v8, v53;
	v20 =	vadd.f32 v20, v22;
	v49 =	vadd.s32 $0x1, v40  }
0x168: {  	v26 =	vadd.f32 v26, v62;
	v50 =	vmul.f32 v23, v31;
	v31 =	vadd.f32 v5, v54  }
0x169: {  	v23 =	vadd.f32 v51, v58;
	v59 =	vtrunc.f32 v24;
	v60 =	vadd.f32 $-1.275000000e+02, v24  }
0x16a: {  	v27 =	vsub.f32 v27, v28;
	v33 =	vcvt.f32.s32 v59;
	v61 =	vadd.f32 $-1.275000000e+02, v31  }
0x16b: {  	v62 =	vtrunc.f32 v31;
	v35 =	vand.u32 $0x7FFFFFFF, v60;
	v26 =	vsub.f32 v26, v23;
	v56 =	vld.idx.msk [tilespmem:v40+s2+$0x0], vm11  }
0x16c: {  	v21 =	vadd.f32 v50, v25;
	v58 =	vld.idx.msk [tilespmem:v40+s28+$0x0], vm11;
	v28 =	vcvt.f32.s32 v62;
	v60 =	vcvt.s32.f32 v33  }
0x16d: {  	v48 =	vpop (erf);
	v63 =	vshll.u32 v33, $0x8;
	v62 =	vmul.f32 $8.000000000e+00, v7;
	v57 =	vld.idx.msk [tilespmem:v49+s2+$0x0], vm11;
	v47 =	vmul.f32 v26, v32  }
0x16e: {  	v30 =	vld.idx.msk [tilespmem:v49+s28+$0x0], vm11;
	v40 =	vand.u32 $0x7FFFFFFF, v61;
	v49 =	vcvt.s32.f32 v38;
	v21 =	vmul.f32 v21, v48  }
0x16f: {  	v61 =	vmul.f32 $8.000000000e+00, v9;
	v32 =	vsub.f32 v12, v13;
	v35 =	vmax.f32 v35, v40  }
0x170: {  	v25 =	vadd.f32 v5, v62;
	vm12 =	vlt.f32 v35, $1.275000000e+02;
	v35 =	vadd.s32 v28, v63  }
0x171: {  	v43 =	vld [tilespmem:s22+$0x0];
	v50 =	vadd.f32 v47, v23;
	v16 =	vmul.f32 v32, v16;
	v29 =	vsub.f32 v58, v56  }
0x172: {  	v44 =	vld [tilespmem:s21+$0x0];
	v53 =	vsub.f32 v36, v49;
	v22 =	vadd.f32 v8, v61;
	v46 =	vadd.s32 $0x1, v35  }
0x173: {  	v42 =	vld [tilespmem:s23+$0x0];
	v52 =	vpop (erf);
	v28 =	vcvt.s32.f32 v28;
	v32 =	vadd.f32 v16, v13;
	v29 =	vmul.f32 v27, v29  }
0x174: {  	v48 =	vld [tilespmem:s20+$0x0];
	v47 =	vadd.f32 $-1.275000000e+02, v25;
	v17 =	vmul.f32 v52, v50;
	v30 =	vsub.f32 v30, v57  }
0x175: {  	v50 =	vld [tilespmem:s19+$0x0];
	v28 =	vsub.f32 v31, v28;
	v14 =	vmul.f32 v32, v14;
	v29 =	vadd.f32 v29, v56  }
0x176: {  	v27 =	vmul.f32 v27, v30;
	v51 =	vld.idx.msk [tilespmem:v35+s2+$0x0], vm12;
	v56 =	vadd.f32 v20, v21;
	v21 =	vsub.f32 v24, v60  }
0x177: {  	v45 =	vtrunc.f32 v22;
	v59 =	vld.idx.msk [tilespmem:v46+s28+$0x0], vm12;
	v60 =	vadd.f32 v44, v43;
	v6 =	vadd.f32 v14, v6  }
0x178: {  	v43 =	vmul.f32 $9.000000000e+00, v7;
	v27 =	vadd.f32 v27, v57;
	v57 =	vld.idx.msk [tilespmem:v46+s2+$0x0], vm12;
	v46 =	vadd.f32 $-1.275000000e+02, v22  }
0x179: {  	v49 =	vcvt.f32.s32 v45;
	v55 =	vld.idx.msk [tilespmem:v35+s28+$0x0], vm12;
	v10 =	vadd.f32 v56, v17;
	v17 =	vadd.f32 v34, v11  }
0x17a: {  	v63 =	vld [tilespmem:s24+$0x0];
	v61 =	vadd.f32 v50, v48;
	v34 =	vand.u32 $0x7FFFFFFF, v47;
	v30 =	vadd.f32 v5, v43  }
0x17b: {  	v56 =	vshll.u32 v49, $0x8;
	v54 =	vsub.f32 v27, v29;
	v19 =	vadd.f32 v17, v19  }
0x17c: {  	v33 =	vand.u32 $0x7FFFFFFF, v46;
	v26 =	vadd.f32 v17, v11;
	v48 =	vadd.f32 $-1.275000000e+02, v30  }
0x17d: {  	v52 =	vld [tilespmem:s18+$0x0];
	v50 =	vtrunc.f32 v30;
	v58 =	vmul.f32 v54, v53;
	v54 =	vmax.f32 v33, v34  }
0x17e: {  	v41 =	vsub.f32 v55, v51;
	v55 =	vld [tilespmem:s17+$0x0];
	v18 =	vsub.f32 v59, v57;
	vm13 =	vlt.f32 v54, $1.275000000e+02  }
0x17f: {  	v59 =	vadd.f32 v42, v63;
	v42 =	vmul.f32 $9.000000000e+00, v9;
	v15 =	vadd.f32 v58, v29  }
0x180: {  	v24 =	vmul.f32 v41, v21;
	v58 =	vmul.f32 $1.442695020e+00, v19;
	v19 =	vadd.f32 v26, v19  }
0x181: {  	v40 =	vpop (erf);
	v26 =	vadd.f32 v26, v11;
	v18 =	vmul.f32 v18, v21;
	v12 =	vmul.f32 $5.000000000e-01, v59  }
0x182: {  	v21 =	vcvt.s32.f32 v49;
	v15 =	vmul.f32 v40, v15;
	v23 =	vadd.f32 v24, v51  }
0x183: {  	v51 =	vtrunc.f32 v25;
	(erf) = vpow2.f32 v58;
	v62 =	vadd.f32 v55, v52  }
0x184: {  	v40 =	vmul.f32 $5.000000000e-01, v61;
	v18 =	vadd.f32 v18, v57;
	v53 =	vcvt.f32.s32 v51  }
0x185: {  	v34 =	vadd.f32 v10, v15;
	v10 =	vmul.f32 $5.000000000e-01, v60;
	v24 =	vmul.f32 $5.000000000e-01, v62  }
0x186: {  	v21 =	vsub.f32 v22, v21;
	v52 =	vand.u32 $0x7FFFFFFF, v48;
	v22 =	vcvt.f32.s32 v50  }
0x187: {  	v57 =	vadd.s32 v53, v56;
	v17 =	vsub.f32 v24, v10;
	v24 =	vadd.f32 v8, v42  }
0x188: {  	v55 =	vmul.f32 $1.000000000e+01, v9;
	v18 =	vsub.f32 v18, v23;
	v20 =	vcvt.s32.f32 v53  }
0x189: {  	v56 =	vmul.f32 $1.000000000e+01, v7;
	v63 =	vadd.s32 $0x1, v57;
	v47 =	vadd.f32 $-1.275000000e+02, v24  }
0x18a: {  	v28 =	vmul.f32 v18, v28;
	v18 =	vsub.f32 v40, v12;
	v46 =	vtrunc.f32 v24  }
0x18b: {  	v37 =	vadd.f32 v8, v55;
	v35 =	vcvt.f32.s32 v46;
	v51 =	vand.u32 $0x7FFFFFFF, v47  }
0x18c: {  	v44 =	vmul.f32 v18, v18;
	v45 =	vmul.f32 v17, v17;
	v27 =	vld.idx.msk [tilespmem:v57+s2+$0x0], vm13;
	v31 =	vmax.f32 v51, v52  }
0x18d: {  	v39 =	vadd.f32 v5, v56;
	v41 =	vld.idx.msk [tilespmem:v57+s28+$0x0], vm13;
	v54 =	vshll.u32 v35, $0x8;
	vm14 =	vlt.f32 v31, $1.275000000e+02  }
0x18e: {  	v43 =	vtrunc.f32 v37;
	v33 =	vld.idx.msk [tilespmem:v63+s2+$0x0], vm13;
	v15 =	vadd.f32 v45, v44;
	v31 =	vadd.s32 v22, v54  }
0x18f: {  	v60 =	vadd.f32 $-1.275000000e+02, v37;
	v43 =	vcvt.f32.s32 v43;
	v49 =	vld.idx.msk [tilespmem:v63+s28+$0x0], vm13;
	v58 =	vadd.s32 $0x1, v31  }
0x190: {  	v44 =	vadd.f32 $-1.275000000e+02, v39;
	v45 =	vtrunc.f32 v39;
	v53 =	vmul.f32 $5.000000000e-01, v15  }
0x191: {  	v59 =	vmul.f32 $1.442695020e+00, v19;
	v42 =	vand.u32 $0x7FFFFFFF, v60;
	v62 =	vcvt.f32.s32 v45  }
0x192: {  	v63 =	vshll.u32 v43, $0x8;
	v44 =	vand.u32 $0x7FFFFFFF, v44;
	v57 =	vmul.f32 $1.262626260e-03, v53  }
0x193: {  	v42 =	vmax.f32 v42, v44;
	v45 =	vadd.s32 v62, v63;
	v29 =	vsub.f32 v41, v27;
	v61 =	vld.idx.msk [tilespmem:v31+s2+$0x0], vm14  }
0x194: {  	vm15 =	vlt.f32 v42, $1.275000000e+02;
	v38 =	vsub.f32 v49, v33;
	v40 =	vmul.f32 $1.262626260e-03, v57;
	v46 =	vld.idx.msk [tilespmem:v58+s2+$0x0], vm14  }
0x195: {  	v19 =	vadd.f32 v26, v19;
	v9 =	vmul.f32 $1.100000000e+01, v9;
	v42 =	vadd.s32 $0x1, v45;
	v31 =	vld.idx.msk [tilespmem:v31+s28+$0x0], vm14  }
0x196: {  	v29 =	vmul.f32 v29, v21;
	v21 =	vmul.f32 v38, v21;
	v40 =	vsub.f32 $1.500000000e+00, v40;
	v41 =	vld.idx.msk [tilespmem:v58+s28+$0x0], vm14  }
0x197: {  	v26 =	vadd.f32 v26, v11;
	(erf) = vpow2.f32 v59;
	v35 =	vcvt.s32.f32 v35  }
0x198: {  	v27 =	vadd.f32 v29, v27;
	v21 =	vadd.f32 v21, v33;
	v40 =	vmul.f32 $1.262626260e-03, v40  }
0x199: {  	v59 =	vmul.f32 $1.442695020e+00, v19;
	v7 =	vmul.f32 $1.100000000e+01, v7;
	v20 =	vsub.f32 v25, v20;
	v47 =	vld [tilespmem:s16+$0x0]  }
0x19a: {  	v24 =	vsub.f32 v24, v35;
	v52 =	vld.idx.msk [tilespmem:v45+s2+$0x0], vm15;
	v21 =	vsub.f32 v21, v27;
	v36 =	vmul.f32 v40, v53  }
0x19b: {  	v22 =	vcvt.s32.f32 v22;
	v57 =	vld.idx.msk [tilespmem:v42+s28+$0x0], vm15;
	v50 =	vsub.f32 v31, v61;
	v51 =	vsub.f32 v41, v46  }
0x19c: {  	v19 =	vadd.f32 v26, v19;
	v53 =	vld.idx.msk [tilespmem:v42+s2+$0x0], vm15;
	v20 =	vmul.f32 v21, v20;
	v36 =	vmul.f32 v36, v40  }
0x19d: {  	v23 =	vadd.f32 v28, v23;
	v54 =	vld.idx.msk [tilespmem:v45+s28+$0x0], vm15;
	v21 =	vmul.f32 v50, v24;
	v24 =	vmul.f32 v51, v24  }
0x19e: {  	v22 =	vsub.f32 v30, v22;
	v58 =	vcvt.s32.f32 v43;
	v49 =	vsub.f32 $1.500000000e+00, v36  }
0x19f: {  	v16 =	vmul.f32 $1.498962340e-01, v47;
	v21 =	vadd.f32 v21, v61;
	v24 =	vadd.f32 v24, v46  }
0x1a0: {  	v60 =	vsub.f32 v37, v58;
	v20 =	vadd.f32 v20, v27;
	v25 =	vmul.f32 v49, v40  }
0x1a1: {  	(erf) = vpow2.f32 v59;
	v28 =	vsub.f32 v57, v53;
	v24 =	vsub.f32 v24, v21  }
0x1a2: {  	v27 =	vsub.f32 v54, v52;
	v61 =	vcvt.s32.f32 v62;
	v55 =	vmul.f32 v25, v16  }
0x1a3: {  	v11 =	vadd.f32 v26, v11;
	v48 =	vpop (erf);
	v22 =	vmul.f32 v24, v22;
	v24 =	vmul.f32 v28, v60  }
0x1a4: {  	v23 =	vmul.f32 v23, v48;
	v27 =	vmul.f32 v27, v60;
	v63 =	vsub.f32 v39, v61  }
0x1a5: {  	v56 =	vpop (erf);
	v40 =	vmul.f32 $1.442695020e+00, v19;
	v29 =	vadd.f32 $5.000000000e-01, v55;
	v38 =	vadd.f32 v24, v53  }
0x1a6: {  	v20 =	vmul.f32 v20, v56;
	v24 =	vadd.f32 v8, v9;
	v8 =	vadd.f32 v5, v7  }
0x1a7: {  	v27 =	vadd.f32 v27, v52;
	(erf) = vpow2.f32 v40;
	v29 =	vmul.f32 $6.400000000e+01, v29  }
0x1a8: {  	v43 =	vtrunc.f32 v24;
	v45 =	vadd.f32 $-1.275000000e+02, v24;
	v47 =	vadd.f32 $-1.275000000e+02, v8  }
0x1a9: {  	v44 =	vtrunc.f32 v8;
	v29 =	vadd.f32 $-5.000000000e-01, v29;
	v46 =	vcvt.f32.s32 v43  }
0x1aa: {  	v33 =	vcvt.f32.s32 v44;
	v48 =	vand.u32 $0x7FFFFFFF, v45;
	v9 =	vand.u32 $0x7FFFFFFF, v47  }
0x1ab: {  	v42 =	vsub.f32 v38, v27;
	v9 =	vmax.f32 v48, v9;
	v51 =	vshll.u32 v46, $0x8  }
0x1ac: {  	v62 =	vadd.f32 $-5.000000000e+00, v29;
	vm4 =	vlt.f32 v9, $1.275000000e+02;
	v56 =	vadd.s32 v33, v51  }
0x1ad: {  	v11 =	vadd.f32 v11, v19;
	v7 =	vmul.f32 v42, v63;
	v63 =	vadd.s32 $0x1, v56  }
0x1ae: {  	v12 =	vmul.f32 v12, v0;
	v10 =	vmul.f32 v10, v1;
	v39 =	vmax.f32 v62, $0.0e+00  }
0x1af: {  	v11 =	vmul.f32 $1.442695020e+00, v11;
	v17 =	vmul.f32 v17, v1;
	v41 =	vmin.f32 v39, $5.200000000e+01  }
0x1b0: {  	v23 =	vadd.f32 v34, v23;
	v50 =	vmul.f32 v18, v0;
	v5 =	vtrunc.f32 v41  }
0x1b1: {  	v52 =	vadd.f32 $1.275000000e+02, v12;
	v12 =	vmul.f32 $1.562500000e-02, v17;
	v5 =	vadd.f32 $5.000000000e-01, v5  }
0x1b2: {  	v13 =	vmul.f32 $1.562500000e-02, v50;
	v21 =	vadd.f32 v22, v21;
	v44 =	vmul.f32 v16, v2;
	v16 =	vld.idx.msk [tilespmem:v63+s2+$0x0], vm4  }
0x1b3: {  	v58 =	vpop (erf);
	v20 =	vadd.f32 v23, v20;
	v57 =	vmul.f32 $0.0e+00, v12;
	v49 =	vmul.f32 $1.562500000e-02, v5;
	v48 =	vld.idx.msk [tilespmem:v63+s28+$0x0], vm4  }
0x1b4: {  	v21 =	vmul.f32 v21, v58;
	v42 =	vcvt.s32.f32 v46;
	v7 =	vadd.f32 v7, v27;
	v36 =	vld.idx.msk [tilespmem:v56+s2+$0x0], vm4  }
0x1b5: {  	v55 =	vadd.f32 $1.275000000e+02, v10;
	v47 =	vpop (erf);
	v37 =	vld.idx.msk [tilespmem:v56+s28+$0x0], vm4;
	v53 =	vmul.f32 v49, v50;
	v54 =	vmul.f32 v49, v17  }
0x1b6: {  	v20 =	vadd.f32 v21, v20;
	v24 =	vsub.f32 v24, v42;
	v7 =	vmul.f32 v7, v47  }
0x1b7: {  	v5 =	vmul.f32 $0.0e+00, v13;
	v10 =	vadd.f32 v53, v52;
	v9 =	vadd.f32 v54, v55  }
0x1b8: {  	v7 =	vadd.f32 v7, v20;
	v21 =	vsub.f32 v48, v16  }
0x1b9: {  	(erf) = vpow2.f32 v11;
	v59 =	vadd.f32 v10, v5;
	v18 =	vadd.f32 v9, v57  }
0x1ba: {  	v5 =	vmul.f32 v25, v15;
	v15 =	vsub.f32 v37, v36;
	v29 =	vadd.f32 v10, v13  }
0x1bb: {  	v21 =	vmul.f32 v21, v24;
	v60 =	vtrunc.f32 v59;
	v61 =	vadd.f32 $-1.275000000e+02, v59  }
0x1bc: {  	v62 =	vadd.f32 $-1.275000000e+02, v18;
	v38 =	vtrunc.f32 v18;
	v41 =	vmul.f32 v5, v2  }
0x1bd: {  	v54 =	vtrunc.f32 v29;
	v55 =	vadd.f32 $-1.275000000e+02, v29;
	v22 =	vcvt.f32.s32 v60  }
0x1be: {  	v17 =	vcvt.f32.s32 v38;
	v58 =	vcvt.f32.s32 v54;
	v16 =	vadd.f32 v21, v16  }
0x1bf: {  	v39 =	vand.u32 $0x7FFFFFFF, v61;
	v45 =	vmul.f32 $5.000000000e-01, v41;
	v30 =	vmul.f32 v49, v41  }
0x1c0: {  	v40 =	vand.u32 $0x7FFFFFFF, v62;
	v49 =	vmul.f32 v15, v24;
	v15 =	vcvt.s32.f32 v33  }
0x1c1: {  	v27 =	vmul.f32 $1.562500000e-02, v41;
	v32 =	vand.u32 $0x7FFFFFFF, v55;
	v61 =	vadd.f32 v13, v13  }
0x1c2: {  	v62 =	vadd.f32 v12, v12;
	v25 =	vmax.f32 v39, v40;
	v43 =	vshll.u32 v22, $0x8  }
0x1c3: {  	v22 =	vcvt.s32.f32 v22;
	v60 =	vshll.u32 v58, $0x8;
	vm5 =	vlt.f32 v25, $1.275000000e+02  }
0x1c4: {  	v23 =	vcvt.s32.f32 v58;
	v25 =	vadd.s32 v17, v43;
	v31 =	vadd.f32 v45, v44  }
0x1c5: {  	v14 =	vadd.f32 v49, v36;
	v57 =	vmul.f32 $5.000000000e-01, v27;
	v46 =	vadd.s32 $0x1, v25  }
0x1c6: {  	v34 =	vadd.f32 v9, v62;
	v17 =	vcvt.s32.f32 v17;
	v8 =	vsub.f32 v8, v15  }
0x1c7: {  	v45 =	vxor.u32 $0x80000000, v27;
	v50 =	vsub.f32 v30, v31;
	v30 =	vadd.f32 v9, v12  }
0x1c8: {  	v22 =	vsub.f32 v59, v22;
	v23 =	vsub.f32 v29, v23;
	v44 =	vtrunc.f32 v34  }
0x1c9: {  	v35 =	vadd.f32 $-1.275000000e+02, v34;
	v39 =	vcvt.f32.s32 v44;
	v56 =	vadd.f32 $-1.275000000e+02, v30;
	v51 =	vld.idx.msk [tilespmem:v25+s2+$0x0], vm5  }
0x1ca: {  	v17 =	vsub.f32 v18, v17;
	v52 =	vmul.f32 v50, v50;
	v59 =	vtrunc.f32 v30;
	v53 =	vld.idx.msk [tilespmem:v46+s2+$0x0], vm5  }
0x1cb: {  	v28 =	vadd.f32 v50, v57;
	v31 =	vcvt.f32.s32 v59;
	v25 =	vld.idx.msk [tilespmem:v25+s28+$0x0], vm5;
	v33 =	vand.u32 $0x7FFFFFFF, v56  }
0x1cc: {  	v59 =	vmul.f32 $3.000000000e+00, v13;
	v11 =	vmul.f32 $-5.000000000e-01, v52;
	v19 =	vld.idx.msk [tilespmem:v46+s28+$0x0], vm5;
	v32 =	vmax.f32 v32, v33  }
0x1cd: {  	v50 =	vmul.f32 v45, v28;
	v33 =	vadd.f32 v10, v61;
	vm6 =	vlt.f32 v32, $1.275000000e+02  }
0x1ce: {  	v56 =	vcvt.s32.f32 v31;
	v32 =	vadd.s32 v31, v60;
	v52 =	vmul.f32 $1.442695020e+00, v11  }
0x1cf: {  	v55 =	vadd.f32 v50, v11;
	v60 =	vmul.f32 $3.000000000e+00, v12;
	v63 =	vadd.s32 $0x1, v32  }
0x1d0: {  	v40 =	vtrunc.f32 v33;
	v41 =	vadd.f32 $-1.275000000e+02, v33;
	v57 =	vsub.f32 v30, v56  }
0x1d1: {  	v56 =	vmul.f32 $4.000000000e+00, v12;
	v25 =	vsub.f32 v25, v51;
	v19 =	vsub.f32 v19, v53  }
0x1d2: {  	v35 =	vand.u32 $0x7FFFFFFF, v35;
	(erf) = vpow2.f32 v52;
	v61 =	vmul.f32 $1.442695020e+00, v55  }
0x1d3: {  	v26 =	vand.u32 $0x7FFFFFFF, v41;
	v25 =	vmul.f32 v22, v25;
	v19 =	vmul.f32 v22, v19;
	v43 =	vld.idx.msk [tilespmem:v32+s2+$0x0], vm6  }
0x1d4: {  	v31 =	vadd.f32 v9, v60;
	v47 =	vmax.f32 v26, v35;
	v26 =	vadd.f32 v10, v59;
	v32 =	vld.idx.msk [tilespmem:v32+s28+$0x0], vm6  }
0x1d5: {  	v52 =	vcvt.s32.f32 v39;
	v46 =	vld.idx.msk [tilespmem:v63+s2+$0x0], vm6;
	v20 =	vadd.f32 v25, v51;
	v19 =	vadd.f32 v19, v53  }
0x1d6: {  	(erf) = vpow2.f32 v61;
	v44 =	vadd.f32 $-1.275000000e+02, v31;
	v48 =	vld.idx.msk [tilespmem:v63+s28+$0x0], vm6;
	v25 =	vcvt.f32.s32 v40  }
0x1d7: {  	vm7 =	vlt.f32 v47, $1.275000000e+02;
	v42 =	vsub.f32 v19, v20;
	v19 =	vmul.f32 v45, v27  }
0x1d8: {  	v49 =	vshll.u32 v25, $0x8;
	v40 =	vcvt.s32.f32 v25;
	v45 =	vtrunc.f32 v31  }
0x1d9: {  	v51 =	vadd.s32 v39, v49;
	v47 =	vcvt.f32.s32 v45;
	v45 =	vmul.f32 $5.000000000e+00, v12  }
0x1da: {  	v17 =	vmul.f32 v42, v17;
	v53 =	vadd.s32 $0x1, v51;
	v54 =	vsub.f32 v32, v43  }
0x1db: {  	v22 =	vadd.f32 v50, v19;
	v18 =	vsub.f32 v48, v46;
	v42 =	vtrunc.f32 v26  }
0x1dc: {  	v25 =	vcvt.f32.s32 v42;
	v35 =	vcvt.s32.f32 v47;
	v17 =	vadd.f32 v17, v20  }
0x1dd: {  	v27 =	vmul.f32 v23, v54;
	v18 =	vmul.f32 v23, v18;
	v20 =	vadd.f32 v22, v55  }
0x1de: {  	v55 =	vmul.f32 $4.000000000e+00, v13;
	v22 =	vadd.f32 v22, v19;
	v31 =	vsub.f32 v31, v35  }
0x1df: {  	v11 =	vpop (erf);
	v49 =	vshll.u32 v25, $0x8;
	v58 =	vld.idx.msk [tilespmem:v51+s2+$0x0], vm7;
	v27 =	vadd.f32 v27, v43;
	v43 =	vadd.f32 $-1.275000000e+02, v26  }
0x1e0: {  	v50 =	vpop (erf);
	v25 =	vcvt.s32.f32 v25;
	v63 =	vld.idx.msk [tilespmem:v51+s28+$0x0], vm7;
	v38 =	vadd.f32 v18, v46;
	v18 =	vsub.f32 v33, v40  }
0x1e1: {  	v46 =	vand.u32 $0x7FFFFFFF, v44;
	v17 =	vmul.f32 v17, v50;
	v62 =	vld.idx.msk [tilespmem:v53+s2+$0x0], vm7;
	v28 =	vand.u32 $0x7FFFFFFF, v43  }
0x1e2: {  	v33 =	vadd.f32 v10, v55;
	v44 =	vmul.f32 $5.000000000e+00, v13;
	v41 =	vld.idx.msk [tilespmem:v53+s28+$0x0], vm7;
	v48 =	vmax.f32 v28, v46  }
0x1e3: {  	v53 =	vmul.f32 $1.442695020e+00, v20;
	v25 =	vsub.f32 v26, v25;
	vm8 =	vlt.f32 v48, $1.275000000e+02  }
0x1e4: {  	v20 =	vadd.f32 v22, v20;
	v36 =	vsub.f32 v38, v27;
	v28 =	vadd.s32 v47, v49  }
0x1e5: {  	v22 =	vadd.f32 v22, v19;
	v17 =	vadd.f32 $0.0e+00, v17;
	v51 =	vadd.s32 $0x1, v28  }
0x1e6: {  	v60 =	vtrunc.f32 v33;
	v29 =	vmul.f32 v36, v57;
	v24 =	vsub.f32 v63, v58  }
0x1e7: {  	v61 =	vadd.f32 $-1.275000000e+02, v33;
	(erf) = vpow2.f32 v53;
	v23 =	vsub.f32 v41, v62  }
0x1e8: {  	v53 =	vmul.f32 $1.442695020e+00, v20;
	v27 =	vadd.f32 v29, v27;
	v24 =	vmul.f32 v18, v24  }
0x1e9: {  	v54 =	vpop (erf);
	v29 =	vsub.f32 v34, v52;
	v34 =	vadd.f32 v9, v56;
	v18 =	vmul.f32 v18, v23;
	v57 =	vld.idx.msk [tilespmem:v28+s2+$0x0], vm8  }
0x1ea: {  	v20 =	vadd.f32 v22, v20;
	v27 =	vmul.f32 v27, v54;
	v24 =	vadd.f32 v24, v58;
	v58 =	vld.idx.msk [tilespmem:v51+s2+$0x0], vm8  }
0x1eb: {  	(erf) = vpow2.f32 v53;
	v36 =	vtrunc.f32 v34;
	v18 =	vadd.f32 v18, v62;
	v59 =	vld.idx.msk [tilespmem:v28+s28+$0x0], vm8  }
0x1ec: {  	v63 =	vcvt.f32.s32 v36;
	v17 =	vadd.f32 v17, v27;
	v23 =	vld.idx.msk [tilespmem:v51+s28+$0x0], vm8;
	v27 =	vcvt.f32.s32 v60  }
0x1ed: {  	v62 =	vadd.f32 $-1.275000000e+02, v34;
	v60 =	vmul.f32 $1.442695020e+00, v20;
	v18 =	vsub.f32 v18, v24  }
0x1ee: {  	v28 =	vand.u32 $0x7FFFFFFF, v61;
	v42 =	vshll.u32 v27, $0x8;
	v27 =	vcvt.s32.f32 v27  }
0x1ef: {  	(erf) = vpow2.f32 v60;
	v18 =	vmul.f32 v18, v29;
	v29 =	vand.u32 $0x7FFFFFFF, v62  }
0x1f0: {  	v26 =	vadd.s32 v63, v42;
	v27 =	vsub.f32 v33, v27;
	v28 =	vmax.f32 v28, v29  }
0x1f1: {  	v21 =	vsub.f32 v59, v57;
	v23 =	vsub.f32 v23, v58;
	vm9 =	vlt.f32 v28, $1.275000000e+02  }
0x1f2: {  	v43 =	vadd.s32 $0x1, v26;
	v29 =	vadd.f32 v9, v45;
	v18 =	vadd.f32 v18, v24  }
0x1f3: {  	v21 =	vmul.f32 v25, v21;
	v23 =	vmul.f32 v25, v23;
	v25 =	vadd.f32 v10, v44  }
0x1f4: {  	v46 =	vpop (erf);
	v24 =	vcvt.s32.f32 v63;
	v50 =	vadd.f32 $-1.275000000e+02, v29;
	v52 =	vtrunc.f32 v29  }
0x1f5: {  	v18 =	vmul.f32 v18, v46;
	v38 =	vcvt.f32.s32 v52;
	v49 =	vadd.f32 $-1.275000000e+02, v25  }
0x1f6: {  	v21 =	vadd.f32 v21, v57;
	v23 =	vadd.f32 v23, v58;
	v48 =	vtrunc.f32 v25  }
0x1f7: {  	v37 =	vand.u32 $0x7FFFFFFF, v50;
	v32 =	vcvt.f32.s32 v48;
	v36 =	vand.u32 $0x7FFFFFFF, v49;
	v51 =	vld.idx.msk [tilespmem:v43+s2+$0x0], vm9  }
0x1f8: {  	v24 =	vsub.f32 v34, v24;
	v58 =	vmul.f32 $6.000000000e+00, v12;
	v28 =	vld.idx.msk [tilespmem:v43+s28+$0x0], vm9;
	v36 =	vmax.f32 v36, v37  }
0x1f9: {  	v23 =	vsub.f32 v23, v21;
	v47 =	vld.idx.msk [tilespmem:v26+s2+$0x0], vm9;
	v54 =	vshll.u32 v32, $0x8;
	vm10 =	vlt.f32 v36, $1.275000000e+02  }
0x1fa: {  	v57 =	vmul.f32 $6.000000000e+00, v13;
	v26 =	vld.idx.msk [tilespmem:v26+s28+$0x0], vm9;
	v37 =	vadd.f32 v9, v58;
	v55 =	vadd.s32 v38, v54  }
0x1fb: {  	v17 =	vadd.f32 v17, v18;
	v23 =	vmul.f32 v23, v31;
	v56 =	vadd.s32 $0x1, v55  }
0x1fc: {  	v32 =	vcvt.s32.f32 v32;
	v36 =	vadd.f32 v10, v57;
	v63 =	vadd.f32 $-1.275000000e+02, v37  }
0x1fd: {  	v38 =	vcvt.s32.f32 v38;
	v21 =	vadd.f32 v23, v21;
	v28 =	vsub.f32 v28, v51  }
0x1fe: {  	v61 =	vtrunc.f32 v36;
	v62 =	vadd.f32 $-1.275000000e+02, v36;
	v49 =	vand.u32 $0x7FFFFFFF, v63  }
0x1ff: {  	v52 =	vpop (erf);
	v63 =	vadd.f32 v22, v19;
	v26 =	vsub.f32 v26, v47;
	v59 =	vmul.f32 v27, v28;
	v28 =	vld.idx.msk [tilespmem:v55+s2+$0x0], vm10  }
0x200: {  	v45 =	vcvt.f32.s32 v61;
	v48 =	vand.u32 $0x7FFFFFFF, v62;
	v18 =	vmul.f32 v21, v52;
	v39 =	vld.idx.msk [tilespmem:v56+s2+$0x0], vm10  }
0x201: {  	v50 =	vmax.f32 v48, v49;
	v20 =	vadd.f32 v63, v20;
	v26 =	vmul.f32 v27, v26;
	v44 =	vld.idx.msk [tilespmem:v55+s28+$0x0], vm10  }
0x202: {  	v15 =	vadd.f32 v63, v19;
	v46 =	vld.idx.msk [tilespmem:v56+s28+$0x0], vm10;
	vm11 =	vlt.f32 v50, $1.275000000e+02;
	v55 =	vsub.f32 v25, v32  }
0x203: {  	v17 =	vadd.f32 v17, v18;
	v26 =	vadd.f32 v26, v47;
	v47 =	vtrunc.f32 v37  }
0x204: {  	v23 =	vadd.f32 v59, v51;
	v59 =	vsub.f32 v16, v14;
	v33 =	vcvt.f32.s32 v47  }
0x205: {  	v50 =	vmul.f32 $7.000000000e+00, v13;
	v51 =	vshll.u32 v45, $0x8;
	v47 =	vcvt.s32.f32 v45  }
0x206: {  	v54 =	vsub.f32 v23, v26;
	v8 =	vmul.f32 v59, v8;
	v53 =	vadd.s32 v33, v51  }
0x207: {  	v56 =	vsub.f32 v44, v28;
	v57 =	vsub.f32 v46, v39;
	v51 =	vmul.f32 $7.000000000e+00, v12  }
0x208: {  	v58 =	vadd.s32 $0x1, v53;
	v60 =	vmul.f32 v54, v24;
	v24 =	vsub.f32 v29, v38  }
0x209: {  	v14 =	vadd.f32 v8, v14;
	v61 =	vmul.f32 v55, v56;
	v62 =	vmul.f32 v55, v57  }
0x20a: {  	v27 =	vadd.f32 v9, v51;
	v57 =	vmul.f32 $8.000000000e+00, v12;
	v16 =	vadd.f32 v60, v26;
	v60 =	vld [tilespmem:s21+$0x10]  }
0x20b: {  	v49 =	vcvt.s32.f32 v33;
	v18 =	vadd.f32 v61, v28;
	v21 =	vadd.f32 v62, v39;
	v32 =	vld.idx.msk [tilespmem:v53+s2+$0x0], vm11  }
0x20c: {  	v35 =	vpop (erf);
	v56 =	vmul.f32 $8.000000000e+00, v13;
	v28 =	vadd.f32 $-1.275000000e+02, v27;
	v31 =	vadd.f32 v9, v57;
	v39 =	vld.idx.msk [tilespmem:v53+s28+$0x0], vm11  }
0x20d: {  	v11 =	vmul.f32 v14, v11;
	v16 =	vmul.f32 v16, v35;
	v40 =	vld.idx.msk [tilespmem:v58+s2+$0x0], vm11;
	v21 =	vsub.f32 v21, v18  }
0x20e: {  	v55 =	vtrunc.f32 v27;
	v41 =	vld.idx.msk [tilespmem:v58+s28+$0x0], vm11;
	v28 =	vand.u32 $0x7FFFFFFF, v28;
	v46 =	vadd.f32 $-1.275000000e+02, v31  }
0x20f: {  	v58 =	vld [tilespmem:s22+$0x10];
	v42 =	vadd.f32 v17, v16;
	v48 =	vmul.f32 v21, v24;
	v21 =	vadd.f32 v15, v20  }
0x210: {  	v16 =	vsub.f32 v36, v47;
	v47 =	vld [tilespmem:s18+$0x10];
	v20 =	vmul.f32 $1.442695020e+00, v20;
	v24 =	vsub.f32 v37, v49  }
0x211: {  	v49 =	vld [tilespmem:s17+$0x10];
	v38 =	vand.u32 $0x7FFFFFFF, v46;
	v25 =	vsub.f32 v39, v32;
	v52 =	vmul.f32 $1.442695020e+00, v21  }
0x212: {  	(erf) = vpow2.f32 v20;
	v20 =	vadd.f32 v10, v50;
	v50 =	vtrunc.f32 v31  }
0x213: {  	v30 =	vld [tilespmem:s23+$0x10];
	v17 =	vadd.f32 v48, v18;
	v26 =	vsub.f32 v41, v40;
	v36 =	vcvt.f32.s32 v50  }
0x214: {  	v29 =	vld [tilespmem:s24+$0x10];
	v57 =	vadd.f32 v60, v58;
	v25 =	vmul.f32 v16, v25;
	(erf) = vpow2.f32 v52  }
0x215: {  	v63 =	vld [tilespmem:s19+$0x10];
	v53 =	vtrunc.f32 v20;
	v54 =	vadd.f32 $-1.275000000e+02, v20;
	v16 =	vmul.f32 v16, v26  }
0x216: {  	v61 =	vld [tilespmem:s20+$0x10];
	v23 =	vcvt.f32.s32 v53;
	v60 =	vadd.f32 v49, v47;
	v47 =	vmul.f32 $9.000000000e+00, v13  }
0x217: {  	v35 =	vcvt.s32.f32 v36;
	v22 =	vadd.f32 v25, v32;
	v26 =	vand.u32 $0x7FFFFFFF, v54  }
0x218: {  	v25 =	vcvt.f32.s32 v55;
	v16 =	vadd.f32 v16, v40;
	v26 =	vmax.f32 v26, v28  }
0x219: {  	v59 =	vshll.u32 v23, $0x8;
	v28 =	vadd.f32 v10, v56;
	v56 =	vadd.f32 v30, v29  }
0x21a: {  	v23 =	vcvt.s32.f32 v23;
	v30 =	vadd.f32 v10, v47;
	v31 =	vsub.f32 v31, v35  }
0x21b: {  	vm12 =	vlt.f32 v26, $1.275000000e+02;
	v26 =	vadd.s32 v25, v59;
	v59 =	vadd.f32 v63, v61  }
0x21c: {  	v61 =	vadd.f32 v15, v19;
	v15 =	vmul.f32 $5.000000000e-01, v57;
	v63 =	vcvt.s32.f32 v25  }
0x21d: {  	v57 =	vmul.f32 $1.000000000e+01, v12;
	v16 =	vsub.f32 v16, v22;
	v62 =	vadd.s32 $0x1, v26  }
0x21e: {  	v44 =	vtrunc.f32 v28;
	v45 =	vadd.f32 $-1.275000000e+02, v28;
	v20 =	vsub.f32 v20, v23  }
0x21f: {  	v48 =	vcvt.f32.s32 v44;
	v21 =	vadd.f32 v61, v21;
	v32 =	vadd.f32 v61, v19  }
0x220: {  	v23 =	vsub.f32 v27, v63;
	v16 =	vmul.f32 v16, v24;
	v43 =	vpop (erf);
	v37 =	vand.u32 $0x7FFFFFFF, v45  }
0x221: {  	v24 =	vmul.f32 $5.000000000e-01, v60;
	v17 =	vmul.f32 v43, v17;
	v37 =	vmax.f32 v37, v38  }
0x222: {  	v54 =	vshll.u32 v48, $0x8;
	v43 =	vmul.f32 $1.442695020e+00, v21;
	v21 =	vadd.f32 v32, v21  }
0x223: {  	v32 =	vadd.f32 v32, v19;
	v16 =	vadd.f32 v16, v22;
	vm13 =	vlt.f32 v37, $1.275000000e+02;
	v52 =	vld.idx.msk [tilespmem:v26+s2+$0x0], vm12  }
0x224: {  	v55 =	vadd.s32 v36, v54;
	v22 =	vcvt.s32.f32 v48;
	v48 =	vmul.f32 $9.000000000e+00, v12;
	v53 =	vld.idx.msk [tilespmem:v62+s2+$0x0], vm12  }
0x225: {  	v54 =	vadd.f32 $-1.275000000e+02, v30;
	v8 =	vadd.f32 v42, v17;
	v58 =	vld.idx.msk [tilespmem:v62+s28+$0x0], vm12;
	v62 =	vmul.f32 $5.000000000e-01, v59  }
0x226: {  	v51 =	vpop (erf);
	v26 =	vld.idx.msk [tilespmem:v26+s28+$0x0], vm12;
	v39 =	vadd.s32 $0x1, v55;
	(erf) = vpow2.f32 v43;
	v60 =	vmul.f32 $1.442695020e+00, v21  }
0x227: {  	v17 =	vmul.f32 v51, v16;
	v16 =	vmul.f32 $5.000000000e-01, v56;
	v22 =	vsub.f32 v28, v22  }
0x228: {  	v34 =	vadd.f32 v9, v48;
	v56 =	vmul.f32 $1.000000000e+01, v13;
	v13 =	vmul.f32 $1.100000000e+01, v13  }
0x229: {  	v63 =	vld [tilespmem:s16+$0x10];
	(erf) = vpow2.f32 v60;
	v8 =	vadd.f32 v8, v17;
	v18 =	vsub.f32 v62, v16  }
0x22a: {  	v17 =	vsub.f32 v24, v15;
	v16 =	vmul.f32 v16, v0;
	v15 =	vmul.f32 v15, v1;
	v29 =	vld.idx.msk [tilespmem:v55+s2+$0x0], vm13  }
0x22b: {  	v41 =	vsub.f32 v26, v52;
	v42 =	vsub.f32 v58, v53;
	v44 =	vld.idx.msk [tilespmem:v55+s28+$0x0], vm13;
	v45 =	vmul.f32 v18, v18  }
0x22c: {  	v46 =	vmul.f32 v17, v17;
	v27 =	vld.idx.msk [tilespmem:v39+s2+$0x0], vm13;
	v55 =	vadd.f32 $-1.275000000e+02, v34;
	v18 =	vmul.f32 v18, v0  }
0x22d: {  	v25 =	vld.idx.msk [tilespmem:v39+s28+$0x0], vm13;
	v39 =	vand.u32 $0x7FFFFFFF, v54;
	v24 =	vmul.f32 v41, v20;
	v26 =	vmul.f32 v42, v20  }
0x22e: {  	v20 =	vadd.f32 v46, v45;
	v40 =	vand.u32 $0x7FFFFFFF, v55;
	v41 =	vadd.f32 v9, v57  }
0x22f: {  	v45 =	vmul.f32 $1.498962340e-01, v63;
	v39 =	vmax.f32 v39, v40;
	v40 =	vadd.f32 v10, v56  }
0x230: {  	v24 =	vadd.f32 v24, v52;
	v50 =	vmul.f32 $5.000000000e-01, v20;
	v26 =	vadd.f32 v26, v53  }
0x231: {  	v52 =	vtrunc.f32 v30;
	v53 =	vtrunc.f32 v34;
	vm14 =	vlt.f32 v39, $1.275000000e+02  }
0x232: {  	v62 =	vadd.f32 $-1.275000000e+02, v41;
	v48 =	vtrunc.f32 v41;
	v42 =	vmul.f32 v45, v2  }
0x233: {  	v49 =	vsub.f32 v44, v29;
	v25 =	vsub.f32 v25, v27;
	v37 =	vcvt.f32.s32 v52  }
0x234: {  	v38 =	vcvt.f32.s32 v53;
	v61 =	vadd.f32 $-1.275000000e+02, v40;
	v51 =	vmul.f32 $1.262626260e-03, v50  }
0x235: {  	v52 =	vtrunc.f32 v40;
	v54 =	vcvt.f32.s32 v48;
	v58 =	vshll.u32 v37, $0x8  }
0x236: {  	v26 =	vsub.f32 v26, v24;
	v36 =	vmul.f32 $1.262626260e-03, v51;
	v39 =	vadd.s32 v38, v58  }
0x237: {  	v46 =	vcvt.f32.s32 v52;
	v44 =	vand.u32 $0x7FFFFFFF, v62;
	v43 =	vand.u32 $0x7FFFFFFF, v61  }
0x238: {  	v43 =	vmax.f32 v43, v44;
	v59 =	vadd.s32 $0x1, v39;
	v36 =	vsub.f32 $1.500000000e+00, v36  }
0x239: {  	v28 =	vmul.f32 v49, v22;
	v55 =	vshll.u32 v46, $0x8;
	vm15 =	vlt.f32 v43, $1.275000000e+02  }
0x23a: {  	v22 =	vmul.f32 v25, v22;
	v56 =	vadd.s32 v54, v55;
	v36 =	vmul.f32 $1.262626260e-03, v36  }
0x23b: {  	v21 =	vadd.f32 v32, v21;
	v23 =	vmul.f32 v26, v23;
	v48 =	vcvt.s32.f32 v46;
	v47 =	vld.idx.msk [tilespmem:v39+s2+$0x0], vm14  }
0x23c: {  	v28 =	vadd.f32 v28, v29;
	v22 =	vadd.f32 v22, v27;
	v39 =	vld.idx.msk [tilespmem:v39+s28+$0x0], vm14;
	v33 =	vmul.f32 v36, v50  }
0x23d: {  	v51 =	vadd.f32 v32, v19;
	v43 =	vcvt.s32.f32 v38;
	v23 =	vadd.f32 v23, v24;
	v53 =	vld.idx.msk [tilespmem:v59+s2+$0x0], vm14  }
0x23e: {  	v61 =	vpop (erf);
	v57 =	vadd.s32 $0x1, v56;
	v22 =	vsub.f32 v22, v28;
	v25 =	vld.idx.msk [tilespmem:v59+s28+$0x0], vm14;
	v33 =	vmul.f32 v33, v36  }
0x23f: {  	v49 =	vsub.f32 v40, v48;
	v19 =	vadd.f32 v51, v19;
	v23 =	vmul.f32 v23, v61;
	v63 =	vld.idx.msk [tilespmem:v56+s2+$0x0], vm15  }
0x240: {  	v61 =	vadd.f32 v51, v21;
	v22 =	vmul.f32 v22, v31;
	v27 =	vld.idx.msk [tilespmem:v56+s28+$0x0], vm15;
	v33 =	vsub.f32 $1.500000000e+00, v33  }
0x241: {  	v59 =	vcvt.s32.f32 v37;
	v8 =	vadd.f32 v8, v23;
	v50 =	vcvt.s32.f32 v54  }
0x242: {  	v54 =	vmul.f32 v17, v1;
	v19 =	vadd.f32 v19, v61;
	v33 =	vmul.f32 v33, v36  }
0x243: {  	v17 =	vmul.f32 $1.562500000e-02, v18;
	v30 =	vsub.f32 v30, v59;
	v62 =	vsub.f32 v39, v47  }
0x244: {  	v22 =	vadd.f32 v22, v28;
	v25 =	vsub.f32 v25, v53;
	v58 =	vmul.f32 v33, v45  }
0x245: {  	v37 =	vpop (erf);
	v26 =	vld.idx.msk [tilespmem:v57+s28+$0x0], vm15;
	v28 =	vsub.f32 v34, v43;
	v35 =	vmul.f32 v62, v30;
	v27 =	vsub.f32 v27, v63  }
0x246: {  	v22 =	vmul.f32 v22, v37;
	v36 =	vld.idx.msk [tilespmem:v57+s2+$0x0], vm15;
	v25 =	vmul.f32 v25, v30;
	v60 =	vadd.f32 $5.000000000e-01, v58  }
0x247: {  	v39 =	vadd.f32 v35, v47;
	v47 =	vmul.f32 $1.442695020e+00, v21;
	v27 =	vmul.f32 v27, v49  }
0x248: {  	v59 =	vmul.f32 $0.0e+00, v17;
	v8 =	vadd.f32 v8, v22;
	v24 =	vmul.f32 $6.400000000e+01, v60  }
0x249: {  	v25 =	vadd.f32 v25, v53;
	(erf) = vpow2.f32 v47;
	v27 =	vadd.f32 v27, v63  }
0x24a: {  	v63 =	vmul.f32 $1.100000000e+01, v12;
	v12 =	vmul.f32 v33, v20;
	v24 =	vadd.f32 $-5.000000000e-01, v24  }
0x24b: {  	v20 =	vadd.f32 v10, v13;
	v47 =	vmul.f32 $1.442695020e+00, v61;
	v26 =	vsub.f32 v26, v36  }
0x24c: {  	v19 =	vmul.f32 $1.442695020e+00, v19;
	v25 =	vsub.f32 v25, v39;
	v24 =	vadd.f32 $-5.000000000e+00, v24  }
0x24d: {  	v53 =	vsub.f32 v41, v50;
	(erf) = vpow2.f32 v47;
	v22 =	vmul.f32 v26, v49  }
0x24e: {  	v25 =	vmul.f32 v25, v28;
	v49 =	vtrunc.f32 v20;
	v24 =	vmax.f32 v24, $0.0e+00  }
0x24f: {  	(erf) = vpow2.f32 v19;
	v22 =	vadd.f32 v22, v36;
	v24 =	vmin.f32 v24, $5.200000000e+01  }
0x250: {  	v23 =	vadd.f32 v25, v39;
	v39 =	vmul.f32 v12, v2;
	v24 =	vtrunc.f32 v24  }
0x251: {  	v21 =	vcvt.f32.s32 v49;
	v22 =	vsub.f32 v22, v27;
	v24 =	vadd.f32 $5.000000000e-01, v24  }
0x252: {  	v45 =	vmul.f32 $5.000000000e-01, v39;
	v10 =	vmul.f32 $1.562500000e-02, v39  }
0x253: {  	v58 =	vpop (erf);
	v62 =	vmul.f32 v22, v53;
	v52 =	vmul.f32 $1.562500000e-02, v24  }
0x254: {  	v16 =	vadd.f32 $1.275000000e+02, v16;
	v14 =	vmul.f32 v23, v58;
	v23 =	vcvt.s32.f32 v21  }
0x255: {  	v57 =	vadd.f32 $1.275000000e+02, v15;
	v55 =	vmul.f32 v52, v18;
	v56 =	vmul.f32 v52, v54  }
0x256: {  	v51 =	vadd.f32 v45, v42;
	v18 =	vmul.f32 $1.562500000e-02, v54;
	v50 =	vmul.f32 v52, v39  }
0x257: {  	v21 =	vshll.u32 v21, $0x8;
	v23 =	vsub.f32 v20, v23;
	v15 =	vadd.f32 v55, v16  }
0x258: {  	v16 =	vadd.f32 v56, v57;
	v60 =	vmul.f32 $0.0e+00, v18;
	v25 =	vsub.f32 v50, v51  }
0x259: {  	v55 =	vmul.f32 $5.000000000e-01, v10;
	v47 =	vadd.f32 v18, v18;
	v26 =	vadd.f32 v15, v59  }
0x25a: {  	v28 =	vadd.f32 v16, v60;
	v54 =	vmul.f32 v25, v25;
	v34 =	vadd.f32 v15, v17  }
0x25b: {  	v35 =	vadd.f32 v16, v18;
	v25 =	vadd.f32 v25, v55;
	v36 =	vtrunc.f32 v26  }
0x25c: {  	v37 =	vadd.f32 $-1.275000000e+02, v26;
	v38 =	vadd.f32 $-1.275000000e+02, v28;
	v41 =	vtrunc.f32 v28  }
0x25d: {  	v59 =	vtrunc.f32 v34;
	v60 =	vadd.f32 $-1.275000000e+02, v34;
	v61 =	vadd.f32 $-1.275000000e+02, v35  }
0x25e: {  	v40 =	vcvt.f32.s32 v36;
	v43 =	vcvt.f32.s32 v41;
	v24 =	vand.u32 $0x7FFFFFFF, v37  }
0x25f: {  	v30 =	vand.u32 $0x7FFFFFFF, v38;
	v37 =	vand.u32 $0x7FFFFFFF, v60;
	v38 =	vand.u32 $0x7FFFFFFF, v61  }
0x260: {  	v44 =	vmax.f32 v24, v30;
	v46 =	vshll.u32 v40, $0x8;
	v24 =	vadd.f32 v9, v63  }
0x261: {  	v9 =	vadd.f32 v62, v27;
	v27 =	vmul.f32 $-5.000000000e-01, v54;
	v13 =	vcvt.s32.f32 v40  }
0x262: {  	v62 =	vcvt.s32.f32 v43;
	v63 =	vcvt.f32.s32 v59;
	vm4 =	vlt.f32 v44, $1.275000000e+02  }
0x263: {  	v37 =	vmax.f32 v37, v38;
	v40 =	vxor.u32 $0x80000000, v10;
	v48 =	vadd.s32 v43, v46  }
0x264: {  	v44 =	vtrunc.f32 v35;
	vm5 =	vlt.f32 v37, $1.275000000e+02;
	v46 =	vadd.f32 v17, v17  }
0x265: {  	v25 =	vmul.f32 v40, v25;
	v10 =	vmul.f32 v40, v10;
	v52 =	vadd.s32 $0x1, v48  }
0x266: {  	v53 =	vtrunc.f32 v24;
	v13 =	vsub.f32 v26, v13;
	v36 =	vcvt.f32.s32 v44  }
0x267: {  	v45 =	vshll.u32 v63, $0x8;
	v26 =	vsub.f32 v28, v62;
	v28 =	vadd.f32 v16, v47  }
0x268: {  	v32 =	vcvt.s32.f32 v63;
	v22 =	vcvt.f32.s32 v53;
	v38 =	vadd.f32 v15, v46;
	v56 =	vld.idx.msk [tilespmem:v48+s2+$0x0], vm4  }
0x269: {  	v53 =	vmul.f32 $3.000000000e+00, v18;
	v37 =	vadd.s32 v36, v45;
	v39 =	vadd.f32 $-1.275000000e+02, v28;
	v57 =	vld.idx.msk [tilespmem:v48+s28+$0x0], vm4  }
0x26a: {  	v51 =	vtrunc.f32 v28;
	v32 =	vsub.f32 v34, v32;
	v36 =	vcvt.s32.f32 v36;
	v58 =	vld.idx.msk [tilespmem:v52+s2+$0x0], vm4  }
0x26b: {  	v49 =	vadd.f32 $-1.275000000e+02, v38;
	v50 =	vtrunc.f32 v38;
	v42 =	vcvt.f32.s32 v51;
	v30 =	vld.idx.msk [tilespmem:v52+s28+$0x0], vm4  }
0x26c: {  	v44 =	vadd.f32 v16, v53;
	v21 =	vadd.s32 v22, v21;
	v29 =	vcvt.f32.s32 v50  }
0x26d: {  	v39 =	vand.u32 $0x7FFFFFFF, v39;
	v48 =	vadd.s32 $0x1, v37;
	v52 =	vmul.f32 $3.000000000e+00, v17  }
0x26e: {  	v59 =	vadd.f32 $-1.275000000e+02, v44;
	v61 =	vtrunc.f32 v44;
	v33 =	vsub.f32 v57, v56  }
0x26f: {  	v55 =	vshll.u32 v29, $0x8;
	v45 =	vcvt.f32.s32 v61;
	v29 =	vcvt.s32.f32 v29;
	v41 =	vld.idx.msk [tilespmem:v37+s2+$0x0], vm5  }
0x270: {  	v37 =	vld.idx.msk [tilespmem:v37+s28+$0x0], vm5;
	v43 =	vadd.f32 v15, v52;
	v30 =	vsub.f32 v30, v58;
	v33 =	vmul.f32 v13, v33  }
0x271: {  	v47 =	vand.u32 $0x7FFFFFFF, v59;
	v52 =	vmul.f32 $1.442695020e+00, v27;
	v27 =	vadd.f32 v25, v27  }
0x272: {  	v13 =	vmul.f32 v13, v30;
	v30 =	vadd.f32 v33, v56;
	v33 =	vand.u32 $0x7FFFFFFF, v49  }
0x273: {  	v25 =	vadd.f32 v25, v10;
	v54 =	vld.idx.msk [tilespmem:v48+s2+$0x0], vm5;
	v57 =	vtrunc.f32 v43;
	v33 =	vmax.f32 v33, v39  }
0x274: {  	v31 =	vld.idx.msk [tilespmem:v48+s28+$0x0], vm5;
	v13 =	vadd.f32 v13, v58;
	v58 =	vadd.f32 $-1.275000000e+02, v43;
	vm6 =	vlt.f32 v33, $1.275000000e+02  }
0x275: {  	v60 =	vsub.f32 v37, v41;
	v37 =	vcvt.f32.s32 v57;
	v56 =	vadd.s32 v42, v55  }
0x276: {  	v48 =	vmul.f32 $4.000000000e+00, v18;
	v57 =	vsub.f32 v38, v29;
	v46 =	vand.u32 $0x7FFFFFFF, v58  }
0x277: {  	v63 =	vshll.u32 v37, $0x8;
	v62 =	vadd.s32 $0x1, v56;
	v46 =	vmax.f32 v46, v47  }
0x278: {  	v34 =	vmul.f32 v32, v60;
	v55 =	vsub.f32 v35, v36;
	vm7 =	vlt.f32 v46, $1.275000000e+02  }
0x279: {  	v60 =	vmul.f32 $1.442695020e+00, v27;
	v31 =	vsub.f32 v31, v54;
	v46 =	vadd.s32 v45, v63  }
0x27a: {  	v27 =	vadd.f32 v25, v27;
	v37 =	vcvt.s32.f32 v37;
	v51 =	vadd.s32 $0x1, v46;
	v49 =	vld.idx.msk [tilespmem:v56+s2+$0x0], vm6  }
0x27b: {  	v25 =	vadd.f32 v25, v10;
	v13 =	vsub.f32 v13, v30;
	v31 =	vmul.f32 v32, v31;
	v50 =	vld.idx.msk [tilespmem:v56+s28+$0x0], vm6  }
0x27c: {  	(erf) = vpow2.f32 v52;
	v34 =	vadd.f32 v34, v41;
	v43 =	vsub.f32 v43, v37;
	v53 =	vld.idx.msk [tilespmem:v62+s2+$0x0], vm6  }
0x27d: {  	v37 =	vadd.f32 v16, v48;
	v47 =	vmul.f32 $4.000000000e+00, v17;
	v31 =	vadd.f32 v31, v54;
	v54 =	vld.idx.msk [tilespmem:v62+s28+$0x0], vm6  }
0x27e: {  	v13 =	vmul.f32 v13, v26;
	v63 =	vmul.f32 $1.442695020e+00, v27;
	v27 =	vadd.f32 v25, v27;
	v56 =	vld.idx.msk [tilespmem:v46+s2+$0x0], vm7  }
0x27f: {  	(erf) = vpow2.f32 v60;
	v25 =	vadd.f32 v25, v10;
	v36 =	vadd.f32 v15, v47;
	v59 =	vld.idx.msk [tilespmem:v51+s2+$0x0], vm7  }
0x280: {  	v30 =	vadd.f32 v13, v30;
	(erf) = vpow2.f32 v63;
	v31 =	vsub.f32 v31, v34;
	v61 =	vld.idx.msk [tilespmem:v46+s28+$0x0], vm7  }
0x281: {  	v63 =	vcvt.s32.f32 v22;
	v52 =	vadd.f32 $-1.275000000e+02, v36;
	v62 =	vcvt.s32.f32 v42;
	v33 =	vld.idx.msk [tilespmem:v51+s28+$0x0], vm7  }
0x282: {  	v42 =	vadd.f32 $-1.275000000e+02, v24;
	v31 =	vmul.f32 v31, v55;
	v55 =	vtrunc.f32 v37  }
0x283: {  	v28 =	vsub.f32 v28, v62;
	v51 =	vtrunc.f32 v36;
	v58 =	vsub.f32 v50, v49  }
0x284: {  	v48 =	vand.u32 $0x7FFFFFFF, v42;
	v39 =	vcvt.f32.s32 v51;
	v40 =	vsub.f32 v54, v53  }
0x285: {  	v31 =	vadd.f32 v31, v34;
	v50 =	vmul.f32 $1.442695020e+00, v27;
	v29 =	vmul.f32 v57, v58  }
0x286: {  	v13 =	vmul.f32 v57, v40;
	v46 =	vsub.f32 v61, v56;
	v33 =	vsub.f32 v33, v59  }
0x287: {  	(erf) = vpow2.f32 v50;
	v40 =	vand.u32 $0x7FFFFFFF, v52;
	v58 =	vshll.u32 v39, $0x8  }
0x288: {  	v52 =	vmul.f32 $5.000000000e+00, v17;
	v13 =	vadd.f32 v13, v53;
	v53 =	vadd.f32 $-1.275000000e+02, v37  }
0x289: {  	v26 =	vadd.f32 v29, v49;
	v49 =	vcvt.s32.f32 v45;
	v29 =	vmul.f32 v43, v46  }
0x28a: {  	v33 =	vmul.f32 v43, v33;
	v45 =	vcvt.s32.f32 v39;
	v41 =	vand.u32 $0x7FFFFFFF, v53  }
0x28b: {  	v29 =	vadd.f32 v29, v56;
	v56 =	vcvt.f32.s32 v55;
	v40 =	vmax.f32 v40, v41  }
0x28c: {  	v54 =	vsub.f32 v13, v26;
	v32 =	vadd.f32 v33, v59;
	vm8 =	vlt.f32 v40, $1.275000000e+02  }
0x28d: {  	v19 =	vpop (erf);
	v59 =	vsub.f32 v44, v49;
	v53 =	vmul.f32 $5.000000000e+00, v18;
	v33 =	vadd.s32 v56, v58  }
0x28e: {  	v41 =	vadd.f32 $-1.275000000e+02, v20;
	v20 =	vsub.f32 v24, v63;
	v13 =	vpop (erf);
	v28 =	vmul.f32 v54, v28  }
0x28f: {  	v32 =	vsub.f32 v32, v29;
	v54 =	vadd.f32 v25, v27;
	v57 =	vpop (erf);
	v61 =	vadd.s32 $0x1, v33  }
0x290: {  	v27 =	vsub.f32 v36, v45;
	v35 =	vcvt.s32.f32 v56;
	v30 =	vmul.f32 v30, v57  }
0x291: {  	v56 =	vmul.f32 $6.000000000e+00, v17;
	v25 =	vadd.f32 v25, v10;
	v60 =	vpop (erf);
	v26 =	vadd.f32 v28, v26  }
0x292: {  	v62 =	vmul.f32 v32, v59;
	v31 =	vmul.f32 v31, v60;
	v43 =	vpop (erf);
	v30 =	vadd.f32 $0.0e+00, v30;
	v44 =	vld.idx.msk [tilespmem:v33+s2+$0x0], vm8  }
0x293: {  	v47 =	vand.u32 $0x7FFFFFFF, v41;
	v57 =	vmul.f32 $6.000000000e+00, v18;
	v26 =	vmul.f32 v26, v43;
	v33 =	vld.idx.msk [tilespmem:v33+s28+$0x0], vm8  }
0x294: {  	v28 =	vadd.f32 v62, v29;
	v30 =	vadd.f32 v30, v31;
	v50 =	vld.idx.msk [tilespmem:v61+s2+$0x0], vm8;
	v31 =	vmax.f32 v47, v48  }
0x295: {  	v49 =	vpop (erf);
	v51 =	vld.idx.msk [tilespmem:v61+s28+$0x0], vm8;
	vm9 =	vlt.f32 v31, $1.275000000e+02;
	v31 =	vadd.f32 v16, v53;
	v53 =	vmul.f32 $7.000000000e+00, v18  }
0x296: {  	v35 =	vsub.f32 v37, v35;
	v28 =	vmul.f32 v28, v49;
	v26 =	vadd.f32 v30, v26  }
0x297: {  	v47 =	vadd.f32 $-1.275000000e+02, v31;
	v38 =	vtrunc.f32 v31;
	v42 =	vadd.f32 v16, v53  }
0x298: {  	v24 =	vadd.f32 v26, v28;
	v28 =	vadd.f32 v15, v52;
	v49 =	vcvt.f32.s32 v38  }
0x299: {  	v38 =	vadd.s32 $0x1, v21;
	v26 =	vadd.f32 v25, v54;
	v33 =	vsub.f32 v33, v44  }
0x29a: {  	v52 =	vmul.f32 $7.000000000e+00, v17;
	v32 =	vsub.f32 v51, v50;
	v46 =	vadd.f32 $-1.275000000e+02, v28  }
0x29b: {  	v34 =	vand.u32 $0x7FFFFFFF, v47;
	v48 =	vtrunc.f32 v28;
	v33 =	vmul.f32 v27, v33  }
0x29c: {  	v36 =	vcvt.f32.s32 v48;
	v27 =	vmul.f32 v27, v32;
	v22 =	vand.u32 $0x7FFFFFFF, v46  }
0x29d: {  	v25 =	vadd.f32 v25, v10;
	v32 =	vcvt.s32.f32 v49;
	v22 =	vmax.f32 v22, v34  }
0x29e: {  	v55 =	vshll.u32 v36, $0x8;
	v29 =	vadd.f32 v33, v44;
	v27 =	vadd.f32 v27, v50  }
0x29f: {  	v33 =	vadd.f32 v15, v56;
	v34 =	vadd.f32 v16, v57;
	v50 =	vmul.f32 $1.442695020e+00, v54  }
0x2a0: {  	v36 =	vcvt.s32.f32 v36;
	vm10 =	vlt.f32 v22, $1.275000000e+02;
	v22 =	vadd.s32 v49, v55  }
0x2a1: {  	v57 =	vadd.f32 $-1.275000000e+02, v42;
	v58 =	vadd.s32 $0x1, v22;
	v27 =	vsub.f32 v27, v29  }
0x2a2: {  	v59 =	vtrunc.f32 v33;
	v60 =	vadd.f32 $-1.275000000e+02, v33;
	v61 =	vadd.f32 $-1.275000000e+02, v34  }
0x2a3: {  	v31 =	vsub.f32 v31, v32;
	v62 =	vtrunc.f32 v34;
	v27 =	vmul.f32 v27, v35  }
0x2a4: {  	v35 =	vcvt.f32.s32 v59;
	v39 =	vand.u32 $0x7FFFFFFF, v60;
	v40 =	vand.u32 $0x7FFFFFFF, v61  }
0x2a5: {  	(erf) = vpow2.f32 v50;
	v41 =	vcvt.f32.s32 v62;
	v39 =	vmax.f32 v39, v40  }
0x2a6: {  	v28 =	vsub.f32 v28, v36;
	vm2 =	vlt.f32 v39, $1.275000000e+02;
	v51 =	vshll.u32 v35, $0x8;
	v37 =	vld.idx.msk [tilespmem:v22+s2+$0x0], vm10  }
0x2a7: {  	v45 =	vand.u32 $0x7FFFFFFF, v57;
	v50 =	vmul.f32 $8.000000000e+00, v17;
	v63 =	vld.idx.msk [tilespmem:v58+s2+$0x0], vm10;
	v39 =	vadd.s32 v41, v51  }
0x2a8: {  	v61 =	vmul.f32 $1.442695020e+00, v26;
	v26 =	vadd.f32 v25, v26;
	v40 =	vadd.f32 v15, v52;
	v22 =	vld.idx.msk [tilespmem:v22+s28+$0x0], vm10  }
0x2a9: {  	v25 =	vadd.f32 v25, v10;
	v52 =	vcvt.s32.f32 v41;
	v30 =	vld.idx.msk [tilespmem:v58+s28+$0x0], vm10;
	v54 =	vadd.s32 $0x1, v39  }
0x2aa: {  	v35 =	vcvt.s32.f32 v35;
	v55 =	vtrunc.f32 v40;
	v56 =	vadd.f32 $-1.275000000e+02, v40  }
0x2ab: {  	v27 =	vadd.f32 v27, v29;
	v58 =	vtrunc.f32 v42;
	v36 =	vcvt.f32.s32 v55  }
0x2ac: {  	v51 =	vmul.f32 $8.000000000e+00, v18;
	v48 =	vcvt.f32.s32 v58;
	v43 =	vand.u32 $0x7FFFFFFF, v56;
	v46 =	vld.idx.msk [tilespmem:v39+s2+$0x0], vm2  }
0x2ad: {  	v43 =	vmax.f32 v43, v45;
	v60 =	vshll.u32 v36, $0x8;
	v22 =	vsub.f32 v22, v37;
	v39 =	vld.idx.msk [tilespmem:v39+s28+$0x0], vm2  }
0x2ae: {  	v36 =	vcvt.s32.f32 v36;
	vm11 =	vlt.f32 v43, $1.275000000e+02;
	v30 =	vsub.f32 v30, v63;
	v47 =	vld.idx.msk [tilespmem:v54+s2+$0x0], vm2  }
0x2af: {  	v34 =	vsub.f32 v34, v52;
	v43 =	vadd.s32 v48, v60;
	v59 =	vld.idx.msk [tilespmem:v54+s28+$0x0], vm2;
	v22 =	vmul.f32 v28, v22  }
0x2b0: {  	v62 =	vadd.s32 $0x1, v43;
	v36 =	vsub.f32 v40, v36;
	v28 =	vmul.f32 v28, v30  }
0x2b1: {  	v54 =	vmul.f32 $1.442695020e+00, v26;
	v26 =	vadd.f32 v25, v26;
	v32 =	vadd.f32 v22, v37  }
0x2b2: {  	(erf) = vpow2.f32 v61;
	v28 =	vadd.f32 v28, v63;
	v63 =	vsub.f32 v33, v35  }
0x2b3: {  	(erf) = vpow2.f32 v54;
	v33 =	vadd.f32 v15, v50;
	v22 =	vadd.f32 v16, v51  }
0x2b4: {  	v51 =	vmul.f32 $1.000000000e+01, v17;
	v49 =	vsub.f32 v39, v46;
	v44 =	vld.idx.msk [tilespmem:v43+s2+$0x0], vm11;
	v30 =	vsub.f32 v59, v47  }
0x2b5: {  	v35 =	vld.idx.msk [tilespmem:v62+s2+$0x0], vm11;
	v55 =	vtrunc.f32 v33;
	v50 =	vadd.f32 $-1.275000000e+02, v22;
	v57 =	vtrunc.f32 v22  }
0x2b6: {  	v43 =	vld.idx.msk [tilespmem:v43+s28+$0x0], vm11;
	v28 =	vsub.f32 v28, v32;
	v53 =	vmul.f32 v63, v49;
	v37 =	vcvt.f32.s32 v55  }
0x2b7: {  	v56 =	vld.idx.msk [tilespmem:v62+s28+$0x0], vm11;
	v49 =	vadd.f32 $-1.275000000e+02, v33;
	v39 =	vcvt.f32.s32 v57;
	v57 =	vcvt.s32.f32 v48  }
0x2b8: {  	v29 =	vmul.f32 v63, v30;
	v59 =	vand.u32 $0x7FFFFFFF, v50;
	v63 =	vmul.f32 $1.442695020e+00, v26  }
0x2b9: {  	v54 =	vld.idx.msk [tilespmem:v38+s28+$0x0], vm9;
	v28 =	vmul.f32 v28, v31;
	v58 =	vand.u32 $0x7FFFFFFF, v49;
	v60 =	vshll.u32 v37, $0x8  }
0x2ba: {  	v41 =	vadd.f32 v53, v46;
	v53 =	vld.idx.msk [tilespmem:v38+s2+$0x0], vm9;
	v38 =	vcvt.s32.f32 v37;
	v31 =	vcvt.s32.f32 v39  }
0x2bb: {  	v50 =	vld.idx.msk [tilespmem:v21+s2+$0x0], vm9;
	v45 =	vmax.f32 v58, v59;
	v61 =	vsub.f32 v43, v44;
	v62 =	vadd.s32 v39, v60  }
0x2bc: {  	v21 =	vld.idx.msk [tilespmem:v21+s28+$0x0], vm9;
	v30 =	vsub.f32 v56, v35;
	v29 =	vadd.f32 v29, v47;
	vm12 =	vlt.f32 v45, $1.275000000e+02  }
0x2bd: {  	(erf) = vpow2.f32 v63;
	v28 =	vadd.f32 v28, v32;
	v60 =	vsub.f32 v42, v57  }
0x2be: {  	v56 =	vpop (erf);
	v42 =	vmul.f32 $9.000000000e+00, v17;
	v17 =	vmul.f32 $1.100000000e+01, v17;
	v52 =	vadd.s32 $0x1, v62  }
0x2bf: {  	v39 =	vadd.f32 v15, v51;
	v27 =	vmul.f32 v27, v56;
	v40 =	vmul.f32 v61, v36  }
0x2c0: {  	v33 =	vsub.f32 v33, v38;
	v30 =	vmul.f32 v30, v36;
	v29 =	vsub.f32 v29, v41  }
0x2c1: {  	v45 =	vmul.f32 $9.000000000e+00, v18;
	v21 =	vsub.f32 v21, v50;
	v55 =	vadd.f32 v40, v44  }
0x2c2: {  	v30 =	vadd.f32 v30, v35;
	v29 =	vmul.f32 v29, v34;
	v36 =	vsub.f32 v54, v53;
	v58 =	vld.idx.msk [tilespmem:v62+s2+$0x0], vm12  }
0x2c3: {  	v56 =	vadd.f32 $-1.275000000e+02, v39;
	v24 =	vadd.f32 v24, v27;
	v21 =	vmul.f32 v21, v23;
	v32 =	vld.idx.msk [tilespmem:v52+s2+$0x0], vm12  }
0x2c4: {  	v59 =	vpop (erf);
	v30 =	vsub.f32 v30, v55;
	v29 =	vadd.f32 v29, v41;
	v23 =	vmul.f32 v36, v23;
	v61 =	vld.idx.msk [tilespmem:v62+s28+$0x0], vm12  }
0x2c5: {  	v62 =	vmul.f32 v59, v28;
	v63 =	vld.idx.msk [tilespmem:v52+s28+$0x0], vm12;
	v21 =	vadd.f32 v21, v50;
	v52 =	vmul.f32 $1.000000000e+01, v18  }
0x2c6: {  	v18 =	vmul.f32 $1.100000000e+01, v18;
	v30 =	vmul.f32 v30, v60;
	v36 =	vpop (erf);
	v23 =	vadd.f32 v23, v53  }
0x2c7: {  	v24 =	vadd.f32 v24, v62;
	v27 =	vmul.f32 v36, v29;
	v36 =	vadd.f32 v16, v45  }
0x2c8: {  	v40 =	vand.u32 $0x7FFFFFFF, v56;
	v35 =	vadd.f32 v16, v52;
	v16 =	vadd.f32 v16, v18  }
0x2c9: {  	v41 =	vadd.f32 v30, v55;
	v30 =	vadd.f32 v15, v42;
	v55 =	vtrunc.f32 v39  }
0x2ca: {  	v15 =	vadd.f32 v15, v17;
	v24 =	vadd.f32 v24, v27;
	v48 =	vtrunc.f32 v36  }
0x2cb: {  	v43 =	vpop (erf);
	v50 =	vadd.f32 $-1.275000000e+02, v36;
	v57 =	vadd.f32 $-1.275000000e+02, v35;
	v59 =	vtrunc.f32 v35  }
0x2cc: {  	v44 =	vsub.f32 v61, v58;
	v29 =	vmul.f32 v41, v43;
	v28 =	vsub.f32 v63, v32  }
0x2cd: {  	v47 =	vtrunc.f32 v30;
	v49 =	vadd.f32 $-1.275000000e+02, v30;
	v17 =	vcvt.f32.s32 v59  }
0x2ce: {  	v61 =	vtrunc.f32 v15;
	v62 =	vadd.f32 $-1.275000000e+02, v15;
	v27 =	vcvt.f32.s32 v47  }
0x2cf: {  	v38 =	vand.u32 $0x7FFFFFFF, v50;
	v34 =	vmul.f32 v44, v33;
	v37 =	vand.u32 $0x7FFFFFFF, v49  }
0x2d0: {  	v28 =	vmul.f32 v28, v33;
	v33 =	vcvt.f32.s32 v48;
	v37 =	vmax.f32 v37, v38  }
0x2d1: {  	v63 =	vadd.f32 $-1.275000000e+02, v16;
	v53 =	vshll.u32 v27, $0x8;
	vm13 =	vlt.f32 v37, $1.275000000e+02  }
0x2d2: {  	v41 =	vand.u32 $0x7FFFFFFF, v57;
	v50 =	vtrunc.f32 v16;
	v54 =	vadd.s32 v33, v53  }
0x2d3: {  	v38 =	vcvt.f32.s32 v55;
	v34 =	vadd.f32 v34, v58;
	v58 =	vadd.s32 $0x1, v54  }
0x2d4: {  	v40 =	vmax.f32 v40, v41;
	v41 =	vand.u32 $0x7FFFFFFF, v62;
	v43 =	vand.u32 $0x7FFFFFFF, v63  }
0x2d5: {  	vm14 =	vlt.f32 v40, $1.275000000e+02;
	v40 =	vcvt.f32.s32 v61;
	v60 =	vshll.u32 v38, $0x8  }
0x2d6: {  	v45 =	vcvt.f32.s32 v50;
	v41 =	vmax.f32 v41, v43;
	v18 =	vadd.s32 v17, v60  }
0x2d7: {  	v25 =	vadd.f32 v25, v10;
	vm15 =	vlt.f32 v41, $1.275000000e+02;
	v52 =	vshll.u32 v40, $0x8;
	v48 =	vld.idx.msk [tilespmem:v54+s2+$0x0], vm13  }
0x2d8: {  	v53 =	vadd.s32 v45, v52;
	v49 =	vld.idx.msk [tilespmem:v58+s2+$0x0], vm13  }
0x2d9: {  	v26 =	vadd.f32 v25, v26;
	v25 =	vadd.f32 v25, v10;
	v37 =	vld.idx.msk [tilespmem:v54+s28+$0x0], vm13  }
0x2da: {  	v22 =	vsub.f32 v22, v31;
	v27 =	vcvt.s32.f32 v27;
	v51 =	vadd.s32 $0x1, v18;
	v42 =	vld.idx.msk [tilespmem:v58+s28+$0x0], vm13  }
0x2db: {  	v24 =	vadd.f32 v24, v29;
	v28 =	vadd.f32 v28, v32;
	v54 =	vld.idx.msk [tilespmem:v18+s2+$0x0], vm14  }
0x2dc: {  	v55 =	vcvt.s32.f32 v33;
	v27 =	vsub.f32 v30, v27;
	v41 =	vadd.s32 $0x1, v53;
	v18 =	vld.idx.msk [tilespmem:v18+s28+$0x0], vm14  }
0x2dd: {  	v60 =	vmul.f32 $1.442695020e+00, v26;
	v26 =	vadd.f32 v25, v26;
	v25 =	vadd.f32 v25, v10;
	v61 =	vld.idx.msk [tilespmem:v53+s2+$0x0], vm15  }
0x2de: {  	v38 =	vcvt.s32.f32 v38;
	v46 =	vcvt.s32.f32 v40;
	v28 =	vsub.f32 v28, v34;
	v31 =	vld.idx.msk [tilespmem:v53+s28+$0x0], vm15  }
0x2df: {  	v43 =	vmul.f32 $1.442695020e+00, v26;
	v26 =	vadd.f32 v25, v26;
	v10 =	vadd.f32 v25, v10;
	v57 =	vld.idx.msk [tilespmem:v51+s2+$0x0], vm14  }
0x2e0: {  	v17 =	vcvt.s32.f32 v17;
	v62 =	vsub.f32 v39, v38;
	v15 =	vsub.f32 v15, v46;
	v58 =	vld.idx.msk [tilespmem:v51+s28+$0x0], vm14  }
0x2e1: {  	v22 =	vmul.f32 v28, v22;
	(erf) = vpow2.f32 v60;
	v10 =	vadd.f32 v10, v26;
	v63 =	vld.idx.msk [tilespmem:v41+s2+$0x0], vm15  }
0x2e2: {  	v26 =	vmul.f32 $1.442695020e+00, v26;
	v56 =	vsub.f32 v37, v48;
	v59 =	vsub.f32 v42, v49;
	v42 =	vld.idx.msk [tilespmem:v41+s28+$0x0], vm15  }
0x2e3: {  	v28 =	vsub.f32 v36, v55;
	v17 =	vsub.f32 v35, v17;
	(erf) = vpow2.f32 v43  }
0x2e4: {  	(erf) = vpow2.f32 v26;
	v18 =	vsub.f32 v18, v54;
	v30 =	vmul.f32 v56, v27  }
0x2e5: {  	v10 =	vmul.f32 $1.442695020e+00, v10;
	v27 =	vmul.f32 v59, v27;
	v44 =	vsub.f32 v58, v57  }
0x2e6: {  	v47 =	vsub.f32 v31, v61;
	v18 =	vmul.f32 v18, v62;
	v30 =	vadd.f32 v30, v48  }
0x2e7: {  	v27 =	vadd.f32 v27, v49;
	v25 =	vmul.f32 v44, v62;
	v48 =	vsub.f32 v42, v63  }
0x2e8: {  	(erf) = vpow2.f32 v10;
	v29 =	vmul.f32 v47, v15;
	v18 =	vadd.f32 v18, v54  }
0x2e9: {  	v27 =	vsub.f32 v27, v30;
	v25 =	vadd.f32 v25, v57;
	v15 =	vmul.f32 v48, v15  }
0x2ea: {  	v52 =	vcvt.s32.f32 v45;
	v22 =	vadd.f32 v22, v34;
	v50 =	vadd.f32 v29, v61  }
0x2eb: {  	v51 =	vpop (erf);
	v49 =	vmul.f32 v27, v28;
	v25 =	vsub.f32 v25, v18;
	v15 =	vadd.f32 v15, v63  }
0x2ec: {  	v23 =	vsub.f32 v23, v21;
	v16 =	vsub.f32 v16, v52;
	v22 =	vmul.f32 v22, v51  }
0x2ed: {  	v10 =	vadd.f32 v49, v30;
	v17 =	vmul.f32 v25, v17;
	v15 =	vsub.f32 v15, v50  }
0x2ee: {  	v3 =	vmul.f32 $1.562500000e-02, v3;
	v20 =	vmul.f32 v23, v20;
	v53 =	vpop (erf);
	v22 =	vadd.f32 v24, v22  }
0x2ef: {  	v10 =	vmul.f32 v10, v53;
	v54 =	vadd.f32 v17, v18;
	v15 =	vmul.f32 v15, v16  }
0x2f0: {  	v8 =	vadd.f32 v14, v8;
	v9 =	vmul.f32 v9, v19;
	v56 =	vadd.f32 v20, v21;
	v55 =	vpop (erf)  }
0x2f1: {  	v10 =	vadd.f32 v10, v22;
	v14 =	vmul.f32 v54, v55;
	v15 =	vadd.f32 v15, v50  }
0x2f2: {  	v4 =	vmul.f32 $1.562500000e-02, v4;
	v8 =	vadd.f32 v9, v8;
	v57 =	vmul.f32 v56, v13;
	v58 =	vpop (erf)  }
0x2f3: {  	s1 =	sadd.s32 $0x4, s1;
	v7 =	vadd.f32 v11, v7;
	v10 =	vadd.f32 v14, v10;
	v59 =	vmul.f32 v15, v58  }
0x2f4: {  	p0 =	slt.u32 s1, $0x180;
	v3 =	vmul.f32 v6, v3;
	v5 =	vmul.f32 $1.562500000e-02, v5;
	v60 =	vadd.f32 v57, v8  }
.Ltmp0:
0x2f5: {  	v4 =	vmul.f32 v7, v4;
	v61 =	vmul.f32 $1.562500000e-02, v12;
	v62 =	vadd.f32 v59, v10;
	(pc) =	sbr.rel @p0 .LBB2_2-.Ltmp0, $4  }
0x2f6: {  	s25 =	simm.s32 $0x6100;
	[tilespmem:s0+$0xFFFFFFE0] =	vst v3;
	s23 =	sadd.s32 $0x40, s23;
	v3 =	vmul.f32 v60, v5  }
0x2f7: {  	s19 =	sadd.s32 $0x40, s19;
	s24 =	sadd.s32 $0x40, s24;
	s21 =	sadd.s32 $0x40, s21;
	[tilespmem:s0+$0xFFFFFFF0] =	vst v4;
	v63 =	vmul.f32 v62, v61  }
0x2f8: {  	s20 =	sadd.s32 $0x40, s20;
	s22 =	sadd.s32 $0x40, s22;
	s18 =	sadd.s32 $0x40, s18;
	[tilespmem:s0+$0x0] =	vst v3  }
0x2f9: {  	s17 =	sadd.s32 $0x40, s17;
	s16 =	sadd.s32 $0x40, s16;
	[tilespmem:s0+$0x10] =	vst v63;
	s0 =	sadd.s32 $0x40, s0  }
.LBB2_3:
0x2fa: {  	s0 =	sshra.s32 s25, $0x2  }
0x2fb: {  	v3 =	vld [tilespmem:s0+$0x10180]  }
0x2fc: {  	v4 =	vld [tilespmem:s0+$0x13280]  }
0x2fd: {  	v5 =	vld [tilespmem:s0+$0x11A00]  }
0x2fe: {  	v6 =	vld [tilespmem:s0+$0x14B00]  }
0x2ff: {  	v7 =	vld [tilespmem:s0+$0x16380]  }
0x300: {  	v8 =	vld [tilespmem:s0+$0x19480]  }
0x301: {  	v9 =	vld [tilespmem:s0+$0x17C00]  }
0x302: {  	v10 =	vld [tilespmem:s0+$0x1AD00];
	_ =	sdelay $0x3  }
0x303: {  	v3 =	vadd.f32 v4, v3;
	v32 =	vadd.f32 v6, v5  }
0x304: {  	v33 =	vadd.f32 v8, v7;
	v34 =	vadd.f32 v10, v9  }
0x305: {  	v3 =	vmul.f32 $5.000000000e-01, v3;
	v4 =	vmul.f32 $5.000000000e-01, v32  }
0x306: {  	v5 =	vmul.f32 $5.000000000e-01, v33;
	v6 =	vmul.f32 $5.000000000e-01, v34;
	_ =	sdelay $0x1  }
0x307: {  	v5 =	vsub.f32 v5, v3;
	v6 =	vsub.f32 v6, v4;
	_ =	sdelay $0x1  }
0x308: {  	v35 =	vmul.f32 v5, v5;
	v36 =	vmul.f32 v6, v6;
	_ =	sdelay $0x1  }
0x309: {  	v8 =	vadd.f32 v36, v35;
	_ =	sdelay $0x1  }
0x30a: {  	v7 =	vmul.f32 $5.000000000e-01, v8;
	_ =	sdelay $0x1  }
0x30b: {  	v37 =	vmul.f32 $1.262626260e-03, v7;
	_ =	sdelay $0x1  }
0x30c: {  	v9 =	vmul.f32 $1.262626260e-03, v37;
	_ =	sdelay $0x1  }
0x30d: {  	v9 =	vsub.f32 $1.500000000e+00, v9;
	_ =	sdelay $0x1  }
0x30e: {  	v9 =	vmul.f32 $1.262626260e-03, v9;
	_ =	sdelay $0x1  }
0x30f: {  	v7 =	vmul.f32 v9, v7  }
0x310: {  	v38 =	vld [tilespmem:s0+$0x1C580]  }
0x311: {  	v7 =	vmul.f32 v7, v9;
	_ =	sdelay $0x1  }
0x312: {  	v7 =	vsub.f32 $1.500000000e+00, v7;
	_ =	sdelay $0x1  }
0x313: {  	v10 =	vmul.f32 $1.498962340e-01, v38;
	v9 =	vmul.f32 v7, v9;
	_ =	sdelay $0x1  }
0x314: {  	v7 =	vmul.f32 v9, v10;
	_ =	sdelay $0x1  }
0x315: {  	v7 =	vadd.f32 $5.000000000e-01, v7;
	_ =	sdelay $0x1  }
0x316: {  	v7 =	vmul.f32 $6.400000000e+01, v7;
	_ =	sdelay $0x1  }
0x317: {  	v7 =	vadd.f32 $-5.000000000e-01, v7;
	_ =	sdelay $0x1  }
0x318: {  	v7 =	vadd.f32 $-5.000000000e+00, v7;
	_ =	sdelay $0x1  }
0x319: {  	v7 =	vmax.f32 v7, $0.0e+00  }
0x31a: {  	v7 =	vmin.f32 v7, $5.200000000e+01  }
0x31b: {  	v7 =	vtrunc.f32 v7  }
0x31c: {  	v7 =	vadd.f32 $5.000000000e-01, v7  }
0x31d: {  	v3 =	vmul.f32 v3, v0  }
0x31e: {  	v5 =	vmul.f32 v5, v0;
	v11 =	vmul.f32 $1.562500000e-02, v7  }
0x31f: {  	v4 =	vmul.f32 v4, v1;
	v39 =	vmul.f32 v6, v1  }
0x320: {  	v3 =	vadd.f32 $1.275000000e+02, v3;
	v6 =	vmul.f32 $1.562500000e-02, v5;
	v12 =	vmul.f32 v11, v5  }
0x321: {  	v14 =	vadd.f32 $1.275000000e+02, v4;
	v7 =	vmul.f32 $1.562500000e-02, v39;
	v13 =	vmul.f32 v11, v39  }
0x322: {  	v58 =	vadd.f32 v6, v6;
	v4 =	vadd.f32 v12, v3;
	v3 =	vmul.f32 $0.0e+00, v6  }
0x323: {  	v38 =	vmul.f32 $3.000000000e+00, v6;
	v40 =	vmul.f32 $0.0e+00, v7;
	v5 =	vadd.f32 v13, v14  }
0x324: {  	v10 =	vmul.f32 v10, v2;
	v59 =	vadd.f32 v7, v7;
	v41 =	vadd.f32 v4, v3  }
0x325: {  	v27 =	vmul.f32 $3.000000000e+00, v7;
	v12 =	vadd.f32 v5, v40;
	v20 =	vadd.f32 v4, v6  }
0x326: {  	v3 =	vmul.f32 v9, v8;
	v21 =	vadd.f32 v5, v7;
	v40 =	vadd.f32 v4, v38  }
0x327: {  	v42 =	vtrunc.f32 v41;
	v15 =	vadd.f32 $-1.275000000e+02, v41;
	v44 =	vtrunc.f32 v12  }
0x328: {  	v16 =	vadd.f32 $-1.275000000e+02, v12;
	v47 =	vmul.f32 v3, v2;
	v54 =	vtrunc.f32 v20  }
0x329: {  	v22 =	vadd.f32 $-1.275000000e+02, v20;
	v24 =	vtrunc.f32 v21;
	v43 =	vcvt.f32.s32 v42  }
0x32a: {  	v23 =	vadd.f32 $-1.275000000e+02, v21;
	v9 =	vcvt.f32.s32 v44;
	v13 =	vcvt.f32.s32 v54  }
0x32b: {  	v28 =	vadd.f32 $-1.275000000e+02, v40;
	v24 =	vcvt.f32.s32 v24;
	v42 =	vtrunc.f32 v40  }
0x32c: {  	v45 =	vand.u32 $0x7FFFFFFF, v15;
	v46 =	vand.u32 $0x7FFFFFFF, v16;
	v49 =	vmul.f32 $5.000000000e-01, v47  }
0x32d: {  	v11 =	vmul.f32 v11, v47;
	v51 =	vmul.f32 $1.562500000e-02, v47;
	v22 =	vand.u32 $0x7FFFFFFF, v22  }
0x32e: {  	v23 =	vand.u32 $0x7FFFFFFF, v23;
	v28 =	vand.u32 $0x7FFFFFFF, v28;
	v14 =	vmax.f32 v45, v46  }
0x32f: {  	v48 =	vshll.u32 v43, $0x8;
	v8 =	vcvt.s32.f32 v43;
	v22 =	vmax.f32 v22, v23  }
0x330: {  	v56 =	vshll.u32 v13, $0x8;
	v23 =	vadd.f32 v5, v59;
	v13 =	vcvt.s32.f32 v13  }
0x331: {  	v45 =	vcvt.f32.s32 v42;
	vm0 =	vlt.f32 v14, $1.275000000e+02;
	v14 =	vadd.s32 v9, v48  }
0x332: {  	v10 =	vadd.f32 v49, v10;
	v18 =	vmul.f32 $5.000000000e-01, v51;
	v53 =	vxor.u32 $0x80000000, v51  }
0x333: {  	v9 =	vcvt.s32.f32 v9;
	vm6 =	vlt.f32 v22, $1.275000000e+02;
	v57 =	vadd.s32 v24, v56  }
0x334: {  	v22 =	vadd.f32 v4, v58;
	v24 =	vcvt.s32.f32 v24;
	v50 =	vadd.s32 $0x1, v14  }
0x335: {  	v8 =	vsub.f32 v41, v8;
	v25 =	vadd.f32 $-1.275000000e+02, v23;
	v26 =	vtrunc.f32 v23  }
0x336: {  	v10 =	vsub.f32 v11, v10;
	v29 =	vtrunc.f32 v22;
	v30 =	vadd.f32 $-1.275000000e+02, v22  }
0x337: {  	v41 =	vadd.f32 v5, v27;
	v32 =	vcvt.f32.s32 v29;
	v25 =	vand.u32 $0x7FFFFFFF, v25;
	v52 =	vld.idx.msk [tilespmem:v14+s2+$0x0], vm0  }
0x338: {  	v17 =	vmul.f32 v10, v10;
	v10 =	vadd.f32 v10, v18;
	v18 =	vand.u32 $0x7FFFFFFF, v30;
	v14 =	vld.idx.msk [tilespmem:v14+s28+$0x0], vm0  }
0x339: {  	v13 =	vsub.f32 v20, v13;
	v35 =	vcvt.f32.s32 v26;
	v18 =	vmax.f32 v18, v25;
	v19 =	vld.idx.msk [tilespmem:v50+s2+$0x0], vm0  }
0x33a: {  	v29 =	vadd.f32 $-1.275000000e+02, v41;
	v36 =	vshll.u32 v32, $0x8;
	v15 =	vld.idx.msk [tilespmem:v50+s28+$0x0], vm0;
	vm7 =	vlt.f32 v18, $1.275000000e+02  }
0x33b: {  	v48 =	vshll.u32 v45, $0x8;
	v46 =	vtrunc.f32 v41;
	v63 =	vld.idx.msk [tilespmem:v57+s2+$0x0], vm6;
	v18 =	vadd.s32 v35, v36  }
0x33c: {  	v27 =	vcvt.f32.s32 v46;
	v29 =	vand.u32 $0x7FFFFFFF, v29;
	v17 =	vmul.f32 $-5.000000000e-01, v17;
	v31 =	vld.idx.msk [tilespmem:v57+s28+$0x0], vm6  }
0x33d: {  	v10 =	vmul.f32 v53, v10;
	v28 =	vmax.f32 v28, v29;
	v39 =	vadd.s32 $0x1, v18  }
0x33e: {  	v21 =	vsub.f32 v21, v24;
	v24 =	vadd.s32 v27, v48;
	vm8 =	vlt.f32 v28, $1.275000000e+02  }
0x33f: {  	v49 =	vadd.s32 $0x1, v24;
	v55 =	vmul.f32 $1.442695020e+00, v17;
	v17 =	vadd.f32 v10, v17  }
0x340: {  	v61 =	vadd.s32 $0x1, v57;
	v14 =	vsub.f32 v14, v52;
	v15 =	vsub.f32 v15, v19;
	v44 =	vld.idx.msk [tilespmem:v18+s2+$0x0], vm7  }
0x341: {  	(erf) = vpow2.f32 v55;
	v50 =	vmul.f32 $1.442695020e+00, v17;
	v11 =	vsub.f32 v31, v63;
	v18 =	vld.idx.msk [tilespmem:v18+s28+$0x0], vm7  }
0x342: {  	v47 =	vld.idx.msk [tilespmem:v39+s2+$0x0], vm7;
	v14 =	vmul.f32 v8, v14;
	v8 =	vmul.f32 v8, v15  }
0x343: {  	v9 =	vsub.f32 v12, v9;
	v20 =	vld.idx.msk [tilespmem:v39+s28+$0x0], vm7;
	v11 =	vmul.f32 v13, v11;
	v15 =	vcvt.s32.f32 v32  }
0x344: {  	(erf) = vpow2.f32 v50;
	v55 =	vld.idx.msk [tilespmem:v49+s2+$0x0], vm8;
	v14 =	vadd.f32 v14, v52;
	v60 =	vadd.f32 v8, v19  }
0x345: {  	v57 =	vld.idx.msk [tilespmem:v49+s28+$0x0], vm8;
	v8 =	vmul.f32 v53, v51;
	v11 =	vadd.f32 v11, v63;
	v15 =	vsub.f32 v22, v15  }
0x346: {  	v33 =	vld.idx.msk [tilespmem:v61+s2+$0x0], vm6;
	v19 =	vcvt.s32.f32 v35;
	v52 =	vmul.f32 $4.000000000e+00, v6;
	v62 =	vsub.f32 v60, v14  }
0x347: {  	v34 =	vld.idx.msk [tilespmem:v61+s28+$0x0], vm6;
	v53 =	vmul.f32 $4.000000000e+00, v7;
	v10 =	vadd.f32 v10, v8;
	v18 =	vsub.f32 v18, v44  }
0x348: {  	v50 =	vmul.f32 $6.000000000e+00, v6;
	v56 =	vld.idx.msk [tilespmem:v24+s28+$0x0], vm8;
	v20 =	vsub.f32 v20, v47;
	v19 =	vsub.f32 v23, v19  }
0x349: {  	v42 =	vmul.f32 $5.000000000e+00, v7;
	v51 =	vld.idx.msk [tilespmem:v24+s2+$0x0], vm8;
	v23 =	vadd.f32 v4, v52;
	v24 =	vadd.f32 v5, v53  }
0x34a: {  	v27 =	vcvt.s32.f32 v27;
	v53 =	vadd.f32 v4, v50;
	v16 =	vsub.f32 v57, v55  }
0x34b: {  	v9 =	vmul.f32 v62, v9;
	v17 =	vadd.f32 v10, v17;
	v18 =	vmul.f32 v15, v18  }
0x34c: {  	v10 =	vadd.f32 v10, v8;
	v15 =	vmul.f32 v15, v20;
	v58 =	vtrunc.f32 v23  }
0x34d: {  	v59 =	vadd.f32 $-1.275000000e+02, v23;
	v29 =	vadd.f32 $-1.275000000e+02, v24;
	v60 =	vtrunc.f32 v24  }
0x34e: {  	v25 =	vcvt.f32.s32 v60;
	v9 =	vadd.f32 v9, v14;
	v14 =	vsub.f32 v34, v33  }
0x34f: {  	v54 =	vmul.f32 $1.442695020e+00, v17;
	v15 =	vadd.f32 v15, v47;
	v17 =	vadd.f32 v10, v17  }
0x350: {  	v37 =	vpop (erf);
	v28 =	vand.u32 $0x7FFFFFFF, v59;
	v29 =	vand.u32 $0x7FFFFFFF, v29;
	v10 =	vadd.f32 v10, v8  }
0x351: {  	v28 =	vmax.f32 v28, v29;
	v9 =	vmul.f32 v9, v37;
	v43 =	vmul.f32 v13, v14  }
0x352: {  	v13 =	vadd.f32 v18, v44;
	(erf) = vpow2.f32 v54;
	v14 =	vcvt.s32.f32 v45  }
0x353: {  	v18 =	vcvt.f32.s32 v58;
	vm9 =	vlt.f32 v28, $1.275000000e+02;
	v62 =	vmul.f32 $1.442695020e+00, v17  }
0x354: {  	v45 =	vcvt.s32.f32 v25;
	v12 =	vadd.f32 v43, v33;
	v14 =	vsub.f32 v40, v14  }
0x355: {  	v61 =	vshll.u32 v18, $0x8;
	v15 =	vsub.f32 v15, v13;
	v9 =	vadd.f32 $0.0e+00, v9  }
0x356: {  	(erf) = vpow2.f32 v62;
	v40 =	vadd.f32 v10, v17;
	v17 =	vadd.f32 v5, v42  }
0x357: {  	v38 =	vcvt.s32.f32 v18;
	v10 =	vadd.f32 v10, v8;
	v18 =	vsub.f32 v24, v45  }
0x358: {  	v28 =	vadd.s32 v25, v61;
	v12 =	vsub.f32 v12, v11;
	v63 =	vmul.f32 v15, v19  }
0x359: {  	v31 =	vadd.s32 $0x1, v28;
	v15 =	vsub.f32 v41, v27;
	v41 =	vmul.f32 $5.000000000e+00, v6  }
0x35a: {  	v48 =	vadd.f32 $-1.275000000e+02, v17;
	v12 =	vmul.f32 v12, v21;
	v21 =	vsub.f32 v56, v51  }
0x35b: {  	v49 =	vtrunc.f32 v17;
	v62 =	vadd.f32 v10, v40;
	v10 =	vadd.f32 v10, v8  }
0x35c: {  	v25 =	vcvt.f32.s32 v49;
	v56 =	vadd.f32 $-1.275000000e+02, v53;
	v21 =	vmul.f32 v14, v21  }
0x35d: {  	v14 =	vmul.f32 v14, v16;
	v11 =	vadd.f32 v12, v11;
	v12 =	vadd.f32 v63, v13;
	v32 =	vld.idx.msk [tilespmem:v28+s2+$0x0], vm9  }
0x35e: {  	v30 =	vpop (erf);
	v34 =	vld.idx.msk [tilespmem:v28+s28+$0x0], vm9;
	v16 =	vadd.f32 v4, v41;
	v26 =	vand.u32 $0x7FFFFFFF, v56;
	v41 =	vmul.f32 $1.442695020e+00, v62  }
0x35f: {  	v33 =	vpop (erf);
	v29 =	vadd.f32 v21, v51;
	v14 =	vadd.f32 v14, v55;
	v11 =	vmul.f32 v11, v30  }
0x360: {  	v39 =	vld.idx.msk [tilespmem:v31+s2+$0x0], vm9;
	v35 =	vmul.f32 v12, v33;
	v12 =	vsub.f32 v23, v38;
	v46 =	vtrunc.f32 v16  }
0x361: {  	v13 =	vld.idx.msk [tilespmem:v31+s28+$0x0], vm9;
	v47 =	vadd.f32 $-1.275000000e+02, v16;
	v23 =	vand.u32 $0x7FFFFFFF, v48;
	v51 =	vmul.f32 $6.000000000e+00, v7  }
0x362: {  	v55 =	vtrunc.f32 v53;
	v21 =	vcvt.f32.s32 v46;
	v14 =	vsub.f32 v14, v29  }
0x363: {  	v9 =	vadd.f32 v9, v11;
	v22 =	vand.u32 $0x7FFFFFFF, v47;
	v44 =	vsub.f32 v34, v32  }
0x364: {  	v22 =	vmax.f32 v22, v23;
	v52 =	vshll.u32 v21, $0x8;
	v23 =	vadd.f32 v5, v51  }
0x365: {  	v21 =	vcvt.s32.f32 v21;
	v36 =	vmul.f32 v14, v15;
	v9 =	vadd.f32 v9, v35  }
0x366: {  	v13 =	vsub.f32 v13, v39;
	vm10 =	vlt.f32 v22, $1.275000000e+02;
	v35 =	vmul.f32 $7.000000000e+00, v6  }
0x367: {  	v15 =	vmul.f32 $1.442695020e+00, v40;
	v20 =	vmul.f32 v12, v44;
	v57 =	vadd.f32 $-1.275000000e+02, v23  }
0x368: {  	v58 =	vtrunc.f32 v23;
	v16 =	vsub.f32 v16, v21;
	v44 =	vmul.f32 $8.000000000e+00, v7  }
0x369: {  	v37 =	vadd.f32 v36, v29;
	v12 =	vmul.f32 v12, v13;
	v24 =	vcvt.f32.s32 v58  }
0x36a: {  	v13 =	vadd.s32 v25, v52;
	v36 =	vmul.f32 $7.000000000e+00, v7;
	v25 =	vcvt.s32.f32 v25  }
0x36b: {  	v28 =	vadd.f32 v4, v35;
	(erf) = vpow2.f32 v15;
	v19 =	vadd.f32 v20, v32  }
0x36c: {  	v43 =	vpop (erf);
	v54 =	vadd.s32 $0x1, v13;
	v20 =	vcvt.f32.s32 v55;
	v27 =	vand.u32 $0x7FFFFFFF, v57  }
0x36d: {  	(erf) = vpow2.f32 v41;
	v22 =	vadd.f32 v5, v44;
	v11 =	vmul.f32 v37, v43  }
0x36e: {  	v12 =	vadd.f32 v12, v39;
	v26 =	vmax.f32 v26, v27;
	v29 =	vadd.f32 v5, v36  }
0x36f: {  	v17 =	vsub.f32 v17, v25;
	v38 =	vtrunc.f32 v28;
	v30 =	vadd.f32 $-1.275000000e+02, v28  }
0x370: {  	v43 =	vmul.f32 $8.000000000e+00, v6;
	vm1 =	vlt.f32 v26, $1.275000000e+02;
	v61 =	vshll.u32 v20, $0x8  }
0x371: {  	v40 =	vcvt.s32.f32 v20;
	v34 =	vadd.f32 $-1.275000000e+02, v22;
	v35 =	vtrunc.f32 v22  }
0x372: {  	v26 =	vadd.s32 v24, v61;
	v31 =	vadd.f32 $-1.275000000e+02, v29;
	v47 =	vadd.f32 v4, v43;
	v59 =	vld.idx.msk [tilespmem:v13+s2+$0x0], vm10  }
0x373: {  	v12 =	vsub.f32 v12, v19;
	v30 =	vand.u32 $0x7FFFFFFF, v30;
	v13 =	vld.idx.msk [tilespmem:v13+s28+$0x0], vm10;
	v63 =	vadd.s32 $0x1, v26  }
0x374: {  	v34 =	vand.u32 $0x7FFFFFFF, v34;
	v60 =	vld.idx.msk [tilespmem:v54+s2+$0x0], vm10;
	v31 =	vand.u32 $0x7FFFFFFF, v31;
	v51 =	vadd.f32 $-1.275000000e+02, v47  }
0x375: {  	v12 =	vmul.f32 v12, v18;
	v14 =	vld.idx.msk [tilespmem:v54+s28+$0x0], vm10;
	v50 =	vtrunc.f32 v47;
	v30 =	vmax.f32 v30, v31  }
0x376: {  	vm11 =	vlt.f32 v30, $1.275000000e+02;
	v30 =	vcvt.f32.s32 v50;
	v31 =	vand.u32 $0x7FFFFFFF, v51  }
0x377: {  	v18 =	vsub.f32 v53, v40;
	v54 =	vcvt.f32.s32 v35;
	v53 =	vmax.f32 v31, v34  }
0x378: {  	v25 =	vcvt.f32.s32 v38;
	vm12 =	vlt.f32 v53, $1.275000000e+02;
	v55 =	vshll.u32 v30, $0x8  }
0x379: {  	v9 =	vadd.f32 v9, v11;
	v33 =	vtrunc.f32 v29;
	v21 =	vadd.s32 v54, v55  }
0x37a: {  	v33 =	vcvt.f32.s32 v33;
	v37 =	vld.idx.msk [tilespmem:v26+s2+$0x0], vm1;
	v13 =	vsub.f32 v13, v59;
	v14 =	vsub.f32 v14, v60  }
0x37b: {  	v24 =	vcvt.s32.f32 v24;
	v39 =	vshll.u32 v25, $0x8;
	v26 =	vld.idx.msk [tilespmem:v26+s28+$0x0], vm1;
	v57 =	vadd.s32 $0x1, v21  }
0x37c: {  	v32 =	vld.idx.msk [tilespmem:v63+s2+$0x0], vm1;
	v13 =	vmul.f32 v16, v13;
	v14 =	vmul.f32 v16, v14;
	v16 =	vadd.s32 v33, v39  }
0x37d: {  	v25 =	vcvt.s32.f32 v25;
	v58 =	vsub.f32 v23, v24;
	v12 =	vadd.f32 v12, v19;
	v27 =	vld.idx.msk [tilespmem:v63+s28+$0x0], vm1  }
0x37e: {  	v19 =	vadd.f32 v10, v62;
	v42 =	vadd.s32 $0x1, v16;
	v11 =	vadd.f32 v14, v60;
	v60 =	vld.idx.msk [tilespmem:v21+s2+$0x0], vm12  }
0x37f: {  	v40 =	vmul.f32 $9.000000000e+00, v7;
	v61 =	vcvt.s32.f32 v33;
	v10 =	vadd.f32 v10, v8;
	v56 =	vpop (erf);
	v34 =	vld.idx.msk [tilespmem:v21+s28+$0x0], vm12  }
0x380: {  	v25 =	vsub.f32 v28, v25;
	v52 =	vmul.f32 $1.442695020e+00, v19;
	v12 =	vmul.f32 v12, v56;
	v63 =	vld.idx.msk [tilespmem:v57+s2+$0x0], vm12  }
0x381: {  	v19 =	vadd.f32 v10, v19;
	v39 =	vmul.f32 $9.000000000e+00, v6;
	v45 =	vsub.f32 v26, v37;
	v48 =	vld.idx.msk [tilespmem:v16+s2+$0x0], vm11  }
0x382: {  	(erf) = vpow2.f32 v52;
	v13 =	vadd.f32 v13, v59;
	v46 =	vsub.f32 v27, v32;
	v16 =	vld.idx.msk [tilespmem:v16+s28+$0x0], vm11  }
0x383: {  	v9 =	vadd.f32 v9, v12;
	v15 =	vmul.f32 v18, v45;
	v21 =	vadd.f32 v4, v39;
	v49 =	vld.idx.msk [tilespmem:v42+s2+$0x0], vm11  }
0x384: {  	v38 =	vmul.f32 $1.442695020e+00, v19;
	v18 =	vmul.f32 v18, v46;
	v11 =	vsub.f32 v11, v13;
	v20 =	vld.idx.msk [tilespmem:v42+s28+$0x0], vm11  }
0x385: {  	v36 =	vld.idx.msk [tilespmem:v57+s28+$0x0], vm12;
	v15 =	vadd.f32 v15, v37;
	v37 =	vcvt.s32.f32 v30;
	v43 =	vtrunc.f32 v21  }
0x386: {  	v45 =	vadd.f32 $-1.275000000e+02, v21;
	v18 =	vadd.f32 v18, v32;
	v11 =	vmul.f32 v11, v17  }
0x387: {  	v17 =	vsub.f32 v29, v61;
	v42 =	vcvt.s32.f32 v54;
	v14 =	vsub.f32 v47, v37  }
0x388: {  	v47 =	vmul.f32 $1.000000000e+01, v6;
	v18 =	vsub.f32 v18, v15;
	v11 =	vadd.f32 v11, v13  }
0x389: {  	v6 =	vmul.f32 $1.100000000e+01, v6;
	v16 =	vsub.f32 v16, v48;
	v20 =	vsub.f32 v20, v49  }
0x38a: {  	v41 =	vsub.f32 v36, v63;
	v26 =	vadd.f32 v4, v47;
	v59 =	vmul.f32 v18, v58  }
0x38b: {  	v4 =	vadd.f32 v4, v6;
	v16 =	vmul.f32 v16, v25;
	v20 =	vmul.f32 v20, v25  }
0x38c: {  	v33 =	vpop (erf);
	v24 =	vand.u32 $0x7FFFFFFF, v45;
	v12 =	vadd.f32 v59, v15;
	v15 =	vsub.f32 v34, v60  }
0x38d: {  	v11 =	vmul.f32 v33, v11;
	v16 =	vadd.f32 v16, v48;
	v62 =	vadd.f32 v20, v49  }
0x38e: {  	v52 =	vadd.f32 $-1.275000000e+02, v26;
	v57 =	vtrunc.f32 v4;
	v15 =	vmul.f32 v15, v14  }
0x38f: {  	v35 =	vpop (erf);
	v58 =	vadd.f32 $-1.275000000e+02, v4;
	v48 =	vmul.f32 $1.000000000e+01, v7;
	v18 =	vsub.f32 v62, v16  }
0x390: {  	v9 =	vadd.f32 v9, v11;
	v12 =	vmul.f32 v35, v12;
	v13 =	vadd.f32 v15, v60  }
0x391: {  	v15 =	vadd.f32 v5, v48;
	v17 =	vmul.f32 v18, v17;
	v18 =	vadd.f32 v5, v40  }
0x392: {  	v7 =	vmul.f32 $1.100000000e+01, v7;
	v9 =	vadd.f32 v9, v12;
	v12 =	vcvt.f32.s32 v43  }
0x393: {  	v11 =	vmul.f32 v41, v14;
	v53 =	vadd.f32 $-1.275000000e+02, v15;
	v46 =	vadd.f32 $-1.275000000e+02, v18  }
0x394: {  	v27 =	vand.u32 $0x7FFFFFFF, v52;
	v49 =	vshll.u32 v12, $0x8;
	v5 =	vadd.f32 v5, v7  }
0x395: {  	v28 =	vand.u32 $0x7FFFFFFF, v53;
	v44 =	vtrunc.f32 v18;
	v25 =	vand.u32 $0x7FFFFFFF, v46  }
0x396: {  	v27 =	vmax.f32 v27, v28;
	v14 =	vcvt.f32.s32 v44;
	v24 =	vmax.f32 v24, v25  }
0x397: {  	v59 =	vadd.f32 $-1.275000000e+02, v5;
	v62 =	vtrunc.f32 v5;
	vm13 =	vlt.f32 v24, $1.275000000e+02  }
0x398: {  	v28 =	vand.u32 $0x7FFFFFFF, v58;
	vm14 =	vlt.f32 v27, $1.275000000e+02;
	v50 =	vadd.s32 v14, v49  }
0x399: {  	v27 =	vcvt.f32.s32 v57;
	v30 =	vand.u32 $0x7FFFFFFF, v59;
	v54 =	vadd.s32 $0x1, v50  }
0x39a: {  	(erf) = vpow2.f32 v38;
	v32 =	vcvt.f32.s32 v62;
	v28 =	vmax.f32 v28, v30  }
0x39b: {  	v51 =	vtrunc.f32 v26;
	v35 =	vshll.u32 v27, $0x8;
	vm15 =	vlt.f32 v28, $1.275000000e+02  }
0x39c: {  	v55 =	vtrunc.f32 v15;
	v25 =	vcvt.f32.s32 v51;
	v37 =	vadd.s32 v32, v35  }
0x39d: {  	v6 =	vcvt.f32.s32 v55;
	v39 =	vadd.s32 $0x1, v37;
	v60 =	vld.idx.msk [tilespmem:v50+s2+$0x0], vm13  }
0x39e: {  	v10 =	vadd.f32 v10, v8;
	v56 =	vshll.u32 v25, $0x8;
	v61 =	vld.idx.msk [tilespmem:v54+s2+$0x0], vm13  }
0x39f: {  	v11 =	vadd.f32 v11, v63;
	v7 =	vadd.s32 v6, v56;
	v24 =	vld.idx.msk [tilespmem:v50+s28+$0x0], vm13  }
0x3a0: {  	v19 =	vadd.f32 v10, v19;
	v10 =	vadd.f32 v10, v8;
	v34 =	vld.idx.msk [tilespmem:v54+s28+$0x0], vm13  }
0x3a1: {  	v22 =	vsub.f32 v22, v42;
	v11 =	vsub.f32 v11, v13;
	v63 =	vadd.s32 $0x1, v7;
	v47 =	vld.idx.msk [tilespmem:v37+s2+$0x0], vm15  }
0x3a2: {  	v48 =	vadd.f32 v10, v19;
	v10 =	vadd.f32 v10, v8;
	v49 =	vld.idx.msk [tilespmem:v39+s2+$0x0], vm15  }
0x3a3: {  	v45 =	vmul.f32 $1.442695020e+00, v19;
	v11 =	vmul.f32 v11, v22;
	v23 =	vld.idx.msk [tilespmem:v37+s28+$0x0], vm15  }
0x3a4: {  	v12 =	vcvt.s32.f32 v12;
	v8 =	vadd.f32 v10, v8;
	v16 =	vadd.f32 v17, v16;
	v38 =	vld.idx.msk [tilespmem:v7+s2+$0x0], vm14  }
0x3a5: {  	(erf) = vpow2.f32 v45;
	v36 =	vpop (erf);
	v11 =	vadd.f32 v11, v13;
	v13 =	vadd.f32 v10, v48;
	v7 =	vld.idx.msk [tilespmem:v7+s28+$0x0], vm14  }
0x3a6: {  	v12 =	vsub.f32 v21, v12;
	v16 =	vmul.f32 v16, v36;
	v14 =	vcvt.s32.f32 v14;
	v41 =	vld.idx.msk [tilespmem:v63+s2+$0x0], vm14  }
0x3a7: {  	v51 =	vmul.f32 $1.442695020e+00, v48;
	v53 =	vcvt.s32.f32 v27;
	v8 =	vadd.f32 v8, v13;
	v42 =	vld.idx.msk [tilespmem:v63+s28+$0x0], vm14  }
0x3a8: {  	v13 =	vmul.f32 $1.442695020e+00, v13;
	v44 =	vcvt.s32.f32 v25;
	v14 =	vsub.f32 v18, v14;
	v50 =	vld.idx.msk [tilespmem:v39+s28+$0x0], vm15  }
0x3a9: {  	(erf) = vpow2.f32 v51;
	v4 =	vsub.f32 v4, v53;
	v8 =	vmul.f32 $1.442695020e+00, v8  }
0x3aa: {  	(erf) = vpow2.f32 v13;
	v40 =	vsub.f32 v24, v60;
	v43 =	vsub.f32 v34, v61  }
0x3ab: {  	v6 =	vcvt.s32.f32 v6;
	v17 =	vsub.f32 v26, v44;
	v7 =	vsub.f32 v7, v38  }
0x3ac: {  	v46 =	vmul.f32 v40, v12;
	v12 =	vmul.f32 v43, v12;
	v52 =	vsub.f32 v42, v41  }
0x3ad: {  	v54 =	vsub.f32 v23, v47;
	v55 =	vsub.f32 v50, v49;
	v7 =	vmul.f32 v7, v17  }
0x3ae: {  	v18 =	vadd.f32 v46, v60;
	v12 =	vadd.f32 v12, v61;
	v10 =	vmul.f32 v52, v17  }
0x3af: {  	(erf) = vpow2.f32 v8;
	v17 =	vmul.f32 v54, v4;
	v7 =	vadd.f32 v7, v38  }
0x3b0: {  	v4 =	vmul.f32 v55, v4;
	v12 =	vsub.f32 v12, v18;
	v10 =	vadd.f32 v10, v41  }
0x3b1: {  	v59 =	vcvt.s32.f32 v32;
	v6 =	vsub.f32 v15, v6;
	v57 =	vadd.f32 v17, v47  }
0x3b2: {  	v58 =	vpop (erf);
	v4 =	vadd.f32 v4, v49;
	v56 =	vmul.f32 v12, v14;
	v10 =	vsub.f32 v10, v7  }
0x3b3: {  	v11 =	vmul.f32 v11, v58;
	v9 =	vadd.f32 v9, v16;
	v5 =	vsub.f32 v5, v59  }
0x3b4: {  	v4 =	vsub.f32 v4, v57;
	v8 =	vadd.f32 v56, v18;
	v6 =	vmul.f32 v10, v6  }
0x3b5: {  	v9 =	vadd.f32 v9, v11;
	v60 =	vpop (erf)  }
0x3b6: {  	v4 =	vmul.f32 v4, v5;
	v8 =	vmul.f32 v8, v60;
	v6 =	vadd.f32 v6, v7  }
0x3b7: {  	v61 =	vpop (erf)  }
0x3b8: {  	v4 =	vadd.f32 v4, v57;
	v62 =	vadd.f32 v8, v9;
	v5 =	vmul.f32 v6, v61  }
0x3b9: {  	v63 =	vpop (erf)  }
0x3ba: {  	v4 =	vmul.f32 v4, v63;
	v5 =	vadd.f32 v5, v62  }
0x3bb: {  	p0 =	sne.s32 s25, $0x6180  }
.Ltmp1:
0x3bc: {  	v3 =	vmul.f32 $1.562500000e-02, v3;
	v4 =	vadd.f32 v4, v5;
	(pc) =	sbr.rel @p0 .LBB2_3-.Ltmp1, $3  }
0x3bd: {  	_ = 	snop  }
0x3be: {  	v3 =	vmul.f32 v4, v3;
	_ =	sdelay $0x1  }
0x3bf: {  	s25 =	sadd.s32 $0x40, s25;
	[tilespmem:s0+$0x1DE00] =	vst v3  }
0x3c0: {  	s31 =	sadd.s32 $0x1, s31  }
0x3c1: {  	p0 =	sne.s32 s31, s15  }
.Ltmp2:
0x3c2: {  	_ = 	snop;
	(pc) =	sbr.rel @p0 .LBB2_1-.Ltmp2, $4  }
0x3c3: {  	[hbm4b:s14+s2] =	stream.linear.scatter [tilespmem:s29], [sflag:$0x2], $0x1870, $0x38;
	[tilespmem:$0x1F700] =	vst v63  }
0x3c4: {  	_ =	swait.ge [sflag:s30], $0x1870  }
0x3c5: {  	[sflag:s30] =	ssyncset.done $0x0  }
0x3c6: {  	[sflag:s30] =	ssyncadd.s32 $0xFFFFE790  }
0x3c7: {  	_ =	sfence.sel $0x180000  }
0x3c8: {  	[bflag:$0x0] =	sbarrier.arrive $0xFFFF  }
0x3c9: {  	_ =	strace $0x90000047  }
0x3ca: {  	s0 =	stileid.u32;
	[bflag:$0x2] =	sbarrier.arrive $0xFFFF  }
0x3cb: {  	p0 =	sne.s32 s0, $0x0;
	s0 =	rddreg [dreg:$0xb]  }
0x3cc: {  	s0 =	sadd.s32 @!p0 $0x100000, s0  }
0x3cd: {  	[sflag:s0] =	ssyncadd.tile.s32 @!p0 $0x1;
	_ =	shalt  }
.Lfunc_end2:
_tile_overlayer_lowered:
.L_overlay_start_2:
0x3ce: {  	(tag) =	ssettag $0x2  }
0x3cf: {  	s0 =	rddreg [dreg:$0x0];
	s2 =	stileid.u32  }
0x3d0: {  	s1 =	rddreg [dreg:$0x1];
	p0 =	sne.s32 s2, $0x0  }
0x3d1: {  	s3 =	rddreg [dreg:$0x2];
	[bflag:$0x3] =	sbarrier.arrive $0xFFFF;
	s2 =	simm.s32 @!p0 $0x1C02  }
0x3d2: {  	[timem:s3], [sflag:s2] =	dma.local @!p0 [hbm:s0], s1  }
0x3d3: {  	s0 =	simm.s32 @!p0 $0x2  }
0x3d4: {  	_ =	swait.ge @!p0 [sflag:s0], s1  }
0x3d5: {  	s1 =	ssub.s32 @!p0 $0x0, s1;
	[sflag:s0] =	ssyncset.done @!p0 $0x0  }
0x3d6: {  	[sflag:s0] =	ssyncadd.s32 @!p0 s1  }
0x3d7: {  	[bflag:$0x3] =	sbarrier.arrive $0xFFFF  }
0x3d8: {  	_ =	shalt  }

</sc_bundles>
